<compile_context>
chip_gen: v7x
topology: tpu7x:2x2x1
jax: 0.10.2.dev20260603
libtpu: 0.0.44.dev20260713+nightly
codegen_flags: <defaults>
</compile_context>

<pallas_src>
import functools
import jax
import jax.numpy as jnp
from jax import lax
from jax.experimental import pallas as pl
from jax.experimental.pallas import tpu as pltpu
from jax.experimental.pallas import tpu_sc as plsc

_E = 64
_ROWS = 1024
_H = 2048

_TSH = 8
_HSH = 4
_HL = _H // _HSH
_TCHUNK = 64


def _router_body(x_ref, wt_ref, rb_ref, meta_ref):
    x = x_ref[...]
    logits = jnp.dot(x, wt_ref[...], preferred_element_type=jnp.float32)
    logits = logits + rb_ref[...]
    idx = lax.broadcasted_iota(jnp.int32, logits.shape, 1)
    ml1 = jnp.max(logits, axis=1, keepdims=True)
    i1 = jnp.min(jnp.where(logits == ml1, idx, _E), axis=1, keepdims=True)
    lm = jnp.where(idx == i1, -jnp.inf, logits)
    ml2 = jnp.max(lm, axis=1, keepdims=True)
    i2 = jnp.min(jnp.where(lm == ml2, idx, _E), axis=1, keepdims=True)
    ex = jnp.exp(logits - ml1)
    r = 1.0 / jnp.sum(ex, axis=1, keepdims=True)
    w1 = jnp.exp(ml2 - ml1) * r
    w0 = r
    ones = jnp.ones((1, 16), jnp.float32)
    meta_ref[...] = jnp.concatenate(
        [(w0 + w1) * ones, w0 * ones, w1 * ones,
         (i1 * _HL).astype(jnp.float32) * ones,
         (i2 * _HL).astype(jnp.float32) * ones], axis=1)


def _router(flat, router_weight, router_bias):
    BS = flat.shape[0]
    wt = router_weight.T
    rb = router_bias.reshape(1, _E)
    return pl.pallas_call(
        _router_body,
        grid=(BS // _ROWS,),
        in_specs=[
            pl.BlockSpec((_ROWS, _H), lambda i: (i, 0)),
            pl.BlockSpec((_H, _E), lambda i: (0, 0)),
            pl.BlockSpec((1, _E), lambda i: (0, 0)),
        ],
        out_specs=pl.BlockSpec((_ROWS, 80), lambda i: (i, 0)),
        out_shape=jax.ShapeDtypeStruct((BS, 80), jnp.float32),
    )(flat, wt, rb)


def _sc_combine(flat, eb, meta):
    BS = flat.shape[0]
    tok_per_w = BS // _TSH
    n_chunks = tok_per_w // _TCHUNK
    mesh = plsc.VectorSubcoreMesh(core_axis_name="c", subcore_axis_name="s")

    @functools.partial(
        pl.kernel, mesh=mesh,
        out_type=jax.ShapeDtypeStruct((BS, _H), jnp.float32),
        scratch_types=[
            pltpu.VMEM((_E * _HL,), jnp.float32),
            pltpu.VMEM((_TCHUNK, _HL), jnp.float32),
            pltpu.VMEM((_TCHUNK, _HL), jnp.float32),
            pltpu.VMEM((_TCHUNK, 80), jnp.float32),
        ],
        compiler_params=pltpu.CompilerParams(needs_layout_passes=False),
    )
    def k(x_hbm, eb_hbm, meta_hbm, out_hbm, ebt, xb, ob, mr):
        wid = lax.axis_index("s") * 2 + lax.axis_index("c")
        tsh = wid // _HSH
        hsh = wid % _HSH
        t0 = tsh * tok_per_w
        c0 = hsh * _HL

        for e in range(_E):
            pltpu.sync_copy(eb_hbm.at[e, pl.ds(c0, _HL)],
                            ebt.at[pl.ds(e * _HL, _HL)])

        iota = lax.iota(jnp.int32, 16)

        def chunk_body(ci, carry):
            tb = t0 + ci * _TCHUNK
            pltpu.sync_copy(x_hbm.at[pl.ds(tb, _TCHUNK), pl.ds(c0, _HL)],
                            xb)
            pltpu.sync_copy(meta_hbm.at[pl.ds(tb, _TCHUNK), :], mr)

            def tok_body(t, carry1):
                ws_s = mr[t, pl.ds(0, 16)]
                w0_s = mr[t, pl.ds(16, 16)]
                w1_s = mr[t, pl.ds(32, 16)]
                b0 = mr[t, pl.ds(48, 16)].astype(jnp.int32) + iota
                b1 = mr[t, pl.ds(64, 16)].astype(jnp.int32) + iota

                def h_body(hb, carry2):
                    h = hb * 16
                    x_v = xb[t, pl.ds(h, 16)]
                    b0_v = plsc.load_gather(ebt, [b0 + h])
                    b1_v = plsc.load_gather(ebt, [b1 + h])
                    ob[t, pl.ds(h, 16)] = (
                        ws_s * x_v + w0_s * b0_v + w1_s * b1_v)
                    return carry2

                lax.fori_loop(0, _HL // 16, h_body, 0, unroll=4)
                return carry1

            lax.fori_loop(0, _TCHUNK, tok_body, 0)

            pltpu.sync_copy(
                ob, out_hbm.at[pl.ds(tb, _TCHUNK), pl.ds(c0, _HL)])
            return carry

        lax.fori_loop(0, n_chunks, chunk_body, 0)

    return k(flat, eb, meta)


def kernel(hidden_states, router_weight, router_bias, expert_bias):
    B, S, H = hidden_states.shape
    BS = B * S
    flat = hidden_states.reshape(BS, H)
    meta = _router(flat, router_weight, router_bias)
    out = _sc_combine(flat, expert_bias, meta)
    return out.reshape(B, S, H)

# --- scband reference (transcript-rebuilt; emitter-appended) ---
"""Pipeline reference for scband-dispatch-combine-only-model-62878321214343 (READ-ONLY COPY).

The authoritative reference and input builder live on the scoring server;
editing this copy changes nothing except your own understanding.
"""

import jax, jax.numpy as jnp
import numpy as np

TOP_K = 2


def setup_inputs(seed: int = 0) -> dict:
    key = jax.random.key(seed)
    k1, k2, k3 = jax.random.split(key, 3)
    B, S, H, E = 2, 4096, 2048, 64
    hidden_states = jax.random.normal(k1, (B, S, H), dtype=jnp.float32)
    router_weight = jax.random.normal(k2, (E, H), dtype=jnp.float32)
    router_bias = jnp.zeros((E,), dtype=jnp.float32)
    expert_bias = jax.random.normal(k3, (E, H), dtype=jnp.float32) * 0.1
    return {
        'hidden_states': hidden_states,
        'router_weight': router_weight,
        'router_bias': router_bias,
        'expert_bias': expert_bias,
    }


def reference(hidden_states, router_weight, router_bias, expert_bias):
    B, S, H = hidden_states.shape
    K = TOP_K
    flat = hidden_states.reshape(B * S, H)
    # Router: linear + softmax + top-k
    logits = flat @ router_weight.T + router_bias
    scores = jax.nn.softmax(logits, axis=-1)
    topk_weights, topk_indices = jax.lax.top_k(scores, K)  # [BS, K]
    # Dispatch/combine pipeline semantics: each token is routed to its top-k
    # experts, gets the per-expert bias added, then routed back and combined
    # with the router weights. Numerically: out = sum_k w_k * (x + bias[e_k]).
    gathered_bias = jnp.take(expert_bias, topk_indices, axis=0)  # [BS, K, H]
    combined = flat[:, None, :] + gathered_bias                   # [BS, K, H]
    output = jnp.sum(combined * topk_weights[:, :, None], axis=1)  # [BS, H]
    return output.reshape(B, S, H)

if __name__ == "__main__":
    import jax
    _d = setup_inputs()
    print(jax.jit(kernel)(*tuple(_d.values())))

</pallas_src>

<mosaic_0001>
#map = affine_map<(d0, d1) -> (0, 0)>
module attributes {stable_mosaic.version = 14 : i64} {
  func.func @k(%arg0: i32, %arg1: i32, %arg2: memref<8192x2048xf32, #tpu.memory_space<hbm>>, %arg3: memref<64x2048xf32, #tpu.memory_space<hbm>>, %arg4: memref<8192x80xf32, #tpu.memory_space<hbm>>, %arg5: memref<8192x2048xf32, #tpu.memory_space<hbm>>, %arg6: memref<32768xf32, #tpu.memory_space<vmem>>, %arg7: memref<64x512xf32, #tpu.memory_space<vmem>>, %arg8: memref<64x512xf32, #tpu.memory_space<vmem>>, %arg9: memref<64x80xf32, #tpu.memory_space<vmem>>) attributes {dimension_semantics = [#tpu.dimension_semantics<core_parallel>, #tpu.dimension_semantics<subcore_parallel>], iteration_bounds = array<i64: 2, 16>, scalar_prefetch = 0 : i64, scratch_operands = 4 : i64, tpu.core_type = #tpu.core_type<sc_vector_subcore>, window_params = [{transform_indices = #map}, {transform_indices = #map}, {transform_indices = #map}, {transform_indices = #map}]} {
    %mul3A = arith.constant 2 : i32
    %mul3A_0 = arith.muli %arg1, %mul3A : i32
    %add3A = arith.addi %mul3A_0, %arg0 : i32
    %jit3A = arith.constant 4 : i32
    %div3A = arith.divsi %add3A, %jit3A : i32
    %sign3A = arith.constant 0 : i32
    %sign3A_1 = arith.cmpi sgt, %add3A, %sign3A : i32
    %sign3A_2 = arith.extui %sign3A_1 : i1 to i32
    %sign3A_3 = arith.constant 0 : i32
    %sign3A_4 = arith.cmpi slt, %add3A, %sign3A_3 : i32
    %sign3A_5 = arith.extui %sign3A_4 : i1 to i32
    %sign3A_6 = arith.subi %sign3A_2, %sign3A_5 : i32
    %sign3A_7 = arith.constant 0 : i32
    %sign3A_8 = arith.cmpi sgt, %jit3A, %sign3A_7 : i32
    %sign3A_9 = arith.extui %sign3A_8 : i1 to i32
    %sign3A_10 = arith.constant 0 : i32
    %sign3A_11 = arith.cmpi slt, %jit3A, %sign3A_10 : i32
    %sign3A_12 = arith.extui %sign3A_11 : i1 to i32
    %sign3A_13 = arith.subi %sign3A_9, %sign3A_12 : i32
    %ne3A = arith.cmpi ne, %sign3A_6, %sign3A_13 : i32
    %rem3A = arith.remsi %add3A, %jit3A : i32
    %ne3A_14 = arith.constant 0 : i32
    %ne3A_15 = arith.cmpi ne, %rem3A, %ne3A_14 : i32
    %and3A = arith.andi %ne3A, %ne3A_15 : i1
    %sub3A = arith.constant 1 : i32
    %sub3A_16 = arith.subi %div3A, %sub3A : i32
    %select_n3A = arith.select %and3A, %sub3A_16, %div3A : i32
    %jit3A_17 = arith.constant 4 : i32
    %eq3A = arith.constant 0 : i32
    %eq3A_18 = arith.cmpi eq, %jit3A_17, %eq3A : i32
    %jit3A_19 = arith.constant 1 : i32
    %select_n3A_20 = arith.select %eq3A_18, %jit3A_19, %jit3A_17 : i32
    %rem3A_21 = arith.remsi %add3A, %select_n3A_20 : i32
    %ne3A_22 = arith.constant 0 : i32
    %ne3A_23 = arith.cmpi ne, %rem3A_21, %ne3A_22 : i32
    %lt3A = arith.constant 0 : i32
    %lt3A_24 = arith.cmpi slt, %rem3A_21, %lt3A : i32
    %lt3A_25 = arith.constant 0 : i32
    %lt3A_26 = arith.cmpi slt, %select_n3A_20, %lt3A_25 : i32
    %ne3A_27 = arith.xori %lt3A_24, %lt3A_26 : i1
    %and3A_28 = arith.andi %ne3A_27, %ne3A_23 : i1
    %add3A_29 = arith.addi %rem3A_21, %select_n3A_20 : i32
    %select_n3A_30 = arith.select %and3A_28, %add3A_29, %rem3A_21 : i32
    %mul3A_31 = arith.constant 1024 : i32
    %mul3A_32 = arith.muli %select_n3A, %mul3A_31 : i32
    %mul3A_33 = arith.constant 512 : i32
    %mul3A_34 = arith.muli %select_n3A_30, %mul3A_33 : i32
    %run_scoped3A = arith.constant 0 : i32
    "tpu.region"() ({
      %run_scoped3A_103 = tpu.sem_alloc : memref<!tpu.dma_semaphore, #tpu.memory_space<semaphore_mem>>
      %dma_start3A = arith.constant 0 : i32
      %dma_start3A_104 = tpu.memref_slice %arg6[%dma_start3A] : memref<32768xf32, #tpu.memory_space<vmem>> -> memref<512xf32, #tpu.memory_space<vmem>>
      %dma_start3A_105 = tpu.memref_slice %arg3[%run_scoped3A, %mul3A_34] : memref<64x2048xf32, #tpu.memory_space<hbm>> -> memref<1x512xf32, #tpu.memory_space<hbm>>
      %dma_start3A_106 = tpu.memref_squeeze %dma_start3A_105 : memref<1x512xf32, #tpu.memory_space<hbm>> -> memref<512xf32, #tpu.memory_space<hbm>>
      %dma_start3A_107 = arith.constant 0 : i32
      %dma_start3A_108 = tpu.memref_slice %arg6[%dma_start3A_107] : memref<32768xf32, #tpu.memory_space<vmem>> -> memref<512xf32, #tpu.memory_space<vmem>>
      %dma_start3A_109 = tpu.memref_slice %arg3[%run_scoped3A, %mul3A_34] : memref<64x2048xf32, #tpu.memory_space<hbm>> -> memref<1x512xf32, #tpu.memory_space<hbm>>
      %dma_start3A_110 = tpu.memref_squeeze %dma_start3A_109 : memref<1x512xf32, #tpu.memory_space<hbm>> -> memref<512xf32, #tpu.memory_space<hbm>>
      tpu.enqueue_dma source(%dma_start3A_110 : memref<512xf32, #tpu.memory_space<hbm>>) target(%dma_start3A_108 : memref<512xf32, #tpu.memory_space<vmem>>) target_semaphore(%run_scoped3A_103 : memref<!tpu.dma_semaphore, #tpu.memory_space<semaphore_mem>>)
      %dma_wait3A = arith.constant 0 : i32
      %dma_wait3A_111 = tpu.memref_slice %arg6[%dma_wait3A] : memref<32768xf32, #tpu.memory_space<vmem>> -> memref<512xf32, #tpu.memory_space<vmem>>
      %dma_wait3A_112 = tpu.memref_slice %arg3[%run_scoped3A, %mul3A_34] : memref<64x2048xf32, #tpu.memory_space<hbm>> -> memref<1x512xf32, #tpu.memory_space<hbm>>
      %dma_wait3A_113 = tpu.memref_squeeze %dma_wait3A_112 : memref<1x512xf32, #tpu.memory_space<hbm>> -> memref<512xf32, #tpu.memory_space<hbm>>
      %dma_wait3A_114 = arith.constant 0 : i32
      %dma_wait3A_115 = tpu.memref_slice %arg6[%dma_wait3A_114] : memref<32768xf32, #tpu.memory_space<vmem>> -> memref<512xf32, #tpu.memory_space<vmem>>
      %dma_wait3A_116 = tpu.memref_slice %arg3[%run_scoped3A, %mul3A_34] : memref<64x2048xf32, #tpu.memory_space<hbm>> -> memref<1x512xf32, #tpu.memory_space<hbm>>
      %dma_wait3A_117 = tpu.memref_squeeze %dma_wait3A_116 : memref<1x512xf32, #tpu.memory_space<hbm>> -> memref<512xf32, #tpu.memory_space<hbm>>
      tpu.wait_dma2 semaphore(%run_scoped3A_103 : memref<!tpu.dma_semaphore, #tpu.memory_space<semaphore_mem>>) src(%dma_wait3A_117 : memref<512xf32, #tpu.memory_space<hbm>>) dst(%dma_wait3A_115 : memref<512xf32, #tpu.memory_space<vmem>>)
      tpu.yield
    }) : () -> ()
    %run_scoped3A_35 = arith.constant 1 : i32
    "tpu.region"() ({
      %run_scoped3A_103 = tpu.sem_alloc : memref<!tpu.dma_semaphore, #tpu.memory_space<semaphore_mem>>
      %dma_start3A = arith.constant 512 : i32
      %dma_start3A_104 = tpu.memref_slice %arg6[%dma_start3A] : memref<32768xf32, #tpu.memory_space<vmem>> -> memref<512xf32, #tpu.memory_space<vmem>>
      %dma_start3A_105 = tpu.memref_slice %arg3[%run_scoped3A_35, %mul3A_34] : memref<64x2048xf32, #tpu.memory_space<hbm>> -> memref<1x512xf32, #tpu.memory_space<hbm>>
      %dma_start3A_106 = tpu.memref_squeeze %dma_start3A_105 : memref<1x512xf32, #tpu.memory_space<hbm>> -> memref<512xf32, #tpu.memory_space<hbm>>
      %dma_start3A_107 = arith.constant 512 : i32
      %dma_start3A_108 = tpu.memref_slice %arg6[%dma_start3A_107] : memref<32768xf32, #tpu.memory_space<vmem>> -> memref<512xf32, #tpu.memory_space<vmem>>
      %dma_start3A_109 = tpu.memref_slice %arg3[%run_scoped3A_35, %mul3A_34] : memref<64x2048xf32, #tpu.memory_space<hbm>> -> memref<1x512xf32, #tpu.memory_space<hbm>>
      %dma_start3A_110 = tpu.memref_squeeze %dma_start3A_109 : memref<1x512xf32, #tpu.memory_space<hbm>> -> memref<512xf32, #tpu.memory_space<hbm>>
      tpu.enqueue_dma source(%dma_start3A_110 : memref<512xf32, #tpu.memory_space<hbm>>) target(%dma_start3A_108 : memref<512xf32, #tpu.memory_space<vmem>>) target_semaphore(%run_scoped3A_103 : memref<!tpu.dma_semaphore, #tpu.memory_space<semaphore_mem>>)
      %dma_wait3A = arith.constant 512 : i32
      %dma_wait3A_111 = tpu.memref_slice %arg6[%dma_wait3A] : memref<32768xf32, #tpu.memory_space<vmem>> -> memref<512xf32, #tpu.memory_space<vmem>>
      %dma_wait3A_112 = tpu.memref_slice %arg3[%run_scoped3A_35, %mul3A_34] : memref<64x2048xf32, #tpu.memory_space<hbm>> -> memref<1x512xf32, #tpu.memory_space<hbm>>
      %dma_wait3A_113 = tpu.memref_squeeze %dma_wait3A_112 : memref<1x512xf32, #tpu.memory_space<hbm>> -> memref<512xf32, #tpu.memory_space<hbm>>
      %dma_wait3A_114 = arith.constant 512 : i32
      %dma_wait3A_115 = tpu.memref_slice %arg6[%dma_wait3A_114] : memref<32768xf32, #tpu.memory_space<vmem>> -> memref<512xf32, #tpu.memory_space<vmem>>
      %dma_wait3A_116 = tpu.memref_slice %arg3[%run_scoped3A_35, %mul3A_34] : memref<64x2048xf32, #tpu.memory_space<hbm>> -> memref<1x512xf32, #tpu.memory_space<hbm>>
      %dma_wait3A_117 = tpu.memref_squeeze %dma_wait3A_116 : memref<1x512xf32, #tpu.memory_space<hbm>> -> memref<512xf32, #tpu.memory_space<hbm>>
      tpu.wait_dma2 semaphore(%run_scoped3A_103 : memref<!tpu.dma_semaphore, #tpu.memory_space<semaphore_mem>>) src(%dma_wait3A_117 : memref<512xf32, #tpu.memory_space<hbm>>) dst(%dma_wait3A_115 : memref<512xf32, #tpu.memory_space<vmem>>)
      tpu.yield
    }) : () -> ()
    %run_scoped3A_36 = arith.constant 2 : i32
    "tpu.region"() ({
      %run_scoped3A_103 = tpu.sem_alloc : memref<!tpu.dma_semaphore, #tpu.memory_space<semaphore_mem>>
      %dma_start3A = arith.constant 1024 : i32
      %dma_start3A_104 = tpu.memref_slice %arg6[%dma_start3A] : memref<32768xf32, #tpu.memory_space<vmem>> -> memref<512xf32, #tpu.memory_space<vmem>>
      %dma_start3A_105 = tpu.memref_slice %arg3[%run_scoped3A_36, %mul3A_34] : memref<64x2048xf32, #tpu.memory_space<hbm>> -> memref<1x512xf32, #tpu.memory_space<hbm>>
      %dma_start3A_106 = tpu.memref_squeeze %dma_start3A_105 : memref<1x512xf32, #tpu.memory_space<hbm>> -> memref<512xf32, #tpu.memory_space<hbm>>
      %dma_start3A_107 = arith.constant 1024 : i32
      %dma_start3A_108 = tpu.memref_slice %arg6[%dma_start3A_107] : memref<32768xf32, #tpu.memory_space<vmem>> -> memref<512xf32, #tpu.memory_space<vmem>>
      %dma_start3A_109 = tpu.memref_slice %arg3[%run_scoped3A_36, %mul3A_34] : memref<64x2048xf32, #tpu.memory_space<hbm>> -> memref<1x512xf32, #tpu.memory_space<hbm>>
      %dma_start3A_110 = tpu.memref_squeeze %dma_start3A_109 : memref<1x512xf32, #tpu.memory_space<hbm>> -> memref<512xf32, #tpu.memory_space<hbm>>
      tpu.enqueue_dma source(%dma_start3A_110 : memref<512xf32, #tpu.memory_space<hbm>>) target(%dma_start3A_108 : memref<512xf32, #tpu.memory_space<vmem>>) target_semaphore(%run_scoped3A_103 : memref<!tpu.dma_semaphore, #tpu.memory_space<semaphore_mem>>)
      %dma_wait3A = arith.constant 1024 : i32
      %dma_wait3A_111 = tpu.memref_slice %arg6[%dma_wait3A] : memref<32768xf32, #tpu.memory_space<vmem>> -> memref<512xf32, #tpu.memory_space<vmem>>
      %dma_wait3A_112 = tpu.memref_slice %arg3[%run_scoped3A_36, %mul3A_34] : memref<64x2048xf32, #tpu.memory_space<hbm>> -> memref<1x512xf32, #tpu.memory_space<hbm>>
      %dma_wait3A_113 = tpu.memref_squeeze %dma_wait3A_112 : memref<1x512xf32, #tpu.memory_space<hbm>> -> memref<512xf32, #tpu.memory_space<hbm>>
      %dma_wait3A_114 = arith.constant 1024 : i32
      %dma_wait3A_115 = tpu.memref_slice %arg6[%dma_wait3A_114] : memref<32768xf32, #tpu.memory_space<vmem>> -> memref<512xf32, #tpu.memory_space<vmem>>
      %dma_wait3A_116 = tpu.memref_slice %arg3[%run_scoped3A_36, %mul3A_34] : memref<64x2048xf32, #tpu.memory_space<hbm>> -> memref<1x512xf32, #tpu.memory_space<hbm>>
      %dma_wait3A_117 = tpu.memref_squeeze %dma_wait3A_116 : memref<1x512xf32, #tpu.memory_space<hbm>> -> memref<512xf32, #tpu.memory_space<hbm>>
      tpu.wait_dma2 semaphore(%run_scoped3A_103 : memref<!tpu.dma_semaphore, #tpu.memory_space<semaphore_mem>>) src(%dma_wait3A_117 : memref<512xf32, #tpu.memory_space<hbm>>) dst(%dma_wait3A_115 : memref<512xf32, #tpu.memory_space<vmem>>)
      tpu.yield
    }) : () -> ()
    %run_scoped3A_37 = arith.constant 3 : i32
    "tpu.region"() ({
      %run_scoped3A_103 = tpu.sem_alloc : memref<!tpu.dma_semaphore, #tpu.memory_space<semaphore_mem>>
      %dma_start3A = arith.constant 1536 : i32
      %dma_start3A_104 = tpu.memref_slice %arg6[%dma_start3A] : memref<32768xf32, #tpu.memory_space<vmem>> -> memref<512xf32, #tpu.memory_space<vmem>>
      %dma_start3A_105 = tpu.memref_slice %arg3[%run_scoped3A_37, %mul3A_34] : memref<64x2048xf32, #tpu.memory_space<hbm>> -> memref<1x512xf32, #tpu.memory_space<hbm>>
      %dma_start3A_106 = tpu.memref_squeeze %dma_start3A_105 : memref<1x512xf32, #tpu.memory_space<hbm>> -> memref<512xf32, #tpu.memory_space<hbm>>
      %dma_start3A_107 = arith.constant 1536 : i32
      %dma_start3A_108 = tpu.memref_slice %arg6[%dma_start3A_107] : memref<32768xf32, #tpu.memory_space<vmem>> -> memref<512xf32, #tpu.memory_space<vmem>>
      %dma_start3A_109 = tpu.memref_slice %arg3[%run_scoped3A_37, %mul3A_34] : memref<64x2048xf32, #tpu.memory_space<hbm>> -> memref<1x512xf32, #tpu.memory_space<hbm>>
      %dma_start3A_110 = tpu.memref_squeeze %dma_start3A_109 : memref<1x512xf32, #tpu.memory_space<hbm>> -> memref<512xf32, #tpu.memory_space<hbm>>
      tpu.enqueue_dma source(%dma_start3A_110 : memref<512xf32, #tpu.memory_space<hbm>>) target(%dma_start3A_108 : memref<512xf32, #tpu.memory_space<vmem>>) target_semaphore(%run_scoped3A_103 : memref<!tpu.dma_semaphore, #tpu.memory_space<semaphore_mem>>)
      %dma_wait3A = arith.constant 1536 : i32
      %dma_wait3A_111 = tpu.memref_slice %arg6[%dma_wait3A] : memref<32768xf32, #tpu.memory_space<vmem>> -> memref<512xf32, #tpu.memory_space<vmem>>
      %dma_wait3A_112 = tpu.memref_slice %arg3[%run_scoped3A_37, %mul3A_34] : memref<64x2048xf32, #tpu.memory_space<hbm>> -> memref<1x512xf32, #tpu.memory_space<hbm>>
      %dma_wait3A_113 = tpu.memref_squeeze %dma_wait3A_112 : memref<1x512xf32, #tpu.memory_space<hbm>> -> memref<512xf32, #tpu.memory_space<hbm>>
      %dma_wait3A_114 = arith.constant 1536 : i32
      %dma_wait3A_115 = tpu.memref_slice %arg6[%dma_wait3A_114] : memref<32768xf32, #tpu.memory_space<vmem>> -> memref<512xf32, #tpu.memory_space<vmem>>
      %dma_wait3A_116 = tpu.memref_slice %arg3[%run_scoped3A_37, %mul3A_34] : memref<64x2048xf32, #tpu.memory_space<hbm>> -> memref<1x512xf32, #tpu.memory_space<hbm>>
      %dma_wait3A_117 = tpu.memref_squeeze %dma_wait3A_116 : memref<1x512xf32, #tpu.memory_space<hbm>> -> memref<512xf32, #tpu.memory_space<hbm>>
      tpu.wait_dma2 semaphore(%run_scoped3A_103 : memref<!tpu.dma_semaphore, #tpu.memory_space<semaphore_mem>>) src(%dma_wait3A_117 : memref<512xf32, #tpu.memory_space<hbm>>) dst(%dma_wait3A_115 : memref<512xf32, #tpu.memory_space<vmem>>)
      tpu.yield
    }) : () -> ()
    %run_scoped3A_38 = arith.constant 4 : i32
    "tpu.region"() ({
      %run_scoped3A_103 = tpu.sem_alloc : memref<!tpu.dma_semaphore, #tpu.memory_space<semaphore_mem>>
      %dma_start3A = arith.constant 2048 : i32
      %dma_start3A_104 = tpu.memref_slice %arg6[%dma_start3A] : memref<32768xf32, #tpu.memory_space<vmem>> -> memref<512xf32, #tpu.memory_space<vmem>>
      %dma_start3A_105 = tpu.memref_slice %arg3[%run_scoped3A_38, %mul3A_34] : memref<64x2048xf32, #tpu.memory_space<hbm>> -> memref<1x512xf32, #tpu.memory_space<hbm>>
      %dma_start3A_106 = tpu.memref_squeeze %dma_start3A_105 : memref<1x512xf32, #tpu.memory_space<hbm>> -> memref<512xf32, #tpu.memory_space<hbm>>
      %dma_start3A_107 = arith.constant 2048 : i32
      %dma_start3A_108 = tpu.memref_slice %arg6[%dma_start3A_107] : memref<32768xf32, #tpu.memory_space<vmem>> -> memref<512xf32, #tpu.memory_space<vmem>>
      %dma_start3A_109 = tpu.memref_slice %arg3[%run_scoped3A_38, %mul3A_34] : memref<64x2048xf32, #tpu.memory_space<hbm>> -> memref<1x512xf32, #tpu.memory_space<hbm>>
      %dma_start3A_110 = tpu.memref_squeeze %dma_start3A_109 : memref<1x512xf32, #tpu.memory_space<hbm>> -> memref<512xf32, #tpu.memory_space<hbm>>
      tpu.enqueue_dma source(%dma_start3A_110 : memref<512xf32, #tpu.memory_space<hbm>>) target(%dma_start3A_108 : memref<512xf32, #tpu.memory_space<vmem>>) target_semaphore(%run_scoped3A_103 : memref<!tpu.dma_semaphore, #tpu.memory_space<semaphore_mem>>)
      %dma_wait3A = arith.constant 2048 : i32
      %dma_wait3A_111 = tpu.memref_slice %arg6[%dma_wait3A] : memref<32768xf32, #tpu.memory_space<vmem>> -> memref<512xf32, #tpu.memory_space<vmem>>
      %dma_wait3A_112 = tpu.memref_slice %arg3[%run_scoped3A_38, %mul3A_34] : memref<64x2048xf32, #tpu.memory_space<hbm>> -> memref<1x512xf32, #tpu.memory_space<hbm>>
      %dma_wait3A_113 = tpu.memref_squeeze %dma_wait3A_112 : memref<1x512xf32, #tpu.memory_space<hbm>> -> memref<512xf32, #tpu.memory_space<hbm>>
      %dma_wait3A_114 = arith.constant 2048 : i32
      %dma_wait3A_115 = tpu.memref_slice %arg6[%dma_wait3A_114] : memref<32768xf32, #tpu.memory_space<vmem>> -> memref<512xf32, #tpu.memory_space<vmem>>
      %dma_wait3A_116 = tpu.memref_slice %arg3[%run_scoped3A_38, %mul3A_34] : memref<64x2048xf32, #tpu.memory_space<hbm>> -> memref<1x512xf32, #tpu.memory_space<hbm>>
      %dma_wait3A_117 = tpu.memref_squeeze %dma_wait3A_116 : memref<1x512xf32, #tpu.memory_space<hbm>> -> memref<512xf32, #tpu.memory_space<hbm>>
      tpu.wait_dma2 semaphore(%run_scoped3A_103 : memref<!tpu.dma_semaphore, #tpu.memory_space<semaphore_mem>>) src(%dma_wait3A_117 : memref<512xf32, #tpu.memory_space<hbm>>) dst(%dma_wait3A_115 : memref<512xf32, #tpu.memory_space<vmem>>)
      tpu.yield
    }) : () -> ()
    %run_scoped3A_39 = arith.constant 5 : i32
    "tpu.region"() ({
      %run_scoped3A_103 = tpu.sem_alloc : memref<!tpu.dma_semaphore, #tpu.memory_space<semaphore_mem>>
      %dma_start3A = arith.constant 2560 : i32
      %dma_start3A_104 = tpu.memref_slice %arg6[%dma_start3A] : memref<32768xf32, #tpu.memory_space<vmem>> -> memref<512xf32, #tpu.memory_space<vmem>>
      %dma_start3A_105 = tpu.memref_slice %arg3[%run_scoped3A_39, %mul3A_34] : memref<64x2048xf32, #tpu.memory_space<hbm>> -> memref<1x512xf32, #tpu.memory_space<hbm>>
      %dma_start3A_106 = tpu.memref_squeeze %dma_start3A_105 : memref<1x512xf32, #tpu.memory_space<hbm>> -> memref<512xf32, #tpu.memory_space<hbm>>
      %dma_start3A_107 = arith.constant 2560 : i32
      %dma_start3A_108 = tpu.memref_slice %arg6[%dma_start3A_107] : memref<32768xf32, #tpu.memory_space<vmem>> -> memref<512xf32, #tpu.memory_space<vmem>>
      %dma_start3A_109 = tpu.memref_slice %arg3[%run_scoped3A_39, %mul3A_34] : memref<64x2048xf32, #tpu.memory_space<hbm>> -> memref<1x512xf32, #tpu.memory_space<hbm>>
      %dma_start3A_110 = tpu.memref_squeeze %dma_start3A_109 : memref<1x512xf32, #tpu.memory_space<hbm>> -> memref<512xf32, #tpu.memory_space<hbm>>
      tpu.enqueue_dma source(%dma_start3A_110 : memref<512xf32, #tpu.memory_space<hbm>>) target(%dma_start3A_108 : memref<512xf32, #tpu.memory_space<vmem>>) target_semaphore(%run_scoped3A_103 : memref<!tpu.dma_semaphore, #tpu.memory_space<semaphore_mem>>)
      %dma_wait3A = arith.constant 2560 : i32
      %dma_wait3A_111 = tpu.memref_slice %arg6[%dma_wait3A] : memref<32768xf32, #tpu.memory_space<vmem>> -> memref<512xf32, #tpu.memory_space<vmem>>
      %dma_wait3A_112 = tpu.memref_slice %arg3[%run_scoped3A_39, %mul3A_34] : memref<64x2048xf32, #tpu.memory_space<hbm>> -> memref<1x512xf32, #tpu.memory_space<hbm>>
      %dma_wait3A_113 = tpu.memref_squeeze %dma_wait3A_112 : memref<1x512xf32, #tpu.memory_space<hbm>> -> memref<512xf32, #tpu.memory_space<hbm>>
      %dma_wait3A_114 = arith.constant 2560 : i32
      %dma_wait3A_115 = tpu.memref_slice %arg6[%dma_wait3A_114] : memref<32768xf32, #tpu.memory_space<vmem>> -> memref<512xf32, #tpu.memory_space<vmem>>
      %dma_wait3A_116 = tpu.memref_slice %arg3[%run_scoped3A_39, %mul3A_34] : memref<64x2048xf32, #tpu.memory_space<hbm>> -> memref<1x512xf32, #tpu.memory_space<hbm>>
      %dma_wait3A_117 = tpu.memref_squeeze %dma_wait3A_116 : memref<1x512xf32, #tpu.memory_space<hbm>> -> memref<512xf32, #tpu.memory_space<hbm>>
      tpu.wait_dma2 semaphore(%run_scoped3A_103 : memref<!tpu.dma_semaphore, #tpu.memory_space<semaphore_mem>>) src(%dma_wait3A_117 : memref<512xf32, #tpu.memory_space<hbm>>) dst(%dma_wait3A_115 : memref<512xf32, #tpu.memory_space<vmem>>)
      tpu.yield
    }) : () -> ()
    %run_scoped3A_40 = arith.constant 6 : i32
    "tpu.region"() ({
      %run_scoped3A_103 = tpu.sem_alloc : memref<!tpu.dma_semaphore, #tpu.memory_space<semaphore_mem>>
      %dma_start3A = arith.constant 3072 : i32
      %dma_start3A_104 = tpu.memref_slice %arg6[%dma_start3A] : memref<32768xf32, #tpu.memory_space<vmem>> -> memref<512xf32, #tpu.memory_space<vmem>>
      %dma_start3A_105 = tpu.memref_slice %arg3[%run_scoped3A_40, %mul3A_34] : memref<64x2048xf32, #tpu.memory_space<hbm>> -> memref<1x512xf32, #tpu.memory_space<hbm>>
      %dma_start3A_106 = tpu.memref_squeeze %dma_start3A_105 : memref<1x512xf32, #tpu.memory_space<hbm>> -> memref<512xf32, #tpu.memory_space<hbm>>
      %dma_start3A_107 = arith.constant 3072 : i32
      %dma_start3A_108 = tpu.memref_slice %arg6[%dma_start3A_107] : memref<32768xf32, #tpu.memory_space<vmem>> -> memref<512xf32, #tpu.memory_space<vmem>>
      %dma_start3A_109 = tpu.memref_slice %arg3[%run_scoped3A_40, %mul3A_34] : memref<64x2048xf32, #tpu.memory_space<hbm>> -> memref<1x512xf32, #tpu.memory_space<hbm>>
      %dma_start3A_110 = tpu.memref_squeeze %dma_start3A_109 : memref<1x512xf32, #tpu.memory_space<hbm>> -> memref<512xf32, #tpu.memory_space<hbm>>
      tpu.enqueue_dma source(%dma_start3A_110 : memref<512xf32, #tpu.memory_space<hbm>>) target(%dma_start3A_108 : memref<512xf32, #tpu.memory_space<vmem>>) target_semaphore(%run_scoped3A_103 : memref<!tpu.dma_semaphore, #tpu.memory_space<semaphore_mem>>)
      %dma_wait3A = arith.constant 3072 : i32
      %dma_wait3A_111 = tpu.memref_slice %arg6[%dma_wait3A] : memref<32768xf32, #tpu.memory_space<vmem>> -> memref<512xf32, #tpu.memory_space<vmem>>
      %dma_wait3A_112 = tpu.memref_slice %arg3[%run_scoped3A_40, %mul3A_34] : memref<64x2048xf32, #tpu.memory_space<hbm>> -> memref<1x512xf32, #tpu.memory_space<hbm>>
      %dma_wait3A_113 = tpu.memref_squeeze %dma_wait3A_112 : memref<1x512xf32, #tpu.memory_space<hbm>> -> memref<512xf32, #tpu.memory_space<hbm>>
      %dma_wait3A_114 = arith.constant 3072 : i32
      %dma_wait3A_115 = tpu.memref_slice %arg6[%dma_wait3A_114] : memref<32768xf32, #tpu.memory_space<vmem>> -> memref<512xf32, #tpu.memory_space<vmem>>
      %dma_wait3A_116 = tpu.memref_slice %arg3[%run_scoped3A_40, %mul3A_34] : memref<64x2048xf32, #tpu.memory_space<hbm>> -> memref<1x512xf32, #tpu.memory_space<hbm>>
      %dma_wait3A_117 = tpu.memref_squeeze %dma_wait3A_116 : memref<1x512xf32, #tpu.memory_space<hbm>> -> memref<512xf32, #tpu.memory_space<hbm>>
      tpu.wait_dma2 semaphore(%run_scoped3A_103 : memref<!tpu.dma_semaphore, #tpu.memory_space<semaphore_mem>>) src(%dma_wait3A_117 : memref<512xf32, #tpu.memory_space<hbm>>) dst(%dma_wait3A_115 : memref<512xf32, #tpu.memory_space<vmem>>)
      tpu.yield
    }) : () -> ()
    %run_scoped3A_41 = arith.constant 7 : i32
    "tpu.region"() ({
      %run_scoped3A_103 = tpu.sem_alloc : memref<!tpu.dma_semaphore, #tpu.memory_space<semaphore_mem>>
      %dma_start3A = arith.constant 3584 : i32
      %dma_start3A_104 = tpu.memref_slice %arg6[%dma_start3A] : memref<32768xf32, #tpu.memory_space<vmem>> -> memref<512xf32, #tpu.memory_space<vmem>>
      %dma_start3A_105 = tpu.memref_slice %arg3[%run_scoped3A_41, %mul3A_34] : memref<64x2048xf32, #tpu.memory_space<hbm>> -> memref<1x512xf32, #tpu.memory_space<hbm>>
      %dma_start3A_106 = tpu.memref_squeeze %dma_start3A_105 : memref<1x512xf32, #tpu.memory_space<hbm>> -> memref<512xf32, #tpu.memory_space<hbm>>
      %dma_start3A_107 = arith.constant 3584 : i32
      %dma_start3A_108 = tpu.memref_slice %arg6[%dma_start3A_107] : memref<32768xf32, #tpu.memory_space<vmem>> -> memref<512xf32, #tpu.memory_space<vmem>>
      %dma_start3A_109 = tpu.memref_slice %arg3[%run_scoped3A_41, %mul3A_34] : memref<64x2048xf32, #tpu.memory_space<hbm>> -> memref<1x512xf32, #tpu.memory_space<hbm>>
      %dma_start3A_110 = tpu.memref_squeeze %dma_start3A_109 : memref<1x512xf32, #tpu.memory_space<hbm>> -> memref<512xf32, #tpu.memory_space<hbm>>
      tpu.enqueue_dma source(%dma_start3A_110 : memref<512xf32, #tpu.memory_space<hbm>>) target(%dma_start3A_108 : memref<512xf32, #tpu.memory_space<vmem>>) target_semaphore(%run_scoped3A_103 : memref<!tpu.dma_semaphore, #tpu.memory_space<semaphore_mem>>)
      %dma_wait3A = arith.constant 3584 : i32
      %dma_wait3A_111 = tpu.memref_slice %arg6[%dma_wait3A] : memref<32768xf32, #tpu.memory_space<vmem>> -> memref<512xf32, #tpu.memory_space<vmem>>
      %dma_wait3A_112 = tpu.memref_slice %arg3[%run_scoped3A_41, %mul3A_34] : memref<64x2048xf32, #tpu.memory_space<hbm>> -> memref<1x512xf32, #tpu.memory_space<hbm>>
      %dma_wait3A_113 = tpu.memref_squeeze %dma_wait3A_112 : memref<1x512xf32, #tpu.memory_space<hbm>> -> memref<512xf32, #tpu.memory_space<hbm>>
      %dma_wait3A_114 = arith.constant 3584 : i32
      %dma_wait3A_115 = tpu.memref_slice %arg6[%dma_wait3A_114] : memref<32768xf32, #tpu.memory_space<vmem>> -> memref<512xf32, #tpu.memory_space<vmem>>
      %dma_wait3A_116 = tpu.memref_slice %arg3[%run_scoped3A_41, %mul3A_34] : memref<64x2048xf32, #tpu.memory_space<hbm>> -> memref<1x512xf32, #tpu.memory_space<hbm>>
      %dma_wait3A_117 = tpu.memref_squeeze %dma_wait3A_116 : memref<1x512xf32, #tpu.memory_space<hbm>> -> memref<512xf32, #tpu.memory_space<hbm>>
      tpu.wait_dma2 semaphore(%run_scoped3A_103 : memref<!tpu.dma_semaphore, #tpu.memory_space<semaphore_mem>>) src(%dma_wait3A_117 : memref<512xf32, #tpu.memory_space<hbm>>) dst(%dma_wait3A_115 : memref<512xf32, #tpu.memory_space<vmem>>)
      tpu.yield
    }) : () -> ()
    %run_scoped3A_42 = arith.constant 8 : i32
    "tpu.region"() ({
      %run_scoped3A_103 = tpu.sem_alloc : memref<!tpu.dma_semaphore, #tpu.memory_space<semaphore_mem>>
      %dma_start3A = arith.constant 4096 : i32
      %dma_start3A_104 = tpu.memref_slice %arg6[%dma_start3A] : memref<32768xf32, #tpu.memory_space<vmem>> -> memref<512xf32, #tpu.memory_space<vmem>>
      %dma_start3A_105 = tpu.memref_slice %arg3[%run_scoped3A_42, %mul3A_34] : memref<64x2048xf32, #tpu.memory_space<hbm>> -> memref<1x512xf32, #tpu.memory_space<hbm>>
      %dma_start3A_106 = tpu.memref_squeeze %dma_start3A_105 : memref<1x512xf32, #tpu.memory_space<hbm>> -> memref<512xf32, #tpu.memory_space<hbm>>
      %dma_start3A_107 = arith.constant 4096 : i32
      %dma_start3A_108 = tpu.memref_slice %arg6[%dma_start3A_107] : memref<32768xf32, #tpu.memory_space<vmem>> -> memref<512xf32, #tpu.memory_space<vmem>>
      %dma_start3A_109 = tpu.memref_slice %arg3[%run_scoped3A_42, %mul3A_34] : memref<64x2048xf32, #tpu.memory_space<hbm>> -> memref<1x512xf32, #tpu.memory_space<hbm>>
      %dma_start3A_110 = tpu.memref_squeeze %dma_start3A_109 : memref<1x512xf32, #tpu.memory_space<hbm>> -> memref<512xf32, #tpu.memory_space<hbm>>
      tpu.enqueue_dma source(%dma_start3A_110 : memref<512xf32, #tpu.memory_space<hbm>>) target(%dma_start3A_108 : memref<512xf32, #tpu.memory_space<vmem>>) target_semaphore(%run_scoped3A_103 : memref<!tpu.dma_semaphore, #tpu.memory_space<semaphore_mem>>)
      %dma_wait3A = arith.constant 4096 : i32
      %dma_wait3A_111 = tpu.memref_slice %arg6[%dma_wait3A] : memref<32768xf32, #tpu.memory_space<vmem>> -> memref<512xf32, #tpu.memory_space<vmem>>
      %dma_wait3A_112 = tpu.memref_slice %arg3[%run_scoped3A_42, %mul3A_34] : memref<64x2048xf32, #tpu.memory_space<hbm>> -> memref<1x512xf32, #tpu.memory_space<hbm>>
      %dma_wait3A_113 = tpu.memref_squeeze %dma_wait3A_112 : memref<1x512xf32, #tpu.memory_space<hbm>> -> memref<512xf32, #tpu.memory_space<hbm>>
      %dma_wait3A_114 = arith.constant 4096 : i32
      %dma_wait3A_115 = tpu.memref_slice %arg6[%dma_wait3A_114] : memref<32768xf32, #tpu.memory_space<vmem>> -> memref<512xf32, #tpu.memory_space<vmem>>
      %dma_wait3A_116 = tpu.memref_slice %arg3[%run_scoped3A_42, %mul3A_34] : memref<64x2048xf32, #tpu.memory_space<hbm>> -> memref<1x512xf32, #tpu.memory_space<hbm>>
      %dma_wait3A_117 = tpu.memref_squeeze %dma_wait3A_116 : memref<1x512xf32, #tpu.memory_space<hbm>> -> memref<512xf32, #tpu.memory_space<hbm>>
      tpu.wait_dma2 semaphore(%run_scoped3A_103 : memref<!tpu.dma_semaphore, #tpu.memory_space<semaphore_mem>>) src(%dma_wait3A_117 : memref<512xf32, #tpu.memory_space<hbm>>) dst(%dma_wait3A_115 : memref<512xf32, #tpu.memory_space<vmem>>)
      tpu.yield
    }) : () -> ()
    %run_scoped3A_43 = arith.constant 9 : i32
    "tpu.region"() ({
      %run_scoped3A_103 = tpu.sem_alloc : memref<!tpu.dma_semaphore, #tpu.memory_space<semaphore_mem>>
      %dma_start3A = arith.constant 4608 : i32
      %dma_start3A_104 = tpu.memref_slice %arg6[%dma_start3A] : memref<32768xf32, #tpu.memory_space<vmem>> -> memref<512xf32, #tpu.memory_space<vmem>>
      %dma_start3A_105 = tpu.memref_slice %arg3[%run_scoped3A_43, %mul3A_34] : memref<64x2048xf32, #tpu.memory_space<hbm>> -> memref<1x512xf32, #tpu.memory_space<hbm>>
      %dma_start3A_106 = tpu.memref_squeeze %dma_start3A_105 : memref<1x512xf32, #tpu.memory_space<hbm>> -> memref<512xf32, #tpu.memory_space<hbm>>
      %dma_start3A_107 = arith.constant 4608 : i32
      %dma_start3A_108 = tpu.memref_slice %arg6[%dma_start3A_107] : memref<32768xf32, #tpu.memory_space<vmem>> -> memref<512xf32, #tpu.memory_space<vmem>>
      %dma_start3A_109 = tpu.memref_slice %arg3[%run_scoped3A_43, %mul3A_34] : memref<64x2048xf32, #tpu.memory_space<hbm>> -> memref<1x512xf32, #tpu.memory_space<hbm>>
      %dma_start3A_110 = tpu.memref_squeeze %dma_start3A_109 : memref<1x512xf32, #tpu.memory_space<hbm>> -> memref<512xf32, #tpu.memory_space<hbm>>
      tpu.enqueue_dma source(%dma_start3A_110 : memref<512xf32, #tpu.memory_space<hbm>>) target(%dma_start3A_108 : memref<512xf32, #tpu.memory_space<vmem>>) target_semaphore(%run_scoped3A_103 : memref<!tpu.dma_semaphore, #tpu.memory_space<semaphore_mem>>)
      %dma_wait3A = arith.constant 4608 : i32
      %dma_wait3A_111 = tpu.memref_slice %arg6[%dma_wait3A] : memref<32768xf32, #tpu.memory_space<vmem>> -> memref<512xf32, #tpu.memory_space<vmem>>
      %dma_wait3A_112 = tpu.memref_slice %arg3[%run_scoped3A_43, %mul3A_34] : memref<64x2048xf32, #tpu.memory_space<hbm>> -> memref<1x512xf32, #tpu.memory_space<hbm>>
      %dma_wait3A_113 = tpu.memref_squeeze %dma_wait3A_112 : memref<1x512xf32, #tpu.memory_space<hbm>> -> memref<512xf32, #tpu.memory_space<hbm>>
      %dma_wait3A_114 = arith.constant 4608 : i32
      %dma_wait3A_115 = tpu.memref_slice %arg6[%dma_wait3A_114] : memref<32768xf32, #tpu.memory_space<vmem>> -> memref<512xf32, #tpu.memory_space<vmem>>
      %dma_wait3A_116 = tpu.memref_slice %arg3[%run_scoped3A_43, %mul3A_34] : memref<64x2048xf32, #tpu.memory_space<hbm>> -> memref<1x512xf32, #tpu.memory_space<hbm>>
      %dma_wait3A_117 = tpu.memref_squeeze %dma_wait3A_116 : memref<1x512xf32, #tpu.memory_space<hbm>> -> memref<512xf32, #tpu.memory_space<hbm>>
      tpu.wait_dma2 semaphore(%run_scoped3A_103 : memref<!tpu.dma_semaphore, #tpu.memory_space<semaphore_mem>>) src(%dma_wait3A_117 : memref<512xf32, #tpu.memory_space<hbm>>) dst(%dma_wait3A_115 : memref<512xf32, #tpu.memory_space<vmem>>)
      tpu.yield
    }) : () -> ()
    %run_scoped3A_44 = arith.constant 10 : i32
    "tpu.region"() ({
      %run_scoped3A_103 = tpu.sem_alloc : memref<!tpu.dma_semaphore, #tpu.memory_space<semaphore_mem>>
      %dma_start3A = arith.constant 5120 : i32
      %dma_start3A_104 = tpu.memref_slice %arg6[%dma_start3A] : memref<32768xf32, #tpu.memory_space<vmem>> -> memref<512xf32, #tpu.memory_space<vmem>>
      %dma_start3A_105 = tpu.memref_slice %arg3[%run_scoped3A_44, %mul3A_34] : memref<64x2048xf32, #tpu.memory_space<hbm>> -> memref<1x512xf32, #tpu.memory_space<hbm>>
      %dma_start3A_106 = tpu.memref_squeeze %dma_start3A_105 : memref<1x512xf32, #tpu.memory_space<hbm>> -> memref<512xf32, #tpu.memory_space<hbm>>
      %dma_start3A_107 = arith.constant 5120 : i32
      %dma_start3A_108 = tpu.memref_slice %arg6[%dma_start3A_107] : memref<32768xf32, #tpu.memory_space<vmem>> -> memref<512xf32, #tpu.memory_space<vmem>>
      %dma_start3A_109 = tpu.memref_slice %arg3[%run_scoped3A_44, %mul3A_34] : memref<64x2048xf32, #tpu.memory_space<hbm>> -> memref<1x512xf32, #tpu.memory_space<hbm>>
      %dma_start3A_110 = tpu.memref_squeeze %dma_start3A_109 : memref<1x512xf32, #tpu.memory_space<hbm>> -> memref<512xf32, #tpu.memory_space<hbm>>
      tpu.enqueue_dma source(%dma_start3A_110 : memref<512xf32, #tpu.memory_space<hbm>>) target(%dma_start3A_108 : memref<512xf32, #tpu.memory_space<vmem>>) target_semaphore(%run_scoped3A_103 : memref<!tpu.dma_semaphore, #tpu.memory_space<semaphore_mem>>)
      %dma_wait3A = arith.constant 5120 : i32
      %dma_wait3A_111 = tpu.memref_slice %arg6[%dma_wait3A] : memref<32768xf32, #tpu.memory_space<vmem>> -> memref<512xf32, #tpu.memory_space<vmem>>
      %dma_wait3A_112 = tpu.memref_slice %arg3[%run_scoped3A_44, %mul3A_34] : memref<64x2048xf32, #tpu.memory_space<hbm>> -> memref<1x512xf32, #tpu.memory_space<hbm>>
      %dma_wait3A_113 = tpu.memref_squeeze %dma_wait3A_112 : memref<1x512xf32, #tpu.memory_space<hbm>> -> memref<512xf32, #tpu.memory_space<hbm>>
      %dma_wait3A_114 = arith.constant 5120 : i32
      %dma_wait3A_115 = tpu.memref_slice %arg6[%dma_wait3A_114] : memref<32768xf32, #tpu.memory_space<vmem>> -> memref<512xf32, #tpu.memory_space<vmem>>
      %dma_wait3A_116 = tpu.memref_slice %arg3[%run_scoped3A_44, %mul3A_34] : memref<64x2048xf32, #tpu.memory_space<hbm>> -> memref<1x512xf32, #tpu.memory_space<hbm>>
      %dma_wait3A_117 = tpu.memref_squeeze %dma_wait3A_116 : memref<1x512xf32, #tpu.memory_space<hbm>> -> memref<512xf32, #tpu.memory_space<hbm>>
      tpu.wait_dma2 semaphore(%run_scoped3A_103 : memref<!tpu.dma_semaphore, #tpu.memory_space<semaphore_mem>>) src(%dma_wait3A_117 : memref<512xf32, #tpu.memory_space<hbm>>) dst(%dma_wait3A_115 : memref<512xf32, #tpu.memory_space<vmem>>)
      tpu.yield
    }) : () -> ()
    %run_scoped3A_45 = arith.constant 11 : i32
    "tpu.region"() ({
      %run_scoped3A_103 = tpu.sem_alloc : memref<!tpu.dma_semaphore, #tpu.memory_space<semaphore_mem>>
      %dma_start3A = arith.constant 5632 : i32
      %dma_start3A_104 = tpu.memref_slice %arg6[%dma_start3A] : memref<32768xf32, #tpu.memory_space<vmem>> -> memref<512xf32, #tpu.memory_space<vmem>>
      %dma_start3A_105 = tpu.memref_slice %arg3[%run_scoped3A_45, %mul3A_34] : memref<64x2048xf32, #tpu.memory_space<hbm>> -> memref<1x512xf32, #tpu.memory_space<hbm>>
      %dma_start3A_106 = tpu.memref_squeeze %dma_start3A_105 : memref<1x512xf32, #tpu.memory_space<hbm>> -> memref<512xf32, #tpu.memory_space<hbm>>
      %dma_start3A_107 = arith.constant 5632 : i32
      %dma_start3A_108 = tpu.memref_slice %arg6[%dma_start3A_107] : memref<32768xf32, #tpu.memory_space<vmem>> -> memref<512xf32, #tpu.memory_space<vmem>>
      %dma_start3A_109 = tpu.memref_slice %arg3[%run_scoped3A_45, %mul3A_34] : memref<64x2048xf32, #tpu.memory_space<hbm>> -> memref<1x512xf32, #tpu.memory_space<hbm>>
      %dma_start3A_110 = tpu.memref_squeeze %dma_start3A_109 : memref<1x512xf32, #tpu.memory_space<hbm>> -> memref<512xf32, #tpu.memory_space<hbm>>
      tpu.enqueue_dma source(%dma_start3A_110 : memref<512xf32, #tpu.memory_space<hbm>>) target(%dma_start3A_108 : memref<512xf32, #tpu.memory_space<vmem>>) target_semaphore(%run_scoped3A_103 : memref<!tpu.dma_semaphore, #tpu.memory_space<semaphore_mem>>)
      %dma_wait3A = arith.constant 5632 : i32
      %dma_wait3A_111 = tpu.memref_slice %arg6[%dma_wait3A] : memref<32768xf32, #tpu.memory_space<vmem>> -> memref<512xf32, #tpu.memory_space<vmem>>
      %dma_wait3A_112 = tpu.memref_slice %arg3[%run_scoped3A_45, %mul3A_34] : memref<64x2048xf32, #tpu.memory_space<hbm>> -> memref<1x512xf32, #tpu.memory_space<hbm>>
      %dma_wait3A_113 = tpu.memref_squeeze %dma_wait3A_112 : memref<1x512xf32, #tpu.memory_space<hbm>> -> memref<512xf32, #tpu.memory_space<hbm>>
      %dma_wait3A_114 = arith.constant 5632 : i32
      %dma_wait3A_115 = tpu.memref_slice %arg6[%dma_wait3A_114] : memref<32768xf32, #tpu.memory_space<vmem>> -> memref<512xf32, #tpu.memory_space<vmem>>
      %dma_wait3A_116 = tpu.memref_slice %arg3[%run_scoped3A_45, %mul3A_34] : memref<64x2048xf32, #tpu.memory_space<hbm>> -> memref<1x512xf32, #tpu.memory_space<hbm>>
      %dma_wait3A_117 = tpu.memref_squeeze %dma_wait3A_116 : memref<1x512xf32, #tpu.memory_space<hbm>> -> memref<512xf32, #tpu.memory_space<hbm>>
      tpu.wait_dma2 semaphore(%run_scoped3A_103 : memref<!tpu.dma_semaphore, #tpu.memory_space<semaphore_mem>>) src(%dma_wait3A_117 : memref<512xf32, #tpu.memory_space<hbm>>) dst(%dma_wait3A_115 : memref<512xf32, #tpu.memory_space<vmem>>)
      tpu.yield
    }) : () -> ()
    %run_scoped3A_46 = arith.constant 12 : i32
    "tpu.region"() ({
      %run_scoped3A_103 = tpu.sem_alloc : memref<!tpu.dma_semaphore, #tpu.memory_space<semaphore_mem>>
      %dma_start3A = arith.constant 6144 : i32
      %dma_start3A_104 = tpu.memref_slice %arg6[%dma_start3A] : memref<32768xf32, #tpu.memory_space<vmem>> -> memref<512xf32, #tpu.memory_space<vmem>>
      %dma_start3A_105 = tpu.memref_slice %arg3[%run_scoped3A_46, %mul3A_34] : memref<64x2048xf32, #tpu.memory_space<hbm>> -> memref<1x512xf32, #tpu.memory_space<hbm>>
      %dma_start3A_106 = tpu.memref_squeeze %dma_start3A_105 : memref<1x512xf32, #tpu.memory_space<hbm>> -> memref<512xf32, #tpu.memory_space<hbm>>
      %dma_start3A_107 = arith.constant 6144 : i32
      %dma_start3A_108 = tpu.memref_slice %arg6[%dma_start3A_107] : memref<32768xf32, #tpu.memory_space<vmem>> -> memref<512xf32, #tpu.memory_space<vmem>>
      %dma_start3A_109 = tpu.memref_slice %arg3[%run_scoped3A_46, %mul3A_34] : memref<64x2048xf32, #tpu.memory_space<hbm>> -> memref<1x512xf32, #tpu.memory_space<hbm>>
      %dma_start3A_110 = tpu.memref_squeeze %dma_start3A_109 : memref<1x512xf32, #tpu.memory_space<hbm>> -> memref<512xf32, #tpu.memory_space<hbm>>
      tpu.enqueue_dma source(%dma_start3A_110 : memref<512xf32, #tpu.memory_space<hbm>>) target(%dma_start3A_108 : memref<512xf32, #tpu.memory_space<vmem>>) target_semaphore(%run_scoped3A_103 : memref<!tpu.dma_semaphore, #tpu.memory_space<semaphore_mem>>)
      %dma_wait3A = arith.constant 6144 : i32
      %dma_wait3A_111 = tpu.memref_slice %arg6[%dma_wait3A] : memref<32768xf32, #tpu.memory_space<vmem>> -> memref<512xf32, #tpu.memory_space<vmem>>
      %dma_wait3A_112 = tpu.memref_slice %arg3[%run_scoped3A_46, %mul3A_34] : memref<64x2048xf32, #tpu.memory_space<hbm>> -> memref<1x512xf32, #tpu.memory_space<hbm>>
      %dma_wait3A_113 = tpu.memref_squeeze %dma_wait3A_112 : memref<1x512xf32, #tpu.memory_space<hbm>> -> memref<512xf32, #tpu.memory_space<hbm>>
      %dma_wait3A_114 = arith.constant 6144 : i32
      %dma_wait3A_115 = tpu.memref_slice %arg6[%dma_wait3A_114] : memref<32768xf32, #tpu.memory_space<vmem>> -> memref<512xf32, #tpu.memory_space<vmem>>
      %dma_wait3A_116 = tpu.memref_slice %arg3[%run_scoped3A_46, %mul3A_34] : memref<64x2048xf32, #tpu.memory_space<hbm>> -> memref<1x512xf32, #tpu.memory_space<hbm>>
      %dma_wait3A_117 = tpu.memref_squeeze %dma_wait3A_116 : memref<1x512xf32, #tpu.memory_space<hbm>> -> memref<512xf32, #tpu.memory_space<hbm>>
      tpu.wait_dma2 semaphore(%run_scoped3A_103 : memref<!tpu.dma_semaphore, #tpu.memory_space<semaphore_mem>>) src(%dma_wait3A_117 : memref<512xf32, #tpu.memory_space<hbm>>) dst(%dma_wait3A_115 : memref<512xf32, #tpu.memory_space<vmem>>)
      tpu.yield
    }) : () -> ()
    %run_scoped3A_47 = arith.constant 13 : i32
    "tpu.region"() ({
      %run_scoped3A_103 = tpu.sem_alloc : memref<!tpu.dma_semaphore, #tpu.memory_space<semaphore_mem>>
      %dma_start3A = arith.constant 6656 : i32
      %dma_start3A_104 = tpu.memref_slice %arg6[%dma_start3A] : memref<32768xf32, #tpu.memory_space<vmem>> -> memref<512xf32, #tpu.memory_space<vmem>>
      %dma_start3A_105 = tpu.memref_slice %arg3[%run_scoped3A_47, %mul3A_34] : memref<64x2048xf32, #tpu.memory_space<hbm>> -> memref<1x512xf32, #tpu.memory_space<hbm>>
      %dma_start3A_106 = tpu.memref_squeeze %dma_start3A_105 : memref<1x512xf32, #tpu.memory_space<hbm>> -> memref<512xf32, #tpu.memory_space<hbm>>
      %dma_start3A_107 = arith.constant 6656 : i32
      %dma_start3A_108 = tpu.memref_slice %arg6[%dma_start3A_107] : memref<32768xf32, #tpu.memory_space<vmem>> -> memref<512xf32, #tpu.memory_space<vmem>>
      %dma_start3A_109 = tpu.memref_slice %arg3[%run_scoped3A_47, %mul3A_34] : memref<64x2048xf32, #tpu.memory_space<hbm>> -> memref<1x512xf32, #tpu.memory_space<hbm>>
      %dma_start3A_110 = tpu.memref_squeeze %dma_start3A_109 : memref<1x512xf32, #tpu.memory_space<hbm>> -> memref<512xf32, #tpu.memory_space<hbm>>
      tpu.enqueue_dma source(%dma_start3A_110 : memref<512xf32, #tpu.memory_space<hbm>>) target(%dma_start3A_108 : memref<512xf32, #tpu.memory_space<vmem>>) target_semaphore(%run_scoped3A_103 : memref<!tpu.dma_semaphore, #tpu.memory_space<semaphore_mem>>)
      %dma_wait3A = arith.constant 6656 : i32
      %dma_wait3A_111 = tpu.memref_slice %arg6[%dma_wait3A] : memref<32768xf32, #tpu.memory_space<vmem>> -> memref<512xf32, #tpu.memory_space<vmem>>
      %dma_wait3A_112 = tpu.memref_slice %arg3[%run_scoped3A_47, %mul3A_34] : memref<64x2048xf32, #tpu.memory_space<hbm>> -> memref<1x512xf32, #tpu.memory_space<hbm>>
      %dma_wait3A_113 = tpu.memref_squeeze %dma_wait3A_112 : memref<1x512xf32, #tpu.memory_space<hbm>> -> memref<512xf32, #tpu.memory_space<hbm>>
      %dma_wait3A_114 = arith.constant 6656 : i32
      %dma_wait3A_115 = tpu.memref_slice %arg6[%dma_wait3A_114] : memref<32768xf32, #tpu.memory_space<vmem>> -> memref<512xf32, #tpu.memory_space<vmem>>
      %dma_wait3A_116 = tpu.memref_slice %arg3[%run_scoped3A_47, %mul3A_34] : memref<64x2048xf32, #tpu.memory_space<hbm>> -> memref<1x512xf32, #tpu.memory_space<hbm>>
      %dma_wait3A_117 = tpu.memref_squeeze %dma_wait3A_116 : memref<1x512xf32, #tpu.memory_space<hbm>> -> memref<512xf32, #tpu.memory_space<hbm>>
      tpu.wait_dma2 semaphore(%run_scoped3A_103 : memref<!tpu.dma_semaphore, #tpu.memory_space<semaphore_mem>>) src(%dma_wait3A_117 : memref<512xf32, #tpu.memory_space<hbm>>) dst(%dma_wait3A_115 : memref<512xf32, #tpu.memory_space<vmem>>)
      tpu.yield
    }) : () -> ()
    %run_scoped3A_48 = arith.constant 14 : i32
    "tpu.region"() ({
      %run_scoped3A_103 = tpu.sem_alloc : memref<!tpu.dma_semaphore, #tpu.memory_space<semaphore_mem>>
      %dma_start3A = arith.constant 7168 : i32
      %dma_start3A_104 = tpu.memref_slice %arg6[%dma_start3A] : memref<32768xf32, #tpu.memory_space<vmem>> -> memref<512xf32, #tpu.memory_space<vmem>>
      %dma_start3A_105 = tpu.memref_slice %arg3[%run_scoped3A_48, %mul3A_34] : memref<64x2048xf32, #tpu.memory_space<hbm>> -> memref<1x512xf32, #tpu.memory_space<hbm>>
      %dma_start3A_106 = tpu.memref_squeeze %dma_start3A_105 : memref<1x512xf32, #tpu.memory_space<hbm>> -> memref<512xf32, #tpu.memory_space<hbm>>
      %dma_start3A_107 = arith.constant 7168 : i32
      %dma_start3A_108 = tpu.memref_slice %arg6[%dma_start3A_107] : memref<32768xf32, #tpu.memory_space<vmem>> -> memref<512xf32, #tpu.memory_space<vmem>>
      %dma_start3A_109 = tpu.memref_slice %arg3[%run_scoped3A_48, %mul3A_34] : memref<64x2048xf32, #tpu.memory_space<hbm>> -> memref<1x512xf32, #tpu.memory_space<hbm>>
      %dma_start3A_110 = tpu.memref_squeeze %dma_start3A_109 : memref<1x512xf32, #tpu.memory_space<hbm>> -> memref<512xf32, #tpu.memory_space<hbm>>
      tpu.enqueue_dma source(%dma_start3A_110 : memref<512xf32, #tpu.memory_space<hbm>>) target(%dma_start3A_108 : memref<512xf32, #tpu.memory_space<vmem>>) target_semaphore(%run_scoped3A_103 : memref<!tpu.dma_semaphore, #tpu.memory_space<semaphore_mem>>)
      %dma_wait3A = arith.constant 7168 : i32
      %dma_wait3A_111 = tpu.memref_slice %arg6[%dma_wait3A] : memref<32768xf32, #tpu.memory_space<vmem>> -> memref<512xf32, #tpu.memory_space<vmem>>
      %dma_wait3A_112 = tpu.memref_slice %arg3[%run_scoped3A_48, %mul3A_34] : memref<64x2048xf32, #tpu.memory_space<hbm>> -> memref<1x512xf32, #tpu.memory_space<hbm>>
      %dma_wait3A_113 = tpu.memref_squeeze %dma_wait3A_112 : memref<1x512xf32, #tpu.memory_space<hbm>> -> memref<512xf32, #tpu.memory_space<hbm>>
      %dma_wait3A_114 = arith.constant 7168 : i32
      %dma_wait3A_115 = tpu.memref_slice %arg6[%dma_wait3A_114] : memref<32768xf32, #tpu.memory_space<vmem>> -> memref<512xf32, #tpu.memory_space<vmem>>
      %dma_wait3A_116 = tpu.memref_slice %arg3[%run_scoped3A_48, %mul3A_34] : memref<64x2048xf32, #tpu.memory_space<hbm>> -> memref<1x512xf32, #tpu.memory_space<hbm>>
      %dma_wait3A_117 = tpu.memref_squeeze %dma_wait3A_116 : memref<1x512xf32, #tpu.memory_space<hbm>> -> memref<512xf32, #tpu.memory_space<hbm>>
      tpu.wait_dma2 semaphore(%run_scoped3A_103 : memref<!tpu.dma_semaphore, #tpu.memory_space<semaphore_mem>>) src(%dma_wait3A_117 : memref<512xf32, #tpu.memory_space<hbm>>) dst(%dma_wait3A_115 : memref<512xf32, #tpu.memory_space<vmem>>)
      tpu.yield
    }) : () -> ()
    %run_scoped3A_49 = arith.constant 15 : i32
    "tpu.region"() ({
      %run_scoped3A_103 = tpu.sem_alloc : memref<!tpu.dma_semaphore, #tpu.memory_space<semaphore_mem>>
      %dma_start3A = arith.constant 7680 : i32
      %dma_start3A_104 = tpu.memref_slice %arg6[%dma_start3A] : memref<32768xf32, #tpu.memory_space<vmem>> -> memref<512xf32, #tpu.memory_space<vmem>>
      %dma_start3A_105 = tpu.memref_slice %arg3[%run_scoped3A_49, %mul3A_34] : memref<64x2048xf32, #tpu.memory_space<hbm>> -> memref<1x512xf32, #tpu.memory_space<hbm>>
      %dma_start3A_106 = tpu.memref_squeeze %dma_start3A_105 : memref<1x512xf32, #tpu.memory_space<hbm>> -> memref<512xf32, #tpu.memory_space<hbm>>
      %dma_start3A_107 = arith.constant 7680 : i32
      %dma_start3A_108 = tpu.memref_slice %arg6[%dma_start3A_107] : memref<32768xf32, #tpu.memory_space<vmem>> -> memref<512xf32, #tpu.memory_space<vmem>>
      %dma_start3A_109 = tpu.memref_slice %arg3[%run_scoped3A_49, %mul3A_34] : memref<64x2048xf32, #tpu.memory_space<hbm>> -> memref<1x512xf32, #tpu.memory_space<hbm>>
      %dma_start3A_110 = tpu.memref_squeeze %dma_start3A_109 : memref<1x512xf32, #tpu.memory_space<hbm>> -> memref<512xf32, #tpu.memory_space<hbm>>
      tpu.enqueue_dma source(%dma_start3A_110 : memref<512xf32, #tpu.memory_space<hbm>>) target(%dma_start3A_108 : memref<512xf32, #tpu.memory_space<vmem>>) target_semaphore(%run_scoped3A_103 : memref<!tpu.dma_semaphore, #tpu.memory_space<semaphore_mem>>)
      %dma_wait3A = arith.constant 7680 : i32
      %dma_wait3A_111 = tpu.memref_slice %arg6[%dma_wait3A] : memref<32768xf32, #tpu.memory_space<vmem>> -> memref<512xf32, #tpu.memory_space<vmem>>
      %dma_wait3A_112 = tpu.memref_slice %arg3[%run_scoped3A_49, %mul3A_34] : memref<64x2048xf32, #tpu.memory_space<hbm>> -> memref<1x512xf32, #tpu.memory_space<hbm>>
      %dma_wait3A_113 = tpu.memref_squeeze %dma_wait3A_112 : memref<1x512xf32, #tpu.memory_space<hbm>> -> memref<512xf32, #tpu.memory_space<hbm>>
      %dma_wait3A_114 = arith.constant 7680 : i32
      %dma_wait3A_115 = tpu.memref_slice %arg6[%dma_wait3A_114] : memref<32768xf32, #tpu.memory_space<vmem>> -> memref<512xf32, #tpu.memory_space<vmem>>
      %dma_wait3A_116 = tpu.memref_slice %arg3[%run_scoped3A_49, %mul3A_34] : memref<64x2048xf32, #tpu.memory_space<hbm>> -> memref<1x512xf32, #tpu.memory_space<hbm>>
      %dma_wait3A_117 = tpu.memref_squeeze %dma_wait3A_116 : memref<1x512xf32, #tpu.memory_space<hbm>> -> memref<512xf32, #tpu.memory_space<hbm>>
      tpu.wait_dma2 semaphore(%run_scoped3A_103 : memref<!tpu.dma_semaphore, #tpu.memory_space<semaphore_mem>>) src(%dma_wait3A_117 : memref<512xf32, #tpu.memory_space<hbm>>) dst(%dma_wait3A_115 : memref<512xf32, #tpu.memory_space<vmem>>)
      tpu.yield
    }) : () -> ()
    %run_scoped3A_50 = arith.constant 16 : i32
    "tpu.region"() ({
      %run_scoped3A_103 = tpu.sem_alloc : memref<!tpu.dma_semaphore, #tpu.memory_space<semaphore_mem>>
      %dma_start3A = arith.constant 8192 : i32
      %dma_start3A_104 = tpu.memref_slice %arg6[%dma_start3A] : memref<32768xf32, #tpu.memory_space<vmem>> -> memref<512xf32, #tpu.memory_space<vmem>>
      %dma_start3A_105 = tpu.memref_slice %arg3[%run_scoped3A_50, %mul3A_34] : memref<64x2048xf32, #tpu.memory_space<hbm>> -> memref<1x512xf32, #tpu.memory_space<hbm>>
      %dma_start3A_106 = tpu.memref_squeeze %dma_start3A_105 : memref<1x512xf32, #tpu.memory_space<hbm>> -> memref<512xf32, #tpu.memory_space<hbm>>
      %dma_start3A_107 = arith.constant 8192 : i32
      %dma_start3A_108 = tpu.memref_slice %arg6[%dma_start3A_107] : memref<32768xf32, #tpu.memory_space<vmem>> -> memref<512xf32, #tpu.memory_space<vmem>>
      %dma_start3A_109 = tpu.memref_slice %arg3[%run_scoped3A_50, %mul3A_34] : memref<64x2048xf32, #tpu.memory_space<hbm>> -> memref<1x512xf32, #tpu.memory_space<hbm>>
      %dma_start3A_110 = tpu.memref_squeeze %dma_start3A_109 : memref<1x512xf32, #tpu.memory_space<hbm>> -> memref<512xf32, #tpu.memory_space<hbm>>
      tpu.enqueue_dma source(%dma_start3A_110 : memref<512xf32, #tpu.memory_space<hbm>>) target(%dma_start3A_108 : memref<512xf32, #tpu.memory_space<vmem>>) target_semaphore(%run_scoped3A_103 : memref<!tpu.dma_semaphore, #tpu.memory_space<semaphore_mem>>)
      %dma_wait3A = arith.constant 8192 : i32
      %dma_wait3A_111 = tpu.memref_slice %arg6[%dma_wait3A] : memref<32768xf32, #tpu.memory_space<vmem>> -> memref<512xf32, #tpu.memory_space<vmem>>
      %dma_wait3A_112 = tpu.memref_slice %arg3[%run_scoped3A_50, %mul3A_34] : memref<64x2048xf32, #tpu.memory_space<hbm>> -> memref<1x512xf32, #tpu.memory_space<hbm>>
      %dma_wait3A_113 = tpu.memref_squeeze %dma_wait3A_112 : memref<1x512xf32, #tpu.memory_space<hbm>> -> memref<512xf32, #tpu.memory_space<hbm>>
      %dma_wait3A_114 = arith.constant 8192 : i32
      %dma_wait3A_115 = tpu.memref_slice %arg6[%dma_wait3A_114] : memref<32768xf32, #tpu.memory_space<vmem>> -> memref<512xf32, #tpu.memory_space<vmem>>
      %dma_wait3A_116 = tpu.memref_slice %arg3[%run_scoped3A_50, %mul3A_34] : memref<64x2048xf32, #tpu.memory_space<hbm>> -> memref<1x512xf32, #tpu.memory_space<hbm>>
      %dma_wait3A_117 = tpu.memref_squeeze %dma_wait3A_116 : memref<1x512xf32, #tpu.memory_space<hbm>> -> memref<512xf32, #tpu.memory_space<hbm>>
      tpu.wait_dma2 semaphore(%run_scoped3A_103 : memref<!tpu.dma_semaphore, #tpu.memory_space<semaphore_mem>>) src(%dma_wait3A_117 : memref<512xf32, #tpu.memory_space<hbm>>) dst(%dma_wait3A_115 : memref<512xf32, #tpu.memory_space<vmem>>)
      tpu.yield
    }) : () -> ()
    %run_scoped3A_51 = arith.constant 17 : i32
    "tpu.region"() ({
      %run_scoped3A_103 = tpu.sem_alloc : memref<!tpu.dma_semaphore, #tpu.memory_space<semaphore_mem>>
      %dma_start3A = arith.constant 8704 : i32
      %dma_start3A_104 = tpu.memref_slice %arg6[%dma_start3A] : memref<32768xf32, #tpu.memory_space<vmem>> -> memref<512xf32, #tpu.memory_space<vmem>>
      %dma_start3A_105 = tpu.memref_slice %arg3[%run_scoped3A_51, %mul3A_34] : memref<64x2048xf32, #tpu.memory_space<hbm>> -> memref<1x512xf32, #tpu.memory_space<hbm>>
      %dma_start3A_106 = tpu.memref_squeeze %dma_start3A_105 : memref<1x512xf32, #tpu.memory_space<hbm>> -> memref<512xf32, #tpu.memory_space<hbm>>
      %dma_start3A_107 = arith.constant 8704 : i32
      %dma_start3A_108 = tpu.memref_slice %arg6[%dma_start3A_107] : memref<32768xf32, #tpu.memory_space<vmem>> -> memref<512xf32, #tpu.memory_space<vmem>>
      %dma_start3A_109 = tpu.memref_slice %arg3[%run_scoped3A_51, %mul3A_34] : memref<64x2048xf32, #tpu.memory_space<hbm>> -> memref<1x512xf32, #tpu.memory_space<hbm>>
      %dma_start3A_110 = tpu.memref_squeeze %dma_start3A_109 : memref<1x512xf32, #tpu.memory_space<hbm>> -> memref<512xf32, #tpu.memory_space<hbm>>
      tpu.enqueue_dma source(%dma_start3A_110 : memref<512xf32, #tpu.memory_space<hbm>>) target(%dma_start3A_108 : memref<512xf32, #tpu.memory_space<vmem>>) target_semaphore(%run_scoped3A_103 : memref<!tpu.dma_semaphore, #tpu.memory_space<semaphore_mem>>)
      %dma_wait3A = arith.constant 8704 : i32
      %dma_wait3A_111 = tpu.memref_slice %arg6[%dma_wait3A] : memref<32768xf32, #tpu.memory_space<vmem>> -> memref<512xf32, #tpu.memory_space<vmem>>
      %dma_wait3A_112 = tpu.memref_slice %arg3[%run_scoped3A_51, %mul3A_34] : memref<64x2048xf32, #tpu.memory_space<hbm>> -> memref<1x512xf32, #tpu.memory_space<hbm>>
      %dma_wait3A_113 = tpu.memref_squeeze %dma_wait3A_112 : memref<1x512xf32, #tpu.memory_space<hbm>> -> memref<512xf32, #tpu.memory_space<hbm>>
      %dma_wait3A_114 = arith.constant 8704 : i32
      %dma_wait3A_115 = tpu.memref_slice %arg6[%dma_wait3A_114] : memref<32768xf32, #tpu.memory_space<vmem>> -> memref<512xf32, #tpu.memory_space<vmem>>
      %dma_wait3A_116 = tpu.memref_slice %arg3[%run_scoped3A_51, %mul3A_34] : memref<64x2048xf32, #tpu.memory_space<hbm>> -> memref<1x512xf32, #tpu.memory_space<hbm>>
      %dma_wait3A_117 = tpu.memref_squeeze %dma_wait3A_116 : memref<1x512xf32, #tpu.memory_space<hbm>> -> memref<512xf32, #tpu.memory_space<hbm>>
      tpu.wait_dma2 semaphore(%run_scoped3A_103 : memref<!tpu.dma_semaphore, #tpu.memory_space<semaphore_mem>>) src(%dma_wait3A_117 : memref<512xf32, #tpu.memory_space<hbm>>) dst(%dma_wait3A_115 : memref<512xf32, #tpu.memory_space<vmem>>)
      tpu.yield
    }) : () -> ()
    %run_scoped3A_52 = arith.constant 18 : i32
    "tpu.region"() ({
      %run_scoped3A_103 = tpu.sem_alloc : memref<!tpu.dma_semaphore, #tpu.memory_space<semaphore_mem>>
      %dma_start3A = arith.constant 9216 : i32
      %dma_start3A_104 = tpu.memref_slice %arg6[%dma_start3A] : memref<32768xf32, #tpu.memory_space<vmem>> -> memref<512xf32, #tpu.memory_space<vmem>>
      %dma_start3A_105 = tpu.memref_slice %arg3[%run_scoped3A_52, %mul3A_34] : memref<64x2048xf32, #tpu.memory_space<hbm>> -> memref<1x512xf32, #tpu.memory_space<hbm>>
      %dma_start3A_106 = tpu.memref_squeeze %dma_start3A_105 : memref<1x512xf32, #tpu.memory_space<hbm>> -> memref<512xf32, #tpu.memory_space<hbm>>
      %dma_start3A_107 = arith.constant 9216 : i32
      %dma_start3A_108 = tpu.memref_slice %arg6[%dma_start3A_107] : memref<32768xf32, #tpu.memory_space<vmem>> -> memref<512xf32, #tpu.memory_space<vmem>>
      %dma_start3A_109 = tpu.memref_slice %arg3[%run_scoped3A_52, %mul3A_34] : memref<64x2048xf32, #tpu.memory_space<hbm>> -> memref<1x512xf32, #tpu.memory_space<hbm>>
      %dma_start3A_110 = tpu.memref_squeeze %dma_start3A_109 : memref<1x512xf32, #tpu.memory_space<hbm>> -> memref<512xf32, #tpu.memory_space<hbm>>
      tpu.enqueue_dma source(%dma_start3A_110 : memref<512xf32, #tpu.memory_space<hbm>>) target(%dma_start3A_108 : memref<512xf32, #tpu.memory_space<vmem>>) target_semaphore(%run_scoped3A_103 : memref<!tpu.dma_semaphore, #tpu.memory_space<semaphore_mem>>)
      %dma_wait3A = arith.constant 9216 : i32
      %dma_wait3A_111 = tpu.memref_slice %arg6[%dma_wait3A] : memref<32768xf32, #tpu.memory_space<vmem>> -> memref<512xf32, #tpu.memory_space<vmem>>
      %dma_wait3A_112 = tpu.memref_slice %arg3[%run_scoped3A_52, %mul3A_34] : memref<64x2048xf32, #tpu.memory_space<hbm>> -> memref<1x512xf32, #tpu.memory_space<hbm>>
      %dma_wait3A_113 = tpu.memref_squeeze %dma_wait3A_112 : memref<1x512xf32, #tpu.memory_space<hbm>> -> memref<512xf32, #tpu.memory_space<hbm>>
      %dma_wait3A_114 = arith.constant 9216 : i32
      %dma_wait3A_115 = tpu.memref_slice %arg6[%dma_wait3A_114] : memref<32768xf32, #tpu.memory_space<vmem>> -> memref<512xf32, #tpu.memory_space<vmem>>
      %dma_wait3A_116 = tpu.memref_slice %arg3[%run_scoped3A_52, %mul3A_34] : memref<64x2048xf32, #tpu.memory_space<hbm>> -> memref<1x512xf32, #tpu.memory_space<hbm>>
      %dma_wait3A_117 = tpu.memref_squeeze %dma_wait3A_116 : memref<1x512xf32, #tpu.memory_space<hbm>> -> memref<512xf32, #tpu.memory_space<hbm>>
      tpu.wait_dma2 semaphore(%run_scoped3A_103 : memref<!tpu.dma_semaphore, #tpu.memory_space<semaphore_mem>>) src(%dma_wait3A_117 : memref<512xf32, #tpu.memory_space<hbm>>) dst(%dma_wait3A_115 : memref<512xf32, #tpu.memory_space<vmem>>)
      tpu.yield
    }) : () -> ()
    %run_scoped3A_53 = arith.constant 19 : i32
    "tpu.region"() ({
      %run_scoped3A_103 = tpu.sem_alloc : memref<!tpu.dma_semaphore, #tpu.memory_space<semaphore_mem>>
      %dma_start3A = arith.constant 9728 : i32
      %dma_start3A_104 = tpu.memref_slice %arg6[%dma_start3A] : memref<32768xf32, #tpu.memory_space<vmem>> -> memref<512xf32, #tpu.memory_space<vmem>>
      %dma_start3A_105 = tpu.memref_slice %arg3[%run_scoped3A_53, %mul3A_34] : memref<64x2048xf32, #tpu.memory_space<hbm>> -> memref<1x512xf32, #tpu.memory_space<hbm>>
      %dma_start3A_106 = tpu.memref_squeeze %dma_start3A_105 : memref<1x512xf32, #tpu.memory_space<hbm>> -> memref<512xf32, #tpu.memory_space<hbm>>
      %dma_start3A_107 = arith.constant 9728 : i32
      %dma_start3A_108 = tpu.memref_slice %arg6[%dma_start3A_107] : memref<32768xf32, #tpu.memory_space<vmem>> -> memref<512xf32, #tpu.memory_space<vmem>>
      %dma_start3A_109 = tpu.memref_slice %arg3[%run_scoped3A_53, %mul3A_34] : memref<64x2048xf32, #tpu.memory_space<hbm>> -> memref<1x512xf32, #tpu.memory_space<hbm>>
      %dma_start3A_110 = tpu.memref_squeeze %dma_start3A_109 : memref<1x512xf32, #tpu.memory_space<hbm>> -> memref<512xf32, #tpu.memory_space<hbm>>
      tpu.enqueue_dma source(%dma_start3A_110 : memref<512xf32, #tpu.memory_space<hbm>>) target(%dma_start3A_108 : memref<512xf32, #tpu.memory_space<vmem>>) target_semaphore(%run_scoped3A_103 : memref<!tpu.dma_semaphore, #tpu.memory_space<semaphore_mem>>)
      %dma_wait3A = arith.constant 9728 : i32
      %dma_wait3A_111 = tpu.memref_slice %arg6[%dma_wait3A] : memref<32768xf32, #tpu.memory_space<vmem>> -> memref<512xf32, #tpu.memory_space<vmem>>
      %dma_wait3A_112 = tpu.memref_slice %arg3[%run_scoped3A_53, %mul3A_34] : memref<64x2048xf32, #tpu.memory_space<hbm>> -> memref<1x512xf32, #tpu.memory_space<hbm>>
      %dma_wait3A_113 = tpu.memref_squeeze %dma_wait3A_112 : memref<1x512xf32, #tpu.memory_space<hbm>> -> memref<512xf32, #tpu.memory_space<hbm>>
      %dma_wait3A_114 = arith.constant 9728 : i32
      %dma_wait3A_115 = tpu.memref_slice %arg6[%dma_wait3A_114] : memref<32768xf32, #tpu.memory_space<vmem>> -> memref<512xf32, #tpu.memory_space<vmem>>
      %dma_wait3A_116 = tpu.memref_slice %arg3[%run_scoped3A_53, %mul3A_34] : memref<64x2048xf32, #tpu.memory_space<hbm>> -> memref<1x512xf32, #tpu.memory_space<hbm>>
      %dma_wait3A_117 = tpu.memref_squeeze %dma_wait3A_116 : memref<1x512xf32, #tpu.memory_space<hbm>> -> memref<512xf32, #tpu.memory_space<hbm>>
      tpu.wait_dma2 semaphore(%run_scoped3A_103 : memref<!tpu.dma_semaphore, #tpu.memory_space<semaphore_mem>>) src(%dma_wait3A_117 : memref<512xf32, #tpu.memory_space<hbm>>) dst(%dma_wait3A_115 : memref<512xf32, #tpu.memory_space<vmem>>)
      tpu.yield
    }) : () -> ()
    %run_scoped3A_54 = arith.constant 20 : i32
    "tpu.region"() ({
      %run_scoped3A_103 = tpu.sem_alloc : memref<!tpu.dma_semaphore, #tpu.memory_space<semaphore_mem>>
      %dma_start3A = arith.constant 10240 : i32
      %dma_start3A_104 = tpu.memref_slice %arg6[%dma_start3A] : memref<32768xf32, #tpu.memory_space<vmem>> -> memref<512xf32, #tpu.memory_space<vmem>>
      %dma_start3A_105 = tpu.memref_slice %arg3[%run_scoped3A_54, %mul3A_34] : memref<64x2048xf32, #tpu.memory_space<hbm>> -> memref<1x512xf32, #tpu.memory_space<hbm>>
      %dma_start3A_106 = tpu.memref_squeeze %dma_start3A_105 : memref<1x512xf32, #tpu.memory_space<hbm>> -> memref<512xf32, #tpu.memory_space<hbm>>
      %dma_start3A_107 = arith.constant 10240 : i32
      %dma_start3A_108 = tpu.memref_slice %arg6[%dma_start3A_107] : memref<32768xf32, #tpu.memory_space<vmem>> -> memref<512xf32, #tpu.memory_space<vmem>>
      %dma_start3A_109 = tpu.memref_slice %arg3[%run_scoped3A_54, %mul3A_34] : memref<64x2048xf32, #tpu.memory_space<hbm>> -> memref<1x512xf32, #tpu.memory_space<hbm>>
      %dma_start3A_110 = tpu.memref_squeeze %dma_start3A_109 : memref<1x512xf32, #tpu.memory_space<hbm>> -> memref<512xf32, #tpu.memory_space<hbm>>
      tpu.enqueue_dma source(%dma_start3A_110 : memref<512xf32, #tpu.memory_space<hbm>>) target(%dma_start3A_108 : memref<512xf32, #tpu.memory_space<vmem>>) target_semaphore(%run_scoped3A_103 : memref<!tpu.dma_semaphore, #tpu.memory_space<semaphore_mem>>)
      %dma_wait3A = arith.constant 10240 : i32
      %dma_wait3A_111 = tpu.memref_slice %arg6[%dma_wait3A] : memref<32768xf32, #tpu.memory_space<vmem>> -> memref<512xf32, #tpu.memory_space<vmem>>
      %dma_wait3A_112 = tpu.memref_slice %arg3[%run_scoped3A_54, %mul3A_34] : memref<64x2048xf32, #tpu.memory_space<hbm>> -> memref<1x512xf32, #tpu.memory_space<hbm>>
      %dma_wait3A_113 = tpu.memref_squeeze %dma_wait3A_112 : memref<1x512xf32, #tpu.memory_space<hbm>> -> memref<512xf32, #tpu.memory_space<hbm>>
      %dma_wait3A_114 = arith.constant 10240 : i32
      %dma_wait3A_115 = tpu.memref_slice %arg6[%dma_wait3A_114] : memref<32768xf32, #tpu.memory_space<vmem>> -> memref<512xf32, #tpu.memory_space<vmem>>
      %dma_wait3A_116 = tpu.memref_slice %arg3[%run_scoped3A_54, %mul3A_34] : memref<64x2048xf32, #tpu.memory_space<hbm>> -> memref<1x512xf32, #tpu.memory_space<hbm>>
      %dma_wait3A_117 = tpu.memref_squeeze %dma_wait3A_116 : memref<1x512xf32, #tpu.memory_space<hbm>> -> memref<512xf32, #tpu.memory_space<hbm>>
      tpu.wait_dma2 semaphore(%run_scoped3A_103 : memref<!tpu.dma_semaphore, #tpu.memory_space<semaphore_mem>>) src(%dma_wait3A_117 : memref<512xf32, #tpu.memory_space<hbm>>) dst(%dma_wait3A_115 : memref<512xf32, #tpu.memory_space<vmem>>)
      tpu.yield
    }) : () -> ()
    %run_scoped3A_55 = arith.constant 21 : i32
    "tpu.region"() ({
      %run_scoped3A_103 = tpu.sem_alloc : memref<!tpu.dma_semaphore, #tpu.memory_space<semaphore_mem>>
      %dma_start3A = arith.constant 10752 : i32
      %dma_start3A_104 = tpu.memref_slice %arg6[%dma_start3A] : memref<32768xf32, #tpu.memory_space<vmem>> -> memref<512xf32, #tpu.memory_space<vmem>>
      %dma_start3A_105 = tpu.memref_slice %arg3[%run_scoped3A_55, %mul3A_34] : memref<64x2048xf32, #tpu.memory_space<hbm>> -> memref<1x512xf32, #tpu.memory_space<hbm>>
      %dma_start3A_106 = tpu.memref_squeeze %dma_start3A_105 : memref<1x512xf32, #tpu.memory_space<hbm>> -> memref<512xf32, #tpu.memory_space<hbm>>
      %dma_start3A_107 = arith.constant 10752 : i32
      %dma_start3A_108 = tpu.memref_slice %arg6[%dma_start3A_107] : memref<32768xf32, #tpu.memory_space<vmem>> -> memref<512xf32, #tpu.memory_space<vmem>>
      %dma_start3A_109 = tpu.memref_slice %arg3[%run_scoped3A_55, %mul3A_34] : memref<64x2048xf32, #tpu.memory_space<hbm>> -> memref<1x512xf32, #tpu.memory_space<hbm>>
      %dma_start3A_110 = tpu.memref_squeeze %dma_start3A_109 : memref<1x512xf32, #tpu.memory_space<hbm>> -> memref<512xf32, #tpu.memory_space<hbm>>
      tpu.enqueue_dma source(%dma_start3A_110 : memref<512xf32, #tpu.memory_space<hbm>>) target(%dma_start3A_108 : memref<512xf32, #tpu.memory_space<vmem>>) target_semaphore(%run_scoped3A_103 : memref<!tpu.dma_semaphore, #tpu.memory_space<semaphore_mem>>)
      %dma_wait3A = arith.constant 10752 : i32
      %dma_wait3A_111 = tpu.memref_slice %arg6[%dma_wait3A] : memref<32768xf32, #tpu.memory_space<vmem>> -> memref<512xf32, #tpu.memory_space<vmem>>
      %dma_wait3A_112 = tpu.memref_slice %arg3[%run_scoped3A_55, %mul3A_34] : memref<64x2048xf32, #tpu.memory_space<hbm>> -> memref<1x512xf32, #tpu.memory_space<hbm>>
      %dma_wait3A_113 = tpu.memref_squeeze %dma_wait3A_112 : memref<1x512xf32, #tpu.memory_space<hbm>> -> memref<512xf32, #tpu.memory_space<hbm>>
      %dma_wait3A_114 = arith.constant 10752 : i32
      %dma_wait3A_115 = tpu.memref_slice %arg6[%dma_wait3A_114] : memref<32768xf32, #tpu.memory_space<vmem>> -> memref<512xf32, #tpu.memory_space<vmem>>
      %dma_wait3A_116 = tpu.memref_slice %arg3[%run_scoped3A_55, %mul3A_34] : memref<64x2048xf32, #tpu.memory_space<hbm>> -> memref<1x512xf32, #tpu.memory_space<hbm>>
      %dma_wait3A_117 = tpu.memref_squeeze %dma_wait3A_116 : memref<1x512xf32, #tpu.memory_space<hbm>> -> memref<512xf32, #tpu.memory_space<hbm>>
      tpu.wait_dma2 semaphore(%run_scoped3A_103 : memref<!tpu.dma_semaphore, #tpu.memory_space<semaphore_mem>>) src(%dma_wait3A_117 : memref<512xf32, #tpu.memory_space<hbm>>) dst(%dma_wait3A_115 : memref<512xf32, #tpu.memory_space<vmem>>)
      tpu.yield
    }) : () -> ()
    %run_scoped3A_56 = arith.constant 22 : i32
    "tpu.region"() ({
      %run_scoped3A_103 = tpu.sem_alloc : memref<!tpu.dma_semaphore, #tpu.memory_space<semaphore_mem>>
      %dma_start3A = arith.constant 11264 : i32
      %dma_start3A_104 = tpu.memref_slice %arg6[%dma_start3A] : memref<32768xf32, #tpu.memory_space<vmem>> -> memref<512xf32, #tpu.memory_space<vmem>>
      %dma_start3A_105 = tpu.memref_slice %arg3[%run_scoped3A_56, %mul3A_34] : memref<64x2048xf32, #tpu.memory_space<hbm>> -> memref<1x512xf32, #tpu.memory_space<hbm>>
      %dma_start3A_106 = tpu.memref_squeeze %dma_start3A_105 : memref<1x512xf32, #tpu.memory_space<hbm>> -> memref<512xf32, #tpu.memory_space<hbm>>
      %dma_start3A_107 = arith.constant 11264 : i32
      %dma_start3A_108 = tpu.memref_slice %arg6[%dma_start3A_107] : memref<32768xf32, #tpu.memory_space<vmem>> -> memref<512xf32, #tpu.memory_space<vmem>>
      %dma_start3A_109 = tpu.memref_slice %arg3[%run_scoped3A_56, %mul3A_34] : memref<64x2048xf32, #tpu.memory_space<hbm>> -> memref<1x512xf32, #tpu.memory_space<hbm>>
      %dma_start3A_110 = tpu.memref_squeeze %dma_start3A_109 : memref<1x512xf32, #tpu.memory_space<hbm>> -> memref<512xf32, #tpu.memory_space<hbm>>
      tpu.enqueue_dma source(%dma_start3A_110 : memref<512xf32, #tpu.memory_space<hbm>>) target(%dma_start3A_108 : memref<512xf32, #tpu.memory_space<vmem>>) target_semaphore(%run_scoped3A_103 : memref<!tpu.dma_semaphore, #tpu.memory_space<semaphore_mem>>)
      %dma_wait3A = arith.constant 11264 : i32
      %dma_wait3A_111 = tpu.memref_slice %arg6[%dma_wait3A] : memref<32768xf32, #tpu.memory_space<vmem>> -> memref<512xf32, #tpu.memory_space<vmem>>
      %dma_wait3A_112 = tpu.memref_slice %arg3[%run_scoped3A_56, %mul3A_34] : memref<64x2048xf32, #tpu.memory_space<hbm>> -> memref<1x512xf32, #tpu.memory_space<hbm>>
      %dma_wait3A_113 = tpu.memref_squeeze %dma_wait3A_112 : memref<1x512xf32, #tpu.memory_space<hbm>> -> memref<512xf32, #tpu.memory_space<hbm>>
      %dma_wait3A_114 = arith.constant 11264 : i32
      %dma_wait3A_115 = tpu.memref_slice %arg6[%dma_wait3A_114] : memref<32768xf32, #tpu.memory_space<vmem>> -> memref<512xf32, #tpu.memory_space<vmem>>
      %dma_wait3A_116 = tpu.memref_slice %arg3[%run_scoped3A_56, %mul3A_34] : memref<64x2048xf32, #tpu.memory_space<hbm>> -> memref<1x512xf32, #tpu.memory_space<hbm>>
      %dma_wait3A_117 = tpu.memref_squeeze %dma_wait3A_116 : memref<1x512xf32, #tpu.memory_space<hbm>> -> memref<512xf32, #tpu.memory_space<hbm>>
      tpu.wait_dma2 semaphore(%run_scoped3A_103 : memref<!tpu.dma_semaphore, #tpu.memory_space<semaphore_mem>>) src(%dma_wait3A_117 : memref<512xf32, #tpu.memory_space<hbm>>) dst(%dma_wait3A_115 : memref<512xf32, #tpu.memory_space<vmem>>)
      tpu.yield
    }) : () -> ()
    %run_scoped3A_57 = arith.constant 23 : i32
    "tpu.region"() ({
      %run_scoped3A_103 = tpu.sem_alloc : memref<!tpu.dma_semaphore, #tpu.memory_space<semaphore_mem>>
      %dma_start3A = arith.constant 11776 : i32
      %dma_start3A_104 = tpu.memref_slice %arg6[%dma_start3A] : memref<32768xf32, #tpu.memory_space<vmem>> -> memref<512xf32, #tpu.memory_space<vmem>>
      %dma_start3A_105 = tpu.memref_slice %arg3[%run_scoped3A_57, %mul3A_34] : memref<64x2048xf32, #tpu.memory_space<hbm>> -> memref<1x512xf32, #tpu.memory_space<hbm>>
      %dma_start3A_106 = tpu.memref_squeeze %dma_start3A_105 : memref<1x512xf32, #tpu.memory_space<hbm>> -> memref<512xf32, #tpu.memory_space<hbm>>
      %dma_start3A_107 = arith.constant 11776 : i32
      %dma_start3A_108 = tpu.memref_slice %arg6[%dma_start3A_107] : memref<32768xf32, #tpu.memory_space<vmem>> -> memref<512xf32, #tpu.memory_space<vmem>>
      %dma_start3A_109 = tpu.memref_slice %arg3[%run_scoped3A_57, %mul3A_34] : memref<64x2048xf32, #tpu.memory_space<hbm>> -> memref<1x512xf32, #tpu.memory_space<hbm>>
      %dma_start3A_110 = tpu.memref_squeeze %dma_start3A_109 : memref<1x512xf32, #tpu.memory_space<hbm>> -> memref<512xf32, #tpu.memory_space<hbm>>
      tpu.enqueue_dma source(%dma_start3A_110 : memref<512xf32, #tpu.memory_space<hbm>>) target(%dma_start3A_108 : memref<512xf32, #tpu.memory_space<vmem>>) target_semaphore(%run_scoped3A_103 : memref<!tpu.dma_semaphore, #tpu.memory_space<semaphore_mem>>)
      %dma_wait3A = arith.constant 11776 : i32
      %dma_wait3A_111 = tpu.memref_slice %arg6[%dma_wait3A] : memref<32768xf32, #tpu.memory_space<vmem>> -> memref<512xf32, #tpu.memory_space<vmem>>
      %dma_wait3A_112 = tpu.memref_slice %arg3[%run_scoped3A_57, %mul3A_34] : memref<64x2048xf32, #tpu.memory_space<hbm>> -> memref<1x512xf32, #tpu.memory_space<hbm>>
      %dma_wait3A_113 = tpu.memref_squeeze %dma_wait3A_112 : memref<1x512xf32, #tpu.memory_space<hbm>> -> memref<512xf32, #tpu.memory_space<hbm>>
      %dma_wait3A_114 = arith.constant 11776 : i32
      %dma_wait3A_115 = tpu.memref_slice %arg6[%dma_wait3A_114] : memref<32768xf32, #tpu.memory_space<vmem>> -> memref<512xf32, #tpu.memory_space<vmem>>
      %dma_wait3A_116 = tpu.memref_slice %arg3[%run_scoped3A_57, %mul3A_34] : memref<64x2048xf32, #tpu.memory_space<hbm>> -> memref<1x512xf32, #tpu.memory_space<hbm>>
      %dma_wait3A_117 = tpu.memref_squeeze %dma_wait3A_116 : memref<1x512xf32, #tpu.memory_space<hbm>> -> memref<512xf32, #tpu.memory_space<hbm>>
      tpu.wait_dma2 semaphore(%run_scoped3A_103 : memref<!tpu.dma_semaphore, #tpu.memory_space<semaphore_mem>>) src(%dma_wait3A_117 : memref<512xf32, #tpu.memory_space<hbm>>) dst(%dma_wait3A_115 : memref<512xf32, #tpu.memory_space<vmem>>)
      tpu.yield
    }) : () -> ()
    %run_scoped3A_58 = arith.constant 24 : i32
    "tpu.region"() ({
      %run_scoped3A_103 = tpu.sem_alloc : memref<!tpu.dma_semaphore, #tpu.memory_space<semaphore_mem>>
      %dma_start3A = arith.constant 12288 : i32
      %dma_start3A_104 = tpu.memref_slice %arg6[%dma_start3A] : memref<32768xf32, #tpu.memory_space<vmem>> -> memref<512xf32, #tpu.memory_space<vmem>>
      %dma_start3A_105 = tpu.memref_slice %arg3[%run_scoped3A_58, %mul3A_34] : memref<64x2048xf32, #tpu.memory_space<hbm>> -> memref<1x512xf32, #tpu.memory_space<hbm>>
      %dma_start3A_106 = tpu.memref_squeeze %dma_start3A_105 : memref<1x512xf32, #tpu.memory_space<hbm>> -> memref<512xf32, #tpu.memory_space<hbm>>
      %dma_start3A_107 = arith.constant 12288 : i32
      %dma_start3A_108 = tpu.memref_slice %arg6[%dma_start3A_107] : memref<32768xf32, #tpu.memory_space<vmem>> -> memref<512xf32, #tpu.memory_space<vmem>>
      %dma_start3A_109 = tpu.memref_slice %arg3[%run_scoped3A_58, %mul3A_34] : memref<64x2048xf32, #tpu.memory_space<hbm>> -> memref<1x512xf32, #tpu.memory_space<hbm>>
      %dma_start3A_110 = tpu.memref_squeeze %dma_start3A_109 : memref<1x512xf32, #tpu.memory_space<hbm>> -> memref<512xf32, #tpu.memory_space<hbm>>
      tpu.enqueue_dma source(%dma_start3A_110 : memref<512xf32, #tpu.memory_space<hbm>>) target(%dma_start3A_108 : memref<512xf32, #tpu.memory_space<vmem>>) target_semaphore(%run_scoped3A_103 : memref<!tpu.dma_semaphore, #tpu.memory_space<semaphore_mem>>)
      %dma_wait3A = arith.constant 12288 : i32
      %dma_wait3A_111 = tpu.memref_slice %arg6[%dma_wait3A] : memref<32768xf32, #tpu.memory_space<vmem>> -> memref<512xf32, #tpu.memory_space<vmem>>
      %dma_wait3A_112 = tpu.memref_slice %arg3[%run_scoped3A_58, %mul3A_34] : memref<64x2048xf32, #tpu.memory_space<hbm>> -> memref<1x512xf32, #tpu.memory_space<hbm>>
      %dma_wait3A_113 = tpu.memref_squeeze %dma_wait3A_112 : memref<1x512xf32, #tpu.memory_space<hbm>> -> memref<512xf32, #tpu.memory_space<hbm>>
      %dma_wait3A_114 = arith.constant 12288 : i32
      %dma_wait3A_115 = tpu.memref_slice %arg6[%dma_wait3A_114] : memref<32768xf32, #tpu.memory_space<vmem>> -> memref<512xf32, #tpu.memory_space<vmem>>
      %dma_wait3A_116 = tpu.memref_slice %arg3[%run_scoped3A_58, %mul3A_34] : memref<64x2048xf32, #tpu.memory_space<hbm>> -> memref<1x512xf32, #tpu.memory_space<hbm>>
      %dma_wait3A_117 = tpu.memref_squeeze %dma_wait3A_116 : memref<1x512xf32, #tpu.memory_space<hbm>> -> memref<512xf32, #tpu.memory_space<hbm>>
      tpu.wait_dma2 semaphore(%run_scoped3A_103 : memref<!tpu.dma_semaphore, #tpu.memory_space<semaphore_mem>>) src(%dma_wait3A_117 : memref<512xf32, #tpu.memory_space<hbm>>) dst(%dma_wait3A_115 : memref<512xf32, #tpu.memory_space<vmem>>)
      tpu.yield
    }) : () -> ()
    %run_scoped3A_59 = arith.constant 25 : i32
    "tpu.region"() ({
      %run_scoped3A_103 = tpu.sem_alloc : memref<!tpu.dma_semaphore, #tpu.memory_space<semaphore_mem>>
      %dma_start3A = arith.constant 12800 : i32
      %dma_start3A_104 = tpu.memref_slice %arg6[%dma_start3A] : memref<32768xf32, #tpu.memory_space<vmem>> -> memref<512xf32, #tpu.memory_space<vmem>>
      %dma_start3A_105 = tpu.memref_slice %arg3[%run_scoped3A_59, %mul3A_34] : memref<64x2048xf32, #tpu.memory_space<hbm>> -> memref<1x512xf32, #tpu.memory_space<hbm>>
      %dma_start3A_106 = tpu.memref_squeeze %dma_start3A_105 : memref<1x512xf32, #tpu.memory_space<hbm>> -> memref<512xf32, #tpu.memory_space<hbm>>
      %dma_start3A_107 = arith.constant 12800 : i32
      %dma_start3A_108 = tpu.memref_slice %arg6[%dma_start3A_107] : memref<32768xf32, #tpu.memory_space<vmem>> -> memref<512xf32, #tpu.memory_space<vmem>>
      %dma_start3A_109 = tpu.memref_slice %arg3[%run_scoped3A_59, %mul3A_34] : memref<64x2048xf32, #tpu.memory_space<hbm>> -> memref<1x512xf32, #tpu.memory_space<hbm>>
      %dma_start3A_110 = tpu.memref_squeeze %dma_start3A_109 : memref<1x512xf32, #tpu.memory_space<hbm>> -> memref<512xf32, #tpu.memory_space<hbm>>
      tpu.enqueue_dma source(%dma_start3A_110 : memref<512xf32, #tpu.memory_space<hbm>>) target(%dma_start3A_108 : memref<512xf32, #tpu.memory_space<vmem>>) target_semaphore(%run_scoped3A_103 : memref<!tpu.dma_semaphore, #tpu.memory_space<semaphore_mem>>)
      %dma_wait3A = arith.constant 12800 : i32
      %dma_wait3A_111 = tpu.memref_slice %arg6[%dma_wait3A] : memref<32768xf32, #tpu.memory_space<vmem>> -> memref<512xf32, #tpu.memory_space<vmem>>
      %dma_wait3A_112 = tpu.memref_slice %arg3[%run_scoped3A_59, %mul3A_34] : memref<64x2048xf32, #tpu.memory_space<hbm>> -> memref<1x512xf32, #tpu.memory_space<hbm>>
      %dma_wait3A_113 = tpu.memref_squeeze %dma_wait3A_112 : memref<1x512xf32, #tpu.memory_space<hbm>> -> memref<512xf32, #tpu.memory_space<hbm>>
      %dma_wait3A_114 = arith.constant 12800 : i32
      %dma_wait3A_115 = tpu.memref_slice %arg6[%dma_wait3A_114] : memref<32768xf32, #tpu.memory_space<vmem>> -> memref<512xf32, #tpu.memory_space<vmem>>
      %dma_wait3A_116 = tpu.memref_slice %arg3[%run_scoped3A_59, %mul3A_34] : memref<64x2048xf32, #tpu.memory_space<hbm>> -> memref<1x512xf32, #tpu.memory_space<hbm>>
      %dma_wait3A_117 = tpu.memref_squeeze %dma_wait3A_116 : memref<1x512xf32, #tpu.memory_space<hbm>> -> memref<512xf32, #tpu.memory_space<hbm>>
      tpu.wait_dma2 semaphore(%run_scoped3A_103 : memref<!tpu.dma_semaphore, #tpu.memory_space<semaphore_mem>>) src(%dma_wait3A_117 : memref<512xf32, #tpu.memory_space<hbm>>) dst(%dma_wait3A_115 : memref<512xf32, #tpu.memory_space<vmem>>)
      tpu.yield
    }) : () -> ()
    %run_scoped3A_60 = arith.constant 26 : i32
    "tpu.region"() ({
      %run_scoped3A_103 = tpu.sem_alloc : memref<!tpu.dma_semaphore, #tpu.memory_space<semaphore_mem>>
      %dma_start3A = arith.constant 13312 : i32
      %dma_start3A_104 = tpu.memref_slice %arg6[%dma_start3A] : memref<32768xf32, #tpu.memory_space<vmem>> -> memref<512xf32, #tpu.memory_space<vmem>>
      %dma_start3A_105 = tpu.memref_slice %arg3[%run_scoped3A_60, %mul3A_34] : memref<64x2048xf32, #tpu.memory_space<hbm>> -> memref<1x512xf32, #tpu.memory_space<hbm>>
      %dma_start3A_106 = tpu.memref_squeeze %dma_start3A_105 : memref<1x512xf32, #tpu.memory_space<hbm>> -> memref<512xf32, #tpu.memory_space<hbm>>
      %dma_start3A_107 = arith.constant 13312 : i32
      %dma_start3A_108 = tpu.memref_slice %arg6[%dma_start3A_107] : memref<32768xf32, #tpu.memory_space<vmem>> -> memref<512xf32, #tpu.memory_space<vmem>>
      %dma_start3A_109 = tpu.memref_slice %arg3[%run_scoped3A_60, %mul3A_34] : memref<64x2048xf32, #tpu.memory_space<hbm>> -> memref<1x512xf32, #tpu.memory_space<hbm>>
      %dma_start3A_110 = tpu.memref_squeeze %dma_start3A_109 : memref<1x512xf32, #tpu.memory_space<hbm>> -> memref<512xf32, #tpu.memory_space<hbm>>
      tpu.enqueue_dma source(%dma_start3A_110 : memref<512xf32, #tpu.memory_space<hbm>>) target(%dma_start3A_108 : memref<512xf32, #tpu.memory_space<vmem>>) target_semaphore(%run_scoped3A_103 : memref<!tpu.dma_semaphore, #tpu.memory_space<semaphore_mem>>)
      %dma_wait3A = arith.constant 13312 : i32
      %dma_wait3A_111 = tpu.memref_slice %arg6[%dma_wait3A] : memref<32768xf32, #tpu.memory_space<vmem>> -> memref<512xf32, #tpu.memory_space<vmem>>
      %dma_wait3A_112 = tpu.memref_slice %arg3[%run_scoped3A_60, %mul3A_34] : memref<64x2048xf32, #tpu.memory_space<hbm>> -> memref<1x512xf32, #tpu.memory_space<hbm>>
      %dma_wait3A_113 = tpu.memref_squeeze %dma_wait3A_112 : memref<1x512xf32, #tpu.memory_space<hbm>> -> memref<512xf32, #tpu.memory_space<hbm>>
      %dma_wait3A_114 = arith.constant 13312 : i32
      %dma_wait3A_115 = tpu.memref_slice %arg6[%dma_wait3A_114] : memref<32768xf32, #tpu.memory_space<vmem>> -> memref<512xf32, #tpu.memory_space<vmem>>
      %dma_wait3A_116 = tpu.memref_slice %arg3[%run_scoped3A_60, %mul3A_34] : memref<64x2048xf32, #tpu.memory_space<hbm>> -> memref<1x512xf32, #tpu.memory_space<hbm>>
      %dma_wait3A_117 = tpu.memref_squeeze %dma_wait3A_116 : memref<1x512xf32, #tpu.memory_space<hbm>> -> memref<512xf32, #tpu.memory_space<hbm>>
      tpu.wait_dma2 semaphore(%run_scoped3A_103 : memref<!tpu.dma_semaphore, #tpu.memory_space<semaphore_mem>>) src(%dma_wait3A_117 : memref<512xf32, #tpu.memory_space<hbm>>) dst(%dma_wait3A_115 : memref<512xf32, #tpu.memory_space<vmem>>)
      tpu.yield
    }) : () -> ()
    %run_scoped3A_61 = arith.constant 27 : i32
    "tpu.region"() ({
      %run_scoped3A_103 = tpu.sem_alloc : memref<!tpu.dma_semaphore, #tpu.memory_space<semaphore_mem>>
      %dma_start3A = arith.constant 13824 : i32
      %dma_start3A_104 = tpu.memref_slice %arg6[%dma_start3A] : memref<32768xf32, #tpu.memory_space<vmem>> -> memref<512xf32, #tpu.memory_space<vmem>>
      %dma_start3A_105 = tpu.memref_slice %arg3[%run_scoped3A_61, %mul3A_34] : memref<64x2048xf32, #tpu.memory_space<hbm>> -> memref<1x512xf32, #tpu.memory_space<hbm>>
      %dma_start3A_106 = tpu.memref_squeeze %dma_start3A_105 : memref<1x512xf32, #tpu.memory_space<hbm>> -> memref<512xf32, #tpu.memory_space<hbm>>
      %dma_start3A_107 = arith.constant 13824 : i32
      %dma_start3A_108 = tpu.memref_slice %arg6[%dma_start3A_107] : memref<32768xf32, #tpu.memory_space<vmem>> -> memref<512xf32, #tpu.memory_space<vmem>>
      %dma_start3A_109 = tpu.memref_slice %arg3[%run_scoped3A_61, %mul3A_34] : memref<64x2048xf32, #tpu.memory_space<hbm>> -> memref<1x512xf32, #tpu.memory_space<hbm>>
      %dma_start3A_110 = tpu.memref_squeeze %dma_start3A_109 : memref<1x512xf32, #tpu.memory_space<hbm>> -> memref<512xf32, #tpu.memory_space<hbm>>
      tpu.enqueue_dma source(%dma_start3A_110 : memref<512xf32, #tpu.memory_space<hbm>>) target(%dma_start3A_108 : memref<512xf32, #tpu.memory_space<vmem>>) target_semaphore(%run_scoped3A_103 : memref<!tpu.dma_semaphore, #tpu.memory_space<semaphore_mem>>)
      %dma_wait3A = arith.constant 13824 : i32
      %dma_wait3A_111 = tpu.memref_slice %arg6[%dma_wait3A] : memref<32768xf32, #tpu.memory_space<vmem>> -> memref<512xf32, #tpu.memory_space<vmem>>
      %dma_wait3A_112 = tpu.memref_slice %arg3[%run_scoped3A_61, %mul3A_34] : memref<64x2048xf32, #tpu.memory_space<hbm>> -> memref<1x512xf32, #tpu.memory_space<hbm>>
      %dma_wait3A_113 = tpu.memref_squeeze %dma_wait3A_112 : memref<1x512xf32, #tpu.memory_space<hbm>> -> memref<512xf32, #tpu.memory_space<hbm>>
      %dma_wait3A_114 = arith.constant 13824 : i32
      %dma_wait3A_115 = tpu.memref_slice %arg6[%dma_wait3A_114] : memref<32768xf32, #tpu.memory_space<vmem>> -> memref<512xf32, #tpu.memory_space<vmem>>
      %dma_wait3A_116 = tpu.memref_slice %arg3[%run_scoped3A_61, %mul3A_34] : memref<64x2048xf32, #tpu.memory_space<hbm>> -> memref<1x512xf32, #tpu.memory_space<hbm>>
      %dma_wait3A_117 = tpu.memref_squeeze %dma_wait3A_116 : memref<1x512xf32, #tpu.memory_space<hbm>> -> memref<512xf32, #tpu.memory_space<hbm>>
      tpu.wait_dma2 semaphore(%run_scoped3A_103 : memref<!tpu.dma_semaphore, #tpu.memory_space<semaphore_mem>>) src(%dma_wait3A_117 : memref<512xf32, #tpu.memory_space<hbm>>) dst(%dma_wait3A_115 : memref<512xf32, #tpu.memory_space<vmem>>)
      tpu.yield
    }) : () -> ()
    %run_scoped3A_62 = arith.constant 28 : i32
    "tpu.region"() ({
      %run_scoped3A_103 = tpu.sem_alloc : memref<!tpu.dma_semaphore, #tpu.memory_space<semaphore_mem>>
      %dma_start3A = arith.constant 14336 : i32
      %dma_start3A_104 = tpu.memref_slice %arg6[%dma_start3A] : memref<32768xf32, #tpu.memory_space<vmem>> -> memref<512xf32, #tpu.memory_space<vmem>>
      %dma_start3A_105 = tpu.memref_slice %arg3[%run_scoped3A_62, %mul3A_34] : memref<64x2048xf32, #tpu.memory_space<hbm>> -> memref<1x512xf32, #tpu.memory_space<hbm>>
      %dma_start3A_106 = tpu.memref_squeeze %dma_start3A_105 : memref<1x512xf32, #tpu.memory_space<hbm>> -> memref<512xf32, #tpu.memory_space<hbm>>
      %dma_start3A_107 = arith.constant 14336 : i32
      %dma_start3A_108 = tpu.memref_slice %arg6[%dma_start3A_107] : memref<32768xf32, #tpu.memory_space<vmem>> -> memref<512xf32, #tpu.memory_space<vmem>>
      %dma_start3A_109 = tpu.memref_slice %arg3[%run_scoped3A_62, %mul3A_34] : memref<64x2048xf32, #tpu.memory_space<hbm>> -> memref<1x512xf32, #tpu.memory_space<hbm>>
      %dma_start3A_110 = tpu.memref_squeeze %dma_start3A_109 : memref<1x512xf32, #tpu.memory_space<hbm>> -> memref<512xf32, #tpu.memory_space<hbm>>
      tpu.enqueue_dma source(%dma_start3A_110 : memref<512xf32, #tpu.memory_space<hbm>>) target(%dma_start3A_108 : memref<512xf32, #tpu.memory_space<vmem>>) target_semaphore(%run_scoped3A_103 : memref<!tpu.dma_semaphore, #tpu.memory_space<semaphore_mem>>)
      %dma_wait3A = arith.constant 14336 : i32
      %dma_wait3A_111 = tpu.memref_slice %arg6[%dma_wait3A] : memref<32768xf32, #tpu.memory_space<vmem>> -> memref<512xf32, #tpu.memory_space<vmem>>
      %dma_wait3A_112 = tpu.memref_slice %arg3[%run_scoped3A_62, %mul3A_34] : memref<64x2048xf32, #tpu.memory_space<hbm>> -> memref<1x512xf32, #tpu.memory_space<hbm>>
      %dma_wait3A_113 = tpu.memref_squeeze %dma_wait3A_112 : memref<1x512xf32, #tpu.memory_space<hbm>> -> memref<512xf32, #tpu.memory_space<hbm>>
      %dma_wait3A_114 = arith.constant 14336 : i32
      %dma_wait3A_115 = tpu.memref_slice %arg6[%dma_wait3A_114] : memref<32768xf32, #tpu.memory_space<vmem>> -> memref<512xf32, #tpu.memory_space<vmem>>
      %dma_wait3A_116 = tpu.memref_slice %arg3[%run_scoped3A_62, %mul3A_34] : memref<64x2048xf32, #tpu.memory_space<hbm>> -> memref<1x512xf32, #tpu.memory_space<hbm>>
      %dma_wait3A_117 = tpu.memref_squeeze %dma_wait3A_116 : memref<1x512xf32, #tpu.memory_space<hbm>> -> memref<512xf32, #tpu.memory_space<hbm>>
      tpu.wait_dma2 semaphore(%run_scoped3A_103 : memref<!tpu.dma_semaphore, #tpu.memory_space<semaphore_mem>>) src(%dma_wait3A_117 : memref<512xf32, #tpu.memory_space<hbm>>) dst(%dma_wait3A_115 : memref<512xf32, #tpu.memory_space<vmem>>)
      tpu.yield
    }) : () -> ()
    %run_scoped3A_63 = arith.constant 29 : i32
    "tpu.region"() ({
      %run_scoped3A_103 = tpu.sem_alloc : memref<!tpu.dma_semaphore, #tpu.memory_space<semaphore_mem>>
      %dma_start3A = arith.constant 14848 : i32
      %dma_start3A_104 = tpu.memref_slice %arg6[%dma_start3A] : memref<32768xf32, #tpu.memory_space<vmem>> -> memref<512xf32, #tpu.memory_space<vmem>>
      %dma_start3A_105 = tpu.memref_slice %arg3[%run_scoped3A_63, %mul3A_34] : memref<64x2048xf32, #tpu.memory_space<hbm>> -> memref<1x512xf32, #tpu.memory_space<hbm>>
      %dma_start3A_106 = tpu.memref_squeeze %dma_start3A_105 : memref<1x512xf32, #tpu.memory_space<hbm>> -> memref<512xf32, #tpu.memory_space<hbm>>
      %dma_start3A_107 = arith.constant 14848 : i32
      %dma_start3A_108 = tpu.memref_slice %arg6[%dma_start3A_107] : memref<32768xf32, #tpu.memory_space<vmem>> -> memref<512xf32, #tpu.memory_space<vmem>>
      %dma_start3A_109 = tpu.memref_slice %arg3[%run_scoped3A_63, %mul3A_34] : memref<64x2048xf32, #tpu.memory_space<hbm>> -> memref<1x512xf32, #tpu.memory_space<hbm>>
      %dma_start3A_110 = tpu.memref_squeeze %dma_start3A_109 : memref<1x512xf32, #tpu.memory_space<hbm>> -> memref<512xf32, #tpu.memory_space<hbm>>
      tpu.enqueue_dma source(%dma_start3A_110 : memref<512xf32, #tpu.memory_space<hbm>>) target(%dma_start3A_108 : memref<512xf32, #tpu.memory_space<vmem>>) target_semaphore(%run_scoped3A_103 : memref<!tpu.dma_semaphore, #tpu.memory_space<semaphore_mem>>)
      %dma_wait3A = arith.constant 14848 : i32
      %dma_wait3A_111 = tpu.memref_slice %arg6[%dma_wait3A] : memref<32768xf32, #tpu.memory_space<vmem>> -> memref<512xf32, #tpu.memory_space<vmem>>
      %dma_wait3A_112 = tpu.memref_slice %arg3[%run_scoped3A_63, %mul3A_34] : memref<64x2048xf32, #tpu.memory_space<hbm>> -> memref<1x512xf32, #tpu.memory_space<hbm>>
      %dma_wait3A_113 = tpu.memref_squeeze %dma_wait3A_112 : memref<1x512xf32, #tpu.memory_space<hbm>> -> memref<512xf32, #tpu.memory_space<hbm>>
      %dma_wait3A_114 = arith.constant 14848 : i32
      %dma_wait3A_115 = tpu.memref_slice %arg6[%dma_wait3A_114] : memref<32768xf32, #tpu.memory_space<vmem>> -> memref<512xf32, #tpu.memory_space<vmem>>
      %dma_wait3A_116 = tpu.memref_slice %arg3[%run_scoped3A_63, %mul3A_34] : memref<64x2048xf32, #tpu.memory_space<hbm>> -> memref<1x512xf32, #tpu.memory_space<hbm>>
      %dma_wait3A_117 = tpu.memref_squeeze %dma_wait3A_116 : memref<1x512xf32, #tpu.memory_space<hbm>> -> memref<512xf32, #tpu.memory_space<hbm>>
      tpu.wait_dma2 semaphore(%run_scoped3A_103 : memref<!tpu.dma_semaphore, #tpu.memory_space<semaphore_mem>>) src(%dma_wait3A_117 : memref<512xf32, #tpu.memory_space<hbm>>) dst(%dma_wait3A_115 : memref<512xf32, #tpu.memory_space<vmem>>)
      tpu.yield
    }) : () -> ()
    %run_scoped3A_64 = arith.constant 30 : i32
    "tpu.region"() ({
      %run_scoped3A_103 = tpu.sem_alloc : memref<!tpu.dma_semaphore, #tpu.memory_space<semaphore_mem>>
      %dma_start3A = arith.constant 15360 : i32
      %dma_start3A_104 = tpu.memref_slice %arg6[%dma_start3A] : memref<32768xf32, #tpu.memory_space<vmem>> -> memref<512xf32, #tpu.memory_space<vmem>>
      %dma_start3A_105 = tpu.memref_slice %arg3[%run_scoped3A_64, %mul3A_34] : memref<64x2048xf32, #tpu.memory_space<hbm>> -> memref<1x512xf32, #tpu.memory_space<hbm>>
      %dma_start3A_106 = tpu.memref_squeeze %dma_start3A_105 : memref<1x512xf32, #tpu.memory_space<hbm>> -> memref<512xf32, #tpu.memory_space<hbm>>
      %dma_start3A_107 = arith.constant 15360 : i32
      %dma_start3A_108 = tpu.memref_slice %arg6[%dma_start3A_107] : memref<32768xf32, #tpu.memory_space<vmem>> -> memref<512xf32, #tpu.memory_space<vmem>>
      %dma_start3A_109 = tpu.memref_slice %arg3[%run_scoped3A_64, %mul3A_34] : memref<64x2048xf32, #tpu.memory_space<hbm>> -> memref<1x512xf32, #tpu.memory_space<hbm>>
      %dma_start3A_110 = tpu.memref_squeeze %dma_start3A_109 : memref<1x512xf32, #tpu.memory_space<hbm>> -> memref<512xf32, #tpu.memory_space<hbm>>
      tpu.enqueue_dma source(%dma_start3A_110 : memref<512xf32, #tpu.memory_space<hbm>>) target(%dma_start3A_108 : memref<512xf32, #tpu.memory_space<vmem>>) target_semaphore(%run_scoped3A_103 : memref<!tpu.dma_semaphore, #tpu.memory_space<semaphore_mem>>)
      %dma_wait3A = arith.constant 15360 : i32
      %dma_wait3A_111 = tpu.memref_slice %arg6[%dma_wait3A] : memref<32768xf32, #tpu.memory_space<vmem>> -> memref<512xf32, #tpu.memory_space<vmem>>
      %dma_wait3A_112 = tpu.memref_slice %arg3[%run_scoped3A_64, %mul3A_34] : memref<64x2048xf32, #tpu.memory_space<hbm>> -> memref<1x512xf32, #tpu.memory_space<hbm>>
      %dma_wait3A_113 = tpu.memref_squeeze %dma_wait3A_112 : memref<1x512xf32, #tpu.memory_space<hbm>> -> memref<512xf32, #tpu.memory_space<hbm>>
      %dma_wait3A_114 = arith.constant 15360 : i32
      %dma_wait3A_115 = tpu.memref_slice %arg6[%dma_wait3A_114] : memref<32768xf32, #tpu.memory_space<vmem>> -> memref<512xf32, #tpu.memory_space<vmem>>
      %dma_wait3A_116 = tpu.memref_slice %arg3[%run_scoped3A_64, %mul3A_34] : memref<64x2048xf32, #tpu.memory_space<hbm>> -> memref<1x512xf32, #tpu.memory_space<hbm>>
      %dma_wait3A_117 = tpu.memref_squeeze %dma_wait3A_116 : memref<1x512xf32, #tpu.memory_space<hbm>> -> memref<512xf32, #tpu.memory_space<hbm>>
      tpu.wait_dma2 semaphore(%run_scoped3A_103 : memref<!tpu.dma_semaphore, #tpu.memory_space<semaphore_mem>>) src(%dma_wait3A_117 : memref<512xf32, #tpu.memory_space<hbm>>) dst(%dma_wait3A_115 : memref<512xf32, #tpu.memory_space<vmem>>)
      tpu.yield
    }) : () -> ()
    %run_scoped3A_65 = arith.constant 31 : i32
    "tpu.region"() ({
      %run_scoped3A_103 = tpu.sem_alloc : memref<!tpu.dma_semaphore, #tpu.memory_space<semaphore_mem>>
      %dma_start3A = arith.constant 15872 : i32
      %dma_start3A_104 = tpu.memref_slice %arg6[%dma_start3A] : memref<32768xf32, #tpu.memory_space<vmem>> -> memref<512xf32, #tpu.memory_space<vmem>>
      %dma_start3A_105 = tpu.memref_slice %arg3[%run_scoped3A_65, %mul3A_34] : memref<64x2048xf32, #tpu.memory_space<hbm>> -> memref<1x512xf32, #tpu.memory_space<hbm>>
      %dma_start3A_106 = tpu.memref_squeeze %dma_start3A_105 : memref<1x512xf32, #tpu.memory_space<hbm>> -> memref<512xf32, #tpu.memory_space<hbm>>
      %dma_start3A_107 = arith.constant 15872 : i32
      %dma_start3A_108 = tpu.memref_slice %arg6[%dma_start3A_107] : memref<32768xf32, #tpu.memory_space<vmem>> -> memref<512xf32, #tpu.memory_space<vmem>>
      %dma_start3A_109 = tpu.memref_slice %arg3[%run_scoped3A_65, %mul3A_34] : memref<64x2048xf32, #tpu.memory_space<hbm>> -> memref<1x512xf32, #tpu.memory_space<hbm>>
      %dma_start3A_110 = tpu.memref_squeeze %dma_start3A_109 : memref<1x512xf32, #tpu.memory_space<hbm>> -> memref<512xf32, #tpu.memory_space<hbm>>
      tpu.enqueue_dma source(%dma_start3A_110 : memref<512xf32, #tpu.memory_space<hbm>>) target(%dma_start3A_108 : memref<512xf32, #tpu.memory_space<vmem>>) target_semaphore(%run_scoped3A_103 : memref<!tpu.dma_semaphore, #tpu.memory_space<semaphore_mem>>)
      %dma_wait3A = arith.constant 15872 : i32
      %dma_wait3A_111 = tpu.memref_slice %arg6[%dma_wait3A] : memref<32768xf32, #tpu.memory_space<vmem>> -> memref<512xf32, #tpu.memory_space<vmem>>
      %dma_wait3A_112 = tpu.memref_slice %arg3[%run_scoped3A_65, %mul3A_34] : memref<64x2048xf32, #tpu.memory_space<hbm>> -> memref<1x512xf32, #tpu.memory_space<hbm>>
      %dma_wait3A_113 = tpu.memref_squeeze %dma_wait3A_112 : memref<1x512xf32, #tpu.memory_space<hbm>> -> memref<512xf32, #tpu.memory_space<hbm>>
      %dma_wait3A_114 = arith.constant 15872 : i32
      %dma_wait3A_115 = tpu.memref_slice %arg6[%dma_wait3A_114] : memref<32768xf32, #tpu.memory_space<vmem>> -> memref<512xf32, #tpu.memory_space<vmem>>
      %dma_wait3A_116 = tpu.memref_slice %arg3[%run_scoped3A_65, %mul3A_34] : memref<64x2048xf32, #tpu.memory_space<hbm>> -> memref<1x512xf32, #tpu.memory_space<hbm>>
      %dma_wait3A_117 = tpu.memref_squeeze %dma_wait3A_116 : memref<1x512xf32, #tpu.memory_space<hbm>> -> memref<512xf32, #tpu.memory_space<hbm>>
      tpu.wait_dma2 semaphore(%run_scoped3A_103 : memref<!tpu.dma_semaphore, #tpu.memory_space<semaphore_mem>>) src(%dma_wait3A_117 : memref<512xf32, #tpu.memory_space<hbm>>) dst(%dma_wait3A_115 : memref<512xf32, #tpu.memory_space<vmem>>)
      tpu.yield
    }) : () -> ()
    %run_scoped3A_66 = arith.constant 32 : i32
    "tpu.region"() ({
      %run_scoped3A_103 = tpu.sem_alloc : memref<!tpu.dma_semaphore, #tpu.memory_space<semaphore_mem>>
      %dma_start3A = arith.constant 16384 : i32
      %dma_start3A_104 = tpu.memref_slice %arg6[%dma_start3A] : memref<32768xf32, #tpu.memory_space<vmem>> -> memref<512xf32, #tpu.memory_space<vmem>>
      %dma_start3A_105 = tpu.memref_slice %arg3[%run_scoped3A_66, %mul3A_34] : memref<64x2048xf32, #tpu.memory_space<hbm>> -> memref<1x512xf32, #tpu.memory_space<hbm>>
      %dma_start3A_106 = tpu.memref_squeeze %dma_start3A_105 : memref<1x512xf32, #tpu.memory_space<hbm>> -> memref<512xf32, #tpu.memory_space<hbm>>
      %dma_start3A_107 = arith.constant 16384 : i32
      %dma_start3A_108 = tpu.memref_slice %arg6[%dma_start3A_107] : memref<32768xf32, #tpu.memory_space<vmem>> -> memref<512xf32, #tpu.memory_space<vmem>>
      %dma_start3A_109 = tpu.memref_slice %arg3[%run_scoped3A_66, %mul3A_34] : memref<64x2048xf32, #tpu.memory_space<hbm>> -> memref<1x512xf32, #tpu.memory_space<hbm>>
      %dma_start3A_110 = tpu.memref_squeeze %dma_start3A_109 : memref<1x512xf32, #tpu.memory_space<hbm>> -> memref<512xf32, #tpu.memory_space<hbm>>
      tpu.enqueue_dma source(%dma_start3A_110 : memref<512xf32, #tpu.memory_space<hbm>>) target(%dma_start3A_108 : memref<512xf32, #tpu.memory_space<vmem>>) target_semaphore(%run_scoped3A_103 : memref<!tpu.dma_semaphore, #tpu.memory_space<semaphore_mem>>)
      %dma_wait3A = arith.constant 16384 : i32
      %dma_wait3A_111 = tpu.memref_slice %arg6[%dma_wait3A] : memref<32768xf32, #tpu.memory_space<vmem>> -> memref<512xf32, #tpu.memory_space<vmem>>
      %dma_wait3A_112 = tpu.memref_slice %arg3[%run_scoped3A_66, %mul3A_34] : memref<64x2048xf32, #tpu.memory_space<hbm>> -> memref<1x512xf32, #tpu.memory_space<hbm>>
      %dma_wait3A_113 = tpu.memref_squeeze %dma_wait3A_112 : memref<1x512xf32, #tpu.memory_space<hbm>> -> memref<512xf32, #tpu.memory_space<hbm>>
      %dma_wait3A_114 = arith.constant 16384 : i32
      %dma_wait3A_115 = tpu.memref_slice %arg6[%dma_wait3A_114] : memref<32768xf32, #tpu.memory_space<vmem>> -> memref<512xf32, #tpu.memory_space<vmem>>
      %dma_wait3A_116 = tpu.memref_slice %arg3[%run_scoped3A_66, %mul3A_34] : memref<64x2048xf32, #tpu.memory_space<hbm>> -> memref<1x512xf32, #tpu.memory_space<hbm>>
      %dma_wait3A_117 = tpu.memref_squeeze %dma_wait3A_116 : memref<1x512xf32, #tpu.memory_space<hbm>> -> memref<512xf32, #tpu.memory_space<hbm>>
      tpu.wait_dma2 semaphore(%run_scoped3A_103 : memref<!tpu.dma_semaphore, #tpu.memory_space<semaphore_mem>>) src(%dma_wait3A_117 : memref<512xf32, #tpu.memory_space<hbm>>) dst(%dma_wait3A_115 : memref<512xf32, #tpu.memory_space<vmem>>)
      tpu.yield
    }) : () -> ()
    %run_scoped3A_67 = arith.constant 33 : i32
    "tpu.region"() ({
      %run_scoped3A_103 = tpu.sem_alloc : memref<!tpu.dma_semaphore, #tpu.memory_space<semaphore_mem>>
      %dma_start3A = arith.constant 16896 : i32
      %dma_start3A_104 = tpu.memref_slice %arg6[%dma_start3A] : memref<32768xf32, #tpu.memory_space<vmem>> -> memref<512xf32, #tpu.memory_space<vmem>>
      %dma_start3A_105 = tpu.memref_slice %arg3[%run_scoped3A_67, %mul3A_34] : memref<64x2048xf32, #tpu.memory_space<hbm>> -> memref<1x512xf32, #tpu.memory_space<hbm>>
      %dma_start3A_106 = tpu.memref_squeeze %dma_start3A_105 : memref<1x512xf32, #tpu.memory_space<hbm>> -> memref<512xf32, #tpu.memory_space<hbm>>
      %dma_start3A_107 = arith.constant 16896 : i32
      %dma_start3A_108 = tpu.memref_slice %arg6[%dma_start3A_107] : memref<32768xf32, #tpu.memory_space<vmem>> -> memref<512xf32, #tpu.memory_space<vmem>>
      %dma_start3A_109 = tpu.memref_slice %arg3[%run_scoped3A_67, %mul3A_34] : memref<64x2048xf32, #tpu.memory_space<hbm>> -> memref<1x512xf32, #tpu.memory_space<hbm>>
      %dma_start3A_110 = tpu.memref_squeeze %dma_start3A_109 : memref<1x512xf32, #tpu.memory_space<hbm>> -> memref<512xf32, #tpu.memory_space<hbm>>
      tpu.enqueue_dma source(%dma_start3A_110 : memref<512xf32, #tpu.memory_space<hbm>>) target(%dma_start3A_108 : memref<512xf32, #tpu.memory_space<vmem>>) target_semaphore(%run_scoped3A_103 : memref<!tpu.dma_semaphore, #tpu.memory_space<semaphore_mem>>)
      %dma_wait3A = arith.constant 16896 : i32
      %dma_wait3A_111 = tpu.memref_slice %arg6[%dma_wait3A] : memref<32768xf32, #tpu.memory_space<vmem>> -> memref<512xf32, #tpu.memory_space<vmem>>
      %dma_wait3A_112 = tpu.memref_slice %arg3[%run_scoped3A_67, %mul3A_34] : memref<64x2048xf32, #tpu.memory_space<hbm>> -> memref<1x512xf32, #tpu.memory_space<hbm>>
      %dma_wait3A_113 = tpu.memref_squeeze %dma_wait3A_112 : memref<1x512xf32, #tpu.memory_space<hbm>> -> memref<512xf32, #tpu.memory_space<hbm>>
      %dma_wait3A_114 = arith.constant 16896 : i32
      %dma_wait3A_115 = tpu.memref_slice %arg6[%dma_wait3A_114] : memref<32768xf32, #tpu.memory_space<vmem>> -> memref<512xf32, #tpu.memory_space<vmem>>
      %dma_wait3A_116 = tpu.memref_slice %arg3[%run_scoped3A_67, %mul3A_34] : memref<64x2048xf32, #tpu.memory_space<hbm>> -> memref<1x512xf32, #tpu.memory_space<hbm>>
      %dma_wait3A_117 = tpu.memref_squeeze %dma_wait3A_116 : memref<1x512xf32, #tpu.memory_space<hbm>> -> memref<512xf32, #tpu.memory_space<hbm>>
      tpu.wait_dma2 semaphore(%run_scoped3A_103 : memref<!tpu.dma_semaphore, #tpu.memory_space<semaphore_mem>>) src(%dma_wait3A_117 : memref<512xf32, #tpu.memory_space<hbm>>) dst(%dma_wait3A_115 : memref<512xf32, #tpu.memory_space<vmem>>)
      tpu.yield
    }) : () -> ()
    %run_scoped3A_68 = arith.constant 34 : i32
    "tpu.region"() ({
      %run_scoped3A_103 = tpu.sem_alloc : memref<!tpu.dma_semaphore, #tpu.memory_space<semaphore_mem>>
      %dma_start3A = arith.constant 17408 : i32
      %dma_start3A_104 = tpu.memref_slice %arg6[%dma_start3A] : memref<32768xf32, #tpu.memory_space<vmem>> -> memref<512xf32, #tpu.memory_space<vmem>>
      %dma_start3A_105 = tpu.memref_slice %arg3[%run_scoped3A_68, %mul3A_34] : memref<64x2048xf32, #tpu.memory_space<hbm>> -> memref<1x512xf32, #tpu.memory_space<hbm>>
      %dma_start3A_106 = tpu.memref_squeeze %dma_start3A_105 : memref<1x512xf32, #tpu.memory_space<hbm>> -> memref<512xf32, #tpu.memory_space<hbm>>
      %dma_start3A_107 = arith.constant 17408 : i32
      %dma_start3A_108 = tpu.memref_slice %arg6[%dma_start3A_107] : memref<32768xf32, #tpu.memory_space<vmem>> -> memref<512xf32, #tpu.memory_space<vmem>>
      %dma_start3A_109 = tpu.memref_slice %arg3[%run_scoped3A_68, %mul3A_34] : memref<64x2048xf32, #tpu.memory_space<hbm>> -> memref<1x512xf32, #tpu.memory_space<hbm>>
      %dma_start3A_110 = tpu.memref_squeeze %dma_start3A_109 : memref<1x512xf32, #tpu.memory_space<hbm>> -> memref<512xf32, #tpu.memory_space<hbm>>
      tpu.enqueue_dma source(%dma_start3A_110 : memref<512xf32, #tpu.memory_space<hbm>>) target(%dma_start3A_108 : memref<512xf32, #tpu.memory_space<vmem>>) target_semaphore(%run_scoped3A_103 : memref<!tpu.dma_semaphore, #tpu.memory_space<semaphore_mem>>)
      %dma_wait3A = arith.constant 17408 : i32
      %dma_wait3A_111 = tpu.memref_slice %arg6[%dma_wait3A] : memref<32768xf32, #tpu.memory_space<vmem>> -> memref<512xf32, #tpu.memory_space<vmem>>
      %dma_wait3A_112 = tpu.memref_slice %arg3[%run_scoped3A_68, %mul3A_34] : memref<64x2048xf32, #tpu.memory_space<hbm>> -> memref<1x512xf32, #tpu.memory_space<hbm>>
      %dma_wait3A_113 = tpu.memref_squeeze %dma_wait3A_112 : memref<1x512xf32, #tpu.memory_space<hbm>> -> memref<512xf32, #tpu.memory_space<hbm>>
      %dma_wait3A_114 = arith.constant 17408 : i32
      %dma_wait3A_115 = tpu.memref_slice %arg6[%dma_wait3A_114] : memref<32768xf32, #tpu.memory_space<vmem>> -> memref<512xf32, #tpu.memory_space<vmem>>
      %dma_wait3A_116 = tpu.memref_slice %arg3[%run_scoped3A_68, %mul3A_34] : memref<64x2048xf32, #tpu.memory_space<hbm>> -> memref<1x512xf32, #tpu.memory_space<hbm>>
      %dma_wait3A_117 = tpu.memref_squeeze %dma_wait3A_116 : memref<1x512xf32, #tpu.memory_space<hbm>> -> memref<512xf32, #tpu.memory_space<hbm>>
      tpu.wait_dma2 semaphore(%run_scoped3A_103 : memref<!tpu.dma_semaphore, #tpu.memory_space<semaphore_mem>>) src(%dma_wait3A_117 : memref<512xf32, #tpu.memory_space<hbm>>) dst(%dma_wait3A_115 : memref<512xf32, #tpu.memory_space<vmem>>)
      tpu.yield
    }) : () -> ()
    %run_scoped3A_69 = arith.constant 35 : i32
    "tpu.region"() ({
      %run_scoped3A_103 = tpu.sem_alloc : memref<!tpu.dma_semaphore, #tpu.memory_space<semaphore_mem>>
      %dma_start3A = arith.constant 17920 : i32
      %dma_start3A_104 = tpu.memref_slice %arg6[%dma_start3A] : memref<32768xf32, #tpu.memory_space<vmem>> -> memref<512xf32, #tpu.memory_space<vmem>>
      %dma_start3A_105 = tpu.memref_slice %arg3[%run_scoped3A_69, %mul3A_34] : memref<64x2048xf32, #tpu.memory_space<hbm>> -> memref<1x512xf32, #tpu.memory_space<hbm>>
      %dma_start3A_106 = tpu.memref_squeeze %dma_start3A_105 : memref<1x512xf32, #tpu.memory_space<hbm>> -> memref<512xf32, #tpu.memory_space<hbm>>
      %dma_start3A_107 = arith.constant 17920 : i32
      %dma_start3A_108 = tpu.memref_slice %arg6[%dma_start3A_107] : memref<32768xf32, #tpu.memory_space<vmem>> -> memref<512xf32, #tpu.memory_space<vmem>>
      %dma_start3A_109 = tpu.memref_slice %arg3[%run_scoped3A_69, %mul3A_34] : memref<64x2048xf32, #tpu.memory_space<hbm>> -> memref<1x512xf32, #tpu.memory_space<hbm>>
      %dma_start3A_110 = tpu.memref_squeeze %dma_start3A_109 : memref<1x512xf32, #tpu.memory_space<hbm>> -> memref<512xf32, #tpu.memory_space<hbm>>
      tpu.enqueue_dma source(%dma_start3A_110 : memref<512xf32, #tpu.memory_space<hbm>>) target(%dma_start3A_108 : memref<512xf32, #tpu.memory_space<vmem>>) target_semaphore(%run_scoped3A_103 : memref<!tpu.dma_semaphore, #tpu.memory_space<semaphore_mem>>)
      %dma_wait3A = arith.constant 17920 : i32
      %dma_wait3A_111 = tpu.memref_slice %arg6[%dma_wait3A] : memref<32768xf32, #tpu.memory_space<vmem>> -> memref<512xf32, #tpu.memory_space<vmem>>
      %dma_wait3A_112 = tpu.memref_slice %arg3[%run_scoped3A_69, %mul3A_34] : memref<64x2048xf32, #tpu.memory_space<hbm>> -> memref<1x512xf32, #tpu.memory_space<hbm>>
      %dma_wait3A_113 = tpu.memref_squeeze %dma_wait3A_112 : memref<1x512xf32, #tpu.memory_space<hbm>> -> memref<512xf32, #tpu.memory_space<hbm>>
      %dma_wait3A_114 = arith.constant 17920 : i32
      %dma_wait3A_115 = tpu.memref_slice %arg6[%dma_wait3A_114] : memref<32768xf32, #tpu.memory_space<vmem>> -> memref<512xf32, #tpu.memory_space<vmem>>
      %dma_wait3A_116 = tpu.memref_slice %arg3[%run_scoped3A_69, %mul3A_34] : memref<64x2048xf32, #tpu.memory_space<hbm>> -> memref<1x512xf32, #tpu.memory_space<hbm>>
      %dma_wait3A_117 = tpu.memref_squeeze %dma_wait3A_116 : memref<1x512xf32, #tpu.memory_space<hbm>> -> memref<512xf32, #tpu.memory_space<hbm>>
      tpu.wait_dma2 semaphore(%run_scoped3A_103 : memref<!tpu.dma_semaphore, #tpu.memory_space<semaphore_mem>>) src(%dma_wait3A_117 : memref<512xf32, #tpu.memory_space<hbm>>) dst(%dma_wait3A_115 : memref<512xf32, #tpu.memory_space<vmem>>)
      tpu.yield
    }) : () -> ()
    %run_scoped3A_70 = arith.constant 36 : i32
    "tpu.region"() ({
      %run_scoped3A_103 = tpu.sem_alloc : memref<!tpu.dma_semaphore, #tpu.memory_space<semaphore_mem>>
      %dma_start3A = arith.constant 18432 : i32
      %dma_start3A_104 = tpu.memref_slice %arg6[%dma_start3A] : memref<32768xf32, #tpu.memory_space<vmem>> -> memref<512xf32, #tpu.memory_space<vmem>>
      %dma_start3A_105 = tpu.memref_slice %arg3[%run_scoped3A_70, %mul3A_34] : memref<64x2048xf32, #tpu.memory_space<hbm>> -> memref<1x512xf32, #tpu.memory_space<hbm>>
      %dma_start3A_106 = tpu.memref_squeeze %dma_start3A_105 : memref<1x512xf32, #tpu.memory_space<hbm>> -> memref<512xf32, #tpu.memory_space<hbm>>
      %dma_start3A_107 = arith.constant 18432 : i32
      %dma_start3A_108 = tpu.memref_slice %arg6[%dma_start3A_107] : memref<32768xf32, #tpu.memory_space<vmem>> -> memref<512xf32, #tpu.memory_space<vmem>>
      %dma_start3A_109 = tpu.memref_slice %arg3[%run_scoped3A_70, %mul3A_34] : memref<64x2048xf32, #tpu.memory_space<hbm>> -> memref<1x512xf32, #tpu.memory_space<hbm>>
      %dma_start3A_110 = tpu.memref_squeeze %dma_start3A_109 : memref<1x512xf32, #tpu.memory_space<hbm>> -> memref<512xf32, #tpu.memory_space<hbm>>
      tpu.enqueue_dma source(%dma_start3A_110 : memref<512xf32, #tpu.memory_space<hbm>>) target(%dma_start3A_108 : memref<512xf32, #tpu.memory_space<vmem>>) target_semaphore(%run_scoped3A_103 : memref<!tpu.dma_semaphore, #tpu.memory_space<semaphore_mem>>)
      %dma_wait3A = arith.constant 18432 : i32
      %dma_wait3A_111 = tpu.memref_slice %arg6[%dma_wait3A] : memref<32768xf32, #tpu.memory_space<vmem>> -> memref<512xf32, #tpu.memory_space<vmem>>
      %dma_wait3A_112 = tpu.memref_slice %arg3[%run_scoped3A_70, %mul3A_34] : memref<64x2048xf32, #tpu.memory_space<hbm>> -> memref<1x512xf32, #tpu.memory_space<hbm>>
      %dma_wait3A_113 = tpu.memref_squeeze %dma_wait3A_112 : memref<1x512xf32, #tpu.memory_space<hbm>> -> memref<512xf32, #tpu.memory_space<hbm>>
      %dma_wait3A_114 = arith.constant 18432 : i32
      %dma_wait3A_115 = tpu.memref_slice %arg6[%dma_wait3A_114] : memref<32768xf32, #tpu.memory_space<vmem>> -> memref<512xf32, #tpu.memory_space<vmem>>
      %dma_wait3A_116 = tpu.memref_slice %arg3[%run_scoped3A_70, %mul3A_34] : memref<64x2048xf32, #tpu.memory_space<hbm>> -> memref<1x512xf32, #tpu.memory_space<hbm>>
      %dma_wait3A_117 = tpu.memref_squeeze %dma_wait3A_116 : memref<1x512xf32, #tpu.memory_space<hbm>> -> memref<512xf32, #tpu.memory_space<hbm>>
      tpu.wait_dma2 semaphore(%run_scoped3A_103 : memref<!tpu.dma_semaphore, #tpu.memory_space<semaphore_mem>>) src(%dma_wait3A_117 : memref<512xf32, #tpu.memory_space<hbm>>) dst(%dma_wait3A_115 : memref<512xf32, #tpu.memory_space<vmem>>)
      tpu.yield
    }) : () -> ()
    %run_scoped3A_71 = arith.constant 37 : i32
    "tpu.region"() ({
      %run_scoped3A_103 = tpu.sem_alloc : memref<!tpu.dma_semaphore, #tpu.memory_space<semaphore_mem>>
      %dma_start3A = arith.constant 18944 : i32
      %dma_start3A_104 = tpu.memref_slice %arg6[%dma_start3A] : memref<32768xf32, #tpu.memory_space<vmem>> -> memref<512xf32, #tpu.memory_space<vmem>>
      %dma_start3A_105 = tpu.memref_slice %arg3[%run_scoped3A_71, %mul3A_34] : memref<64x2048xf32, #tpu.memory_space<hbm>> -> memref<1x512xf32, #tpu.memory_space<hbm>>
      %dma_start3A_106 = tpu.memref_squeeze %dma_start3A_105 : memref<1x512xf32, #tpu.memory_space<hbm>> -> memref<512xf32, #tpu.memory_space<hbm>>
      %dma_start3A_107 = arith.constant 18944 : i32
      %dma_start3A_108 = tpu.memref_slice %arg6[%dma_start3A_107] : memref<32768xf32, #tpu.memory_space<vmem>> -> memref<512xf32, #tpu.memory_space<vmem>>
      %dma_start3A_109 = tpu.memref_slice %arg3[%run_scoped3A_71, %mul3A_34] : memref<64x2048xf32, #tpu.memory_space<hbm>> -> memref<1x512xf32, #tpu.memory_space<hbm>>
      %dma_start3A_110 = tpu.memref_squeeze %dma_start3A_109 : memref<1x512xf32, #tpu.memory_space<hbm>> -> memref<512xf32, #tpu.memory_space<hbm>>
      tpu.enqueue_dma source(%dma_start3A_110 : memref<512xf32, #tpu.memory_space<hbm>>) target(%dma_start3A_108 : memref<512xf32, #tpu.memory_space<vmem>>) target_semaphore(%run_scoped3A_103 : memref<!tpu.dma_semaphore, #tpu.memory_space<semaphore_mem>>)
      %dma_wait3A = arith.constant 18944 : i32
      %dma_wait3A_111 = tpu.memref_slice %arg6[%dma_wait3A] : memref<32768xf32, #tpu.memory_space<vmem>> -> memref<512xf32, #tpu.memory_space<vmem>>
      %dma_wait3A_112 = tpu.memref_slice %arg3[%run_scoped3A_71, %mul3A_34] : memref<64x2048xf32, #tpu.memory_space<hbm>> -> memref<1x512xf32, #tpu.memory_space<hbm>>
      %dma_wait3A_113 = tpu.memref_squeeze %dma_wait3A_112 : memref<1x512xf32, #tpu.memory_space<hbm>> -> memref<512xf32, #tpu.memory_space<hbm>>
      %dma_wait3A_114 = arith.constant 18944 : i32
      %dma_wait3A_115 = tpu.memref_slice %arg6[%dma_wait3A_114] : memref<32768xf32, #tpu.memory_space<vmem>> -> memref<512xf32, #tpu.memory_space<vmem>>
      %dma_wait3A_116 = tpu.memref_slice %arg3[%run_scoped3A_71, %mul3A_34] : memref<64x2048xf32, #tpu.memory_space<hbm>> -> memref<1x512xf32, #tpu.memory_space<hbm>>
      %dma_wait3A_117 = tpu.memref_squeeze %dma_wait3A_116 : memref<1x512xf32, #tpu.memory_space<hbm>> -> memref<512xf32, #tpu.memory_space<hbm>>
      tpu.wait_dma2 semaphore(%run_scoped3A_103 : memref<!tpu.dma_semaphore, #tpu.memory_space<semaphore_mem>>) src(%dma_wait3A_117 : memref<512xf32, #tpu.memory_space<hbm>>) dst(%dma_wait3A_115 : memref<512xf32, #tpu.memory_space<vmem>>)
      tpu.yield
    }) : () -> ()
    %run_scoped3A_72 = arith.constant 38 : i32
    "tpu.region"() ({
      %run_scoped3A_103 = tpu.sem_alloc : memref<!tpu.dma_semaphore, #tpu.memory_space<semaphore_mem>>
      %dma_start3A = arith.constant 19456 : i32
      %dma_start3A_104 = tpu.memref_slice %arg6[%dma_start3A] : memref<32768xf32, #tpu.memory_space<vmem>> -> memref<512xf32, #tpu.memory_space<vmem>>
      %dma_start3A_105 = tpu.memref_slice %arg3[%run_scoped3A_72, %mul3A_34] : memref<64x2048xf32, #tpu.memory_space<hbm>> -> memref<1x512xf32, #tpu.memory_space<hbm>>
      %dma_start3A_106 = tpu.memref_squeeze %dma_start3A_105 : memref<1x512xf32, #tpu.memory_space<hbm>> -> memref<512xf32, #tpu.memory_space<hbm>>
      %dma_start3A_107 = arith.constant 19456 : i32
      %dma_start3A_108 = tpu.memref_slice %arg6[%dma_start3A_107] : memref<32768xf32, #tpu.memory_space<vmem>> -> memref<512xf32, #tpu.memory_space<vmem>>
      %dma_start3A_109 = tpu.memref_slice %arg3[%run_scoped3A_72, %mul3A_34] : memref<64x2048xf32, #tpu.memory_space<hbm>> -> memref<1x512xf32, #tpu.memory_space<hbm>>
      %dma_start3A_110 = tpu.memref_squeeze %dma_start3A_109 : memref<1x512xf32, #tpu.memory_space<hbm>> -> memref<512xf32, #tpu.memory_space<hbm>>
      tpu.enqueue_dma source(%dma_start3A_110 : memref<512xf32, #tpu.memory_space<hbm>>) target(%dma_start3A_108 : memref<512xf32, #tpu.memory_space<vmem>>) target_semaphore(%run_scoped3A_103 : memref<!tpu.dma_semaphore, #tpu.memory_space<semaphore_mem>>)
      %dma_wait3A = arith.constant 19456 : i32
      %dma_wait3A_111 = tpu.memref_slice %arg6[%dma_wait3A] : memref<32768xf32, #tpu.memory_space<vmem>> -> memref<512xf32, #tpu.memory_space<vmem>>
      %dma_wait3A_112 = tpu.memref_slice %arg3[%run_scoped3A_72, %mul3A_34] : memref<64x2048xf32, #tpu.memory_space<hbm>> -> memref<1x512xf32, #tpu.memory_space<hbm>>
      %dma_wait3A_113 = tpu.memref_squeeze %dma_wait3A_112 : memref<1x512xf32, #tpu.memory_space<hbm>> -> memref<512xf32, #tpu.memory_space<hbm>>
      %dma_wait3A_114 = arith.constant 19456 : i32
      %dma_wait3A_115 = tpu.memref_slice %arg6[%dma_wait3A_114] : memref<32768xf32, #tpu.memory_space<vmem>> -> memref<512xf32, #tpu.memory_space<vmem>>
      %dma_wait3A_116 = tpu.memref_slice %arg3[%run_scoped3A_72, %mul3A_34] : memref<64x2048xf32, #tpu.memory_space<hbm>> -> memref<1x512xf32, #tpu.memory_space<hbm>>
      %dma_wait3A_117 = tpu.memref_squeeze %dma_wait3A_116 : memref<1x512xf32, #tpu.memory_space<hbm>> -> memref<512xf32, #tpu.memory_space<hbm>>
      tpu.wait_dma2 semaphore(%run_scoped3A_103 : memref<!tpu.dma_semaphore, #tpu.memory_space<semaphore_mem>>) src(%dma_wait3A_117 : memref<512xf32, #tpu.memory_space<hbm>>) dst(%dma_wait3A_115 : memref<512xf32, #tpu.memory_space<vmem>>)
      tpu.yield
    }) : () -> ()
    %run_scoped3A_73 = arith.constant 39 : i32
    "tpu.region"() ({
      %run_scoped3A_103 = tpu.sem_alloc : memref<!tpu.dma_semaphore, #tpu.memory_space<semaphore_mem>>
      %dma_start3A = arith.constant 19968 : i32
      %dma_start3A_104 = tpu.memref_slice %arg6[%dma_start3A] : memref<32768xf32, #tpu.memory_space<vmem>> -> memref<512xf32, #tpu.memory_space<vmem>>
      %dma_start3A_105 = tpu.memref_slice %arg3[%run_scoped3A_73, %mul3A_34] : memref<64x2048xf32, #tpu.memory_space<hbm>> -> memref<1x512xf32, #tpu.memory_space<hbm>>
      %dma_start3A_106 = tpu.memref_squeeze %dma_start3A_105 : memref<1x512xf32, #tpu.memory_space<hbm>> -> memref<512xf32, #tpu.memory_space<hbm>>
      %dma_start3A_107 = arith.constant 19968 : i32
      %dma_start3A_108 = tpu.memref_slice %arg6[%dma_start3A_107] : memref<32768xf32, #tpu.memory_space<vmem>> -> memref<512xf32, #tpu.memory_space<vmem>>
      %dma_start3A_109 = tpu.memref_slice %arg3[%run_scoped3A_73, %mul3A_34] : memref<64x2048xf32, #tpu.memory_space<hbm>> -> memref<1x512xf32, #tpu.memory_space<hbm>>
      %dma_start3A_110 = tpu.memref_squeeze %dma_start3A_109 : memref<1x512xf32, #tpu.memory_space<hbm>> -> memref<512xf32, #tpu.memory_space<hbm>>
      tpu.enqueue_dma source(%dma_start3A_110 : memref<512xf32, #tpu.memory_space<hbm>>) target(%dma_start3A_108 : memref<512xf32, #tpu.memory_space<vmem>>) target_semaphore(%run_scoped3A_103 : memref<!tpu.dma_semaphore, #tpu.memory_space<semaphore_mem>>)
      %dma_wait3A = arith.constant 19968 : i32
      %dma_wait3A_111 = tpu.memref_slice %arg6[%dma_wait3A] : memref<32768xf32, #tpu.memory_space<vmem>> -> memref<512xf32, #tpu.memory_space<vmem>>
      %dma_wait3A_112 = tpu.memref_slice %arg3[%run_scoped3A_73, %mul3A_34] : memref<64x2048xf32, #tpu.memory_space<hbm>> -> memref<1x512xf32, #tpu.memory_space<hbm>>
      %dma_wait3A_113 = tpu.memref_squeeze %dma_wait3A_112 : memref<1x512xf32, #tpu.memory_space<hbm>> -> memref<512xf32, #tpu.memory_space<hbm>>
      %dma_wait3A_114 = arith.constant 19968 : i32
      %dma_wait3A_115 = tpu.memref_slice %arg6[%dma_wait3A_114] : memref<32768xf32, #tpu.memory_space<vmem>> -> memref<512xf32, #tpu.memory_space<vmem>>
      %dma_wait3A_116 = tpu.memref_slice %arg3[%run_scoped3A_73, %mul3A_34] : memref<64x2048xf32, #tpu.memory_space<hbm>> -> memref<1x512xf32, #tpu.memory_space<hbm>>
      %dma_wait3A_117 = tpu.memref_squeeze %dma_wait3A_116 : memref<1x512xf32, #tpu.memory_space<hbm>> -> memref<512xf32, #tpu.memory_space<hbm>>
      tpu.wait_dma2 semaphore(%run_scoped3A_103 : memref<!tpu.dma_semaphore, #tpu.memory_space<semaphore_mem>>) src(%dma_wait3A_117 : memref<512xf32, #tpu.memory_space<hbm>>) dst(%dma_wait3A_115 : memref<512xf32, #tpu.memory_space<vmem>>)
      tpu.yield
    }) : () -> ()
    %run_scoped3A_74 = arith.constant 40 : i32
    "tpu.region"() ({
      %run_scoped3A_103 = tpu.sem_alloc : memref<!tpu.dma_semaphore, #tpu.memory_space<semaphore_mem>>
      %dma_start3A = arith.constant 20480 : i32
      %dma_start3A_104 = tpu.memref_slice %arg6[%dma_start3A] : memref<32768xf32, #tpu.memory_space<vmem>> -> memref<512xf32, #tpu.memory_space<vmem>>
      %dma_start3A_105 = tpu.memref_slice %arg3[%run_scoped3A_74, %mul3A_34] : memref<64x2048xf32, #tpu.memory_space<hbm>> -> memref<1x512xf32, #tpu.memory_space<hbm>>
      %dma_start3A_106 = tpu.memref_squeeze %dma_start3A_105 : memref<1x512xf32, #tpu.memory_space<hbm>> -> memref<512xf32, #tpu.memory_space<hbm>>
      %dma_start3A_107 = arith.constant 20480 : i32
      %dma_start3A_108 = tpu.memref_slice %arg6[%dma_start3A_107] : memref<32768xf32, #tpu.memory_space<vmem>> -> memref<512xf32, #tpu.memory_space<vmem>>
      %dma_start3A_109 = tpu.memref_slice %arg3[%run_scoped3A_74, %mul3A_34] : memref<64x2048xf32, #tpu.memory_space<hbm>> -> memref<1x512xf32, #tpu.memory_space<hbm>>
      %dma_start3A_110 = tpu.memref_squeeze %dma_start3A_109 : memref<1x512xf32, #tpu.memory_space<hbm>> -> memref<512xf32, #tpu.memory_space<hbm>>
      tpu.enqueue_dma source(%dma_start3A_110 : memref<512xf32, #tpu.memory_space<hbm>>) target(%dma_start3A_108 : memref<512xf32, #tpu.memory_space<vmem>>) target_semaphore(%run_scoped3A_103 : memref<!tpu.dma_semaphore, #tpu.memory_space<semaphore_mem>>)
      %dma_wait3A = arith.constant 20480 : i32
      %dma_wait3A_111 = tpu.memref_slice %arg6[%dma_wait3A] : memref<32768xf32, #tpu.memory_space<vmem>> -> memref<512xf32, #tpu.memory_space<vmem>>
      %dma_wait3A_112 = tpu.memref_slice %arg3[%run_scoped3A_74, %mul3A_34] : memref<64x2048xf32, #tpu.memory_space<hbm>> -> memref<1x512xf32, #tpu.memory_space<hbm>>
      %dma_wait3A_113 = tpu.memref_squeeze %dma_wait3A_112 : memref<1x512xf32, #tpu.memory_space<hbm>> -> memref<512xf32, #tpu.memory_space<hbm>>
      %dma_wait3A_114 = arith.constant 20480 : i32
      %dma_wait3A_115 = tpu.memref_slice %arg6[%dma_wait3A_114] : memref<32768xf32, #tpu.memory_space<vmem>> -> memref<512xf32, #tpu.memory_space<vmem>>
      %dma_wait3A_116 = tpu.memref_slice %arg3[%run_scoped3A_74, %mul3A_34] : memref<64x2048xf32, #tpu.memory_space<hbm>> -> memref<1x512xf32, #tpu.memory_space<hbm>>
      %dma_wait3A_117 = tpu.memref_squeeze %dma_wait3A_116 : memref<1x512xf32, #tpu.memory_space<hbm>> -> memref<512xf32, #tpu.memory_space<hbm>>
      tpu.wait_dma2 semaphore(%run_scoped3A_103 : memref<!tpu.dma_semaphore, #tpu.memory_space<semaphore_mem>>) src(%dma_wait3A_117 : memref<512xf32, #tpu.memory_space<hbm>>) dst(%dma_wait3A_115 : memref<512xf32, #tpu.memory_space<vmem>>)
      tpu.yield
    }) : () -> ()
    %run_scoped3A_75 = arith.constant 41 : i32
    "tpu.region"() ({
      %run_scoped3A_103 = tpu.sem_alloc : memref<!tpu.dma_semaphore, #tpu.memory_space<semaphore_mem>>
      %dma_start3A = arith.constant 20992 : i32
      %dma_start3A_104 = tpu.memref_slice %arg6[%dma_start3A] : memref<32768xf32, #tpu.memory_space<vmem>> -> memref<512xf32, #tpu.memory_space<vmem>>
      %dma_start3A_105 = tpu.memref_slice %arg3[%run_scoped3A_75, %mul3A_34] : memref<64x2048xf32, #tpu.memory_space<hbm>> -> memref<1x512xf32, #tpu.memory_space<hbm>>
      %dma_start3A_106 = tpu.memref_squeeze %dma_start3A_105 : memref<1x512xf32, #tpu.memory_space<hbm>> -> memref<512xf32, #tpu.memory_space<hbm>>
      %dma_start3A_107 = arith.constant 20992 : i32
      %dma_start3A_108 = tpu.memref_slice %arg6[%dma_start3A_107] : memref<32768xf32, #tpu.memory_space<vmem>> -> memref<512xf32, #tpu.memory_space<vmem>>
      %dma_start3A_109 = tpu.memref_slice %arg3[%run_scoped3A_75, %mul3A_34] : memref<64x2048xf32, #tpu.memory_space<hbm>> -> memref<1x512xf32, #tpu.memory_space<hbm>>
      %dma_start3A_110 = tpu.memref_squeeze %dma_start3A_109 : memref<1x512xf32, #tpu.memory_space<hbm>> -> memref<512xf32, #tpu.memory_space<hbm>>
      tpu.enqueue_dma source(%dma_start3A_110 : memref<512xf32, #tpu.memory_space<hbm>>) target(%dma_start3A_108 : memref<512xf32, #tpu.memory_space<vmem>>) target_semaphore(%run_scoped3A_103 : memref<!tpu.dma_semaphore, #tpu.memory_space<semaphore_mem>>)
      %dma_wait3A = arith.constant 20992 : i32
      %dma_wait3A_111 = tpu.memref_slice %arg6[%dma_wait3A] : memref<32768xf32, #tpu.memory_space<vmem>> -> memref<512xf32, #tpu.memory_space<vmem>>
      %dma_wait3A_112 = tpu.memref_slice %arg3[%run_scoped3A_75, %mul3A_34] : memref<64x2048xf32, #tpu.memory_space<hbm>> -> memref<1x512xf32, #tpu.memory_space<hbm>>
      %dma_wait3A_113 = tpu.memref_squeeze %dma_wait3A_112 : memref<1x512xf32, #tpu.memory_space<hbm>> -> memref<512xf32, #tpu.memory_space<hbm>>
      %dma_wait3A_114 = arith.constant 20992 : i32
      %dma_wait3A_115 = tpu.memref_slice %arg6[%dma_wait3A_114] : memref<32768xf32, #tpu.memory_space<vmem>> -> memref<512xf32, #tpu.memory_space<vmem>>
      %dma_wait3A_116 = tpu.memref_slice %arg3[%run_scoped3A_75, %mul3A_34] : memref<64x2048xf32, #tpu.memory_space<hbm>> -> memref<1x512xf32, #tpu.memory_space<hbm>>
      %dma_wait3A_117 = tpu.memref_squeeze %dma_wait3A_116 : memref<1x512xf32, #tpu.memory_space<hbm>> -> memref<512xf32, #tpu.memory_space<hbm>>
      tpu.wait_dma2 semaphore(%run_scoped3A_103 : memref<!tpu.dma_semaphore, #tpu.memory_space<semaphore_mem>>) src(%dma_wait3A_117 : memref<512xf32, #tpu.memory_space<hbm>>) dst(%dma_wait3A_115 : memref<512xf32, #tpu.memory_space<vmem>>)
      tpu.yield
    }) : () -> ()
    %run_scoped3A_76 = arith.constant 42 : i32
    "tpu.region"() ({
      %run_scoped3A_103 = tpu.sem_alloc : memref<!tpu.dma_semaphore, #tpu.memory_space<semaphore_mem>>
      %dma_start3A = arith.constant 21504 : i32
      %dma_start3A_104 = tpu.memref_slice %arg6[%dma_start3A] : memref<32768xf32, #tpu.memory_space<vmem>> -> memref<512xf32, #tpu.memory_space<vmem>>
      %dma_start3A_105 = tpu.memref_slice %arg3[%run_scoped3A_76, %mul3A_34] : memref<64x2048xf32, #tpu.memory_space<hbm>> -> memref<1x512xf32, #tpu.memory_space<hbm>>
      %dma_start3A_106 = tpu.memref_squeeze %dma_start3A_105 : memref<1x512xf32, #tpu.memory_space<hbm>> -> memref<512xf32, #tpu.memory_space<hbm>>
      %dma_start3A_107 = arith.constant 21504 : i32
      %dma_start3A_108 = tpu.memref_slice %arg6[%dma_start3A_107] : memref<32768xf32, #tpu.memory_space<vmem>> -> memref<512xf32, #tpu.memory_space<vmem>>
      %dma_start3A_109 = tpu.memref_slice %arg3[%run_scoped3A_76, %mul3A_34] : memref<64x2048xf32, #tpu.memory_space<hbm>> -> memref<1x512xf32, #tpu.memory_space<hbm>>
      %dma_start3A_110 = tpu.memref_squeeze %dma_start3A_109 : memref<1x512xf32, #tpu.memory_space<hbm>> -> memref<512xf32, #tpu.memory_space<hbm>>
      tpu.enqueue_dma source(%dma_start3A_110 : memref<512xf32, #tpu.memory_space<hbm>>) target(%dma_start3A_108 : memref<512xf32, #tpu.memory_space<vmem>>) target_semaphore(%run_scoped3A_103 : memref<!tpu.dma_semaphore, #tpu.memory_space<semaphore_mem>>)
      %dma_wait3A = arith.constant 21504 : i32
      %dma_wait3A_111 = tpu.memref_slice %arg6[%dma_wait3A] : memref<32768xf32, #tpu.memory_space<vmem>> -> memref<512xf32, #tpu.memory_space<vmem>>
      %dma_wait3A_112 = tpu.memref_slice %arg3[%run_scoped3A_76, %mul3A_34] : memref<64x2048xf32, #tpu.memory_space<hbm>> -> memref<1x512xf32, #tpu.memory_space<hbm>>
      %dma_wait3A_113 = tpu.memref_squeeze %dma_wait3A_112 : memref<1x512xf32, #tpu.memory_space<hbm>> -> memref<512xf32, #tpu.memory_space<hbm>>
      %dma_wait3A_114 = arith.constant 21504 : i32
      %dma_wait3A_115 = tpu.memref_slice %arg6[%dma_wait3A_114] : memref<32768xf32, #tpu.memory_space<vmem>> -> memref<512xf32, #tpu.memory_space<vmem>>
      %dma_wait3A_116 = tpu.memref_slice %arg3[%run_scoped3A_76, %mul3A_34] : memref<64x2048xf32, #tpu.memory_space<hbm>> -> memref<1x512xf32, #tpu.memory_space<hbm>>
      %dma_wait3A_117 = tpu.memref_squeeze %dma_wait3A_116 : memref<1x512xf32, #tpu.memory_space<hbm>> -> memref<512xf32, #tpu.memory_space<hbm>>
      tpu.wait_dma2 semaphore(%run_scoped3A_103 : memref<!tpu.dma_semaphore, #tpu.memory_space<semaphore_mem>>) src(%dma_wait3A_117 : memref<512xf32, #tpu.memory_space<hbm>>) dst(%dma_wait3A_115 : memref<512xf32, #tpu.memory_space<vmem>>)
      tpu.yield
    }) : () -> ()
    %run_scoped3A_77 = arith.constant 43 : i32
    "tpu.region"() ({
      %run_scoped3A_103 = tpu.sem_alloc : memref<!tpu.dma_semaphore, #tpu.memory_space<semaphore_mem>>
      %dma_start3A = arith.constant 22016 : i32
      %dma_start3A_104 = tpu.memref_slice %arg6[%dma_start3A] : memref<32768xf32, #tpu.memory_space<vmem>> -> memref<512xf32, #tpu.memory_space<vmem>>
      %dma_start3A_105 = tpu.memref_slice %arg3[%run_scoped3A_77, %mul3A_34] : memref<64x2048xf32, #tpu.memory_space<hbm>> -> memref<1x512xf32, #tpu.memory_space<hbm>>
      %dma_start3A_106 = tpu.memref_squeeze %dma_start3A_105 : memref<1x512xf32, #tpu.memory_space<hbm>> -> memref<512xf32, #tpu.memory_space<hbm>>
      %dma_start3A_107 = arith.constant 22016 : i32
      %dma_start3A_108 = tpu.memref_slice %arg6[%dma_start3A_107] : memref<32768xf32, #tpu.memory_space<vmem>> -> memref<512xf32, #tpu.memory_space<vmem>>
      %dma_start3A_109 = tpu.memref_slice %arg3[%run_scoped3A_77, %mul3A_34] : memref<64x2048xf32, #tpu.memory_space<hbm>> -> memref<1x512xf32, #tpu.memory_space<hbm>>
      %dma_start3A_110 = tpu.memref_squeeze %dma_start3A_109 : memref<1x512xf32, #tpu.memory_space<hbm>> -> memref<512xf32, #tpu.memory_space<hbm>>
      tpu.enqueue_dma source(%dma_start3A_110 : memref<512xf32, #tpu.memory_space<hbm>>) target(%dma_start3A_108 : memref<512xf32, #tpu.memory_space<vmem>>) target_semaphore(%run_scoped3A_103 : memref<!tpu.dma_semaphore, #tpu.memory_space<semaphore_mem>>)
      %dma_wait3A = arith.constant 22016 : i32
      %dma_wait3A_111 = tpu.memref_slice %arg6[%dma_wait3A] : memref<32768xf32, #tpu.memory_space<vmem>> -> memref<512xf32, #tpu.memory_space<vmem>>
      %dma_wait3A_112 = tpu.memref_slice %arg3[%run_scoped3A_77, %mul3A_34] : memref<64x2048xf32, #tpu.memory_space<hbm>> -> memref<1x512xf32, #tpu.memory_space<hbm>>
      %dma_wait3A_113 = tpu.memref_squeeze %dma_wait3A_112 : memref<1x512xf32, #tpu.memory_space<hbm>> -> memref<512xf32, #tpu.memory_space<hbm>>
      %dma_wait3A_114 = arith.constant 22016 : i32
      %dma_wait3A_115 = tpu.memref_slice %arg6[%dma_wait3A_114] : memref<32768xf32, #tpu.memory_space<vmem>> -> memref<512xf32, #tpu.memory_space<vmem>>
      %dma_wait3A_116 = tpu.memref_slice %arg3[%run_scoped3A_77, %mul3A_34] : memref<64x2048xf32, #tpu.memory_space<hbm>> -> memref<1x512xf32, #tpu.memory_space<hbm>>
      %dma_wait3A_117 = tpu.memref_squeeze %dma_wait3A_116 : memref<1x512xf32, #tpu.memory_space<hbm>> -> memref<512xf32, #tpu.memory_space<hbm>>
      tpu.wait_dma2 semaphore(%run_scoped3A_103 : memref<!tpu.dma_semaphore, #tpu.memory_space<semaphore_mem>>) src(%dma_wait3A_117 : memref<512xf32, #tpu.memory_space<hbm>>) dst(%dma_wait3A_115 : memref<512xf32, #tpu.memory_space<vmem>>)
      tpu.yield
    }) : () -> ()
    %run_scoped3A_78 = arith.constant 44 : i32
    "tpu.region"() ({
      %run_scoped3A_103 = tpu.sem_alloc : memref<!tpu.dma_semaphore, #tpu.memory_space<semaphore_mem>>
      %dma_start3A = arith.constant 22528 : i32
      %dma_start3A_104 = tpu.memref_slice %arg6[%dma_start3A] : memref<32768xf32, #tpu.memory_space<vmem>> -> memref<512xf32, #tpu.memory_space<vmem>>
      %dma_start3A_105 = tpu.memref_slice %arg3[%run_scoped3A_78, %mul3A_34] : memref<64x2048xf32, #tpu.memory_space<hbm>> -> memref<1x512xf32, #tpu.memory_space<hbm>>
      %dma_start3A_106 = tpu.memref_squeeze %dma_start3A_105 : memref<1x512xf32, #tpu.memory_space<hbm>> -> memref<512xf32, #tpu.memory_space<hbm>>
      %dma_start3A_107 = arith.constant 22528 : i32
      %dma_start3A_108 = tpu.memref_slice %arg6[%dma_start3A_107] : memref<32768xf32, #tpu.memory_space<vmem>> -> memref<512xf32, #tpu.memory_space<vmem>>
      %dma_start3A_109 = tpu.memref_slice %arg3[%run_scoped3A_78, %mul3A_34] : memref<64x2048xf32, #tpu.memory_space<hbm>> -> memref<1x512xf32, #tpu.memory_space<hbm>>
      %dma_start3A_110 = tpu.memref_squeeze %dma_start3A_109 : memref<1x512xf32, #tpu.memory_space<hbm>> -> memref<512xf32, #tpu.memory_space<hbm>>
      tpu.enqueue_dma source(%dma_start3A_110 : memref<512xf32, #tpu.memory_space<hbm>>) target(%dma_start3A_108 : memref<512xf32, #tpu.memory_space<vmem>>) target_semaphore(%run_scoped3A_103 : memref<!tpu.dma_semaphore, #tpu.memory_space<semaphore_mem>>)
      %dma_wait3A = arith.constant 22528 : i32
      %dma_wait3A_111 = tpu.memref_slice %arg6[%dma_wait3A] : memref<32768xf32, #tpu.memory_space<vmem>> -> memref<512xf32, #tpu.memory_space<vmem>>
      %dma_wait3A_112 = tpu.memref_slice %arg3[%run_scoped3A_78, %mul3A_34] : memref<64x2048xf32, #tpu.memory_space<hbm>> -> memref<1x512xf32, #tpu.memory_space<hbm>>
      %dma_wait3A_113 = tpu.memref_squeeze %dma_wait3A_112 : memref<1x512xf32, #tpu.memory_space<hbm>> -> memref<512xf32, #tpu.memory_space<hbm>>
      %dma_wait3A_114 = arith.constant 22528 : i32
      %dma_wait3A_115 = tpu.memref_slice %arg6[%dma_wait3A_114] : memref<32768xf32, #tpu.memory_space<vmem>> -> memref<512xf32, #tpu.memory_space<vmem>>
      %dma_wait3A_116 = tpu.memref_slice %arg3[%run_scoped3A_78, %mul3A_34] : memref<64x2048xf32, #tpu.memory_space<hbm>> -> memref<1x512xf32, #tpu.memory_space<hbm>>
      %dma_wait3A_117 = tpu.memref_squeeze %dma_wait3A_116 : memref<1x512xf32, #tpu.memory_space<hbm>> -> memref<512xf32, #tpu.memory_space<hbm>>
      tpu.wait_dma2 semaphore(%run_scoped3A_103 : memref<!tpu.dma_semaphore, #tpu.memory_space<semaphore_mem>>) src(%dma_wait3A_117 : memref<512xf32, #tpu.memory_space<hbm>>) dst(%dma_wait3A_115 : memref<512xf32, #tpu.memory_space<vmem>>)
      tpu.yield
    }) : () -> ()
    %run_scoped3A_79 = arith.constant 45 : i32
    "tpu.region"() ({
      %run_scoped3A_103 = tpu.sem_alloc : memref<!tpu.dma_semaphore, #tpu.memory_space<semaphore_mem>>
      %dma_start3A = arith.constant 23040 : i32
      %dma_start3A_104 = tpu.memref_slice %arg6[%dma_start3A] : memref<32768xf32, #tpu.memory_space<vmem>> -> memref<512xf32, #tpu.memory_space<vmem>>
      %dma_start3A_105 = tpu.memref_slice %arg3[%run_scoped3A_79, %mul3A_34] : memref<64x2048xf32, #tpu.memory_space<hbm>> -> memref<1x512xf32, #tpu.memory_space<hbm>>
      %dma_start3A_106 = tpu.memref_squeeze %dma_start3A_105 : memref<1x512xf32, #tpu.memory_space<hbm>> -> memref<512xf32, #tpu.memory_space<hbm>>
      %dma_start3A_107 = arith.constant 23040 : i32
      %dma_start3A_108 = tpu.memref_slice %arg6[%dma_start3A_107] : memref<32768xf32, #tpu.memory_space<vmem>> -> memref<512xf32, #tpu.memory_space<vmem>>
      %dma_start3A_109 = tpu.memref_slice %arg3[%run_scoped3A_79, %mul3A_34] : memref<64x2048xf32, #tpu.memory_space<hbm>> -> memref<1x512xf32, #tpu.memory_space<hbm>>
      %dma_start3A_110 = tpu.memref_squeeze %dma_start3A_109 : memref<1x512xf32, #tpu.memory_space<hbm>> -> memref<512xf32, #tpu.memory_space<hbm>>
      tpu.enqueue_dma source(%dma_start3A_110 : memref<512xf32, #tpu.memory_space<hbm>>) target(%dma_start3A_108 : memref<512xf32, #tpu.memory_space<vmem>>) target_semaphore(%run_scoped3A_103 : memref<!tpu.dma_semaphore, #tpu.memory_space<semaphore_mem>>)
      %dma_wait3A = arith.constant 23040 : i32
      %dma_wait3A_111 = tpu.memref_slice %arg6[%dma_wait3A] : memref<32768xf32, #tpu.memory_space<vmem>> -> memref<512xf32, #tpu.memory_space<vmem>>
      %dma_wait3A_112 = tpu.memref_slice %arg3[%run_scoped3A_79, %mul3A_34] : memref<64x2048xf32, #tpu.memory_space<hbm>> -> memref<1x512xf32, #tpu.memory_space<hbm>>
      %dma_wait3A_113 = tpu.memref_squeeze %dma_wait3A_112 : memref<1x512xf32, #tpu.memory_space<hbm>> -> memref<512xf32, #tpu.memory_space<hbm>>
      %dma_wait3A_114 = arith.constant 23040 : i32
      %dma_wait3A_115 = tpu.memref_slice %arg6[%dma_wait3A_114] : memref<32768xf32, #tpu.memory_space<vmem>> -> memref<512xf32, #tpu.memory_space<vmem>>
      %dma_wait3A_116 = tpu.memref_slice %arg3[%run_scoped3A_79, %mul3A_34] : memref<64x2048xf32, #tpu.memory_space<hbm>> -> memref<1x512xf32, #tpu.memory_space<hbm>>
      %dma_wait3A_117 = tpu.memref_squeeze %dma_wait3A_116 : memref<1x512xf32, #tpu.memory_space<hbm>> -> memref<512xf32, #tpu.memory_space<hbm>>
      tpu.wait_dma2 semaphore(%run_scoped3A_103 : memref<!tpu.dma_semaphore, #tpu.memory_space<semaphore_mem>>) src(%dma_wait3A_117 : memref<512xf32, #tpu.memory_space<hbm>>) dst(%dma_wait3A_115 : memref<512xf32, #tpu.memory_space<vmem>>)
      tpu.yield
    }) : () -> ()
    %run_scoped3A_80 = arith.constant 46 : i32
    "tpu.region"() ({
      %run_scoped3A_103 = tpu.sem_alloc : memref<!tpu.dma_semaphore, #tpu.memory_space<semaphore_mem>>
      %dma_start3A = arith.constant 23552 : i32
      %dma_start3A_104 = tpu.memref_slice %arg6[%dma_start3A] : memref<32768xf32, #tpu.memory_space<vmem>> -> memref<512xf32, #tpu.memory_space<vmem>>
      %dma_start3A_105 = tpu.memref_slice %arg3[%run_scoped3A_80, %mul3A_34] : memref<64x2048xf32, #tpu.memory_space<hbm>> -> memref<1x512xf32, #tpu.memory_space<hbm>>
      %dma_start3A_106 = tpu.memref_squeeze %dma_start3A_105 : memref<1x512xf32, #tpu.memory_space<hbm>> -> memref<512xf32, #tpu.memory_space<hbm>>
      %dma_start3A_107 = arith.constant 23552 : i32
      %dma_start3A_108 = tpu.memref_slice %arg6[%dma_start3A_107] : memref<32768xf32, #tpu.memory_space<vmem>> -> memref<512xf32, #tpu.memory_space<vmem>>
      %dma_start3A_109 = tpu.memref_slice %arg3[%run_scoped3A_80, %mul3A_34] : memref<64x2048xf32, #tpu.memory_space<hbm>> -> memref<1x512xf32, #tpu.memory_space<hbm>>
      %dma_start3A_110 = tpu.memref_squeeze %dma_start3A_109 : memref<1x512xf32, #tpu.memory_space<hbm>> -> memref<512xf32, #tpu.memory_space<hbm>>
      tpu.enqueue_dma source(%dma_start3A_110 : memref<512xf32, #tpu.memory_space<hbm>>) target(%dma_start3A_108 : memref<512xf32, #tpu.memory_space<vmem>>) target_semaphore(%run_scoped3A_103 : memref<!tpu.dma_semaphore, #tpu.memory_space<semaphore_mem>>)
      %dma_wait3A = arith.constant 23552 : i32
      %dma_wait3A_111 = tpu.memref_slice %arg6[%dma_wait3A] : memref<32768xf32, #tpu.memory_space<vmem>> -> memref<512xf32, #tpu.memory_space<vmem>>
      %dma_wait3A_112 = tpu.memref_slice %arg3[%run_scoped3A_80, %mul3A_34] : memref<64x2048xf32, #tpu.memory_space<hbm>> -> memref<1x512xf32, #tpu.memory_space<hbm>>
      %dma_wait3A_113 = tpu.memref_squeeze %dma_wait3A_112 : memref<1x512xf32, #tpu.memory_space<hbm>> -> memref<512xf32, #tpu.memory_space<hbm>>
      %dma_wait3A_114 = arith.constant 23552 : i32
      %dma_wait3A_115 = tpu.memref_slice %arg6[%dma_wait3A_114] : memref<32768xf32, #tpu.memory_space<vmem>> -> memref<512xf32, #tpu.memory_space<vmem>>
      %dma_wait3A_116 = tpu.memref_slice %arg3[%run_scoped3A_80, %mul3A_34] : memref<64x2048xf32, #tpu.memory_space<hbm>> -> memref<1x512xf32, #tpu.memory_space<hbm>>
      %dma_wait3A_117 = tpu.memref_squeeze %dma_wait3A_116 : memref<1x512xf32, #tpu.memory_space<hbm>> -> memref<512xf32, #tpu.memory_space<hbm>>
      tpu.wait_dma2 semaphore(%run_scoped3A_103 : memref<!tpu.dma_semaphore, #tpu.memory_space<semaphore_mem>>) src(%dma_wait3A_117 : memref<512xf32, #tpu.memory_space<hbm>>) dst(%dma_wait3A_115 : memref<512xf32, #tpu.memory_space<vmem>>)
      tpu.yield
    }) : () -> ()
    %run_scoped3A_81 = arith.constant 47 : i32
    "tpu.region"() ({
      %run_scoped3A_103 = tpu.sem_alloc : memref<!tpu.dma_semaphore, #tpu.memory_space<semaphore_mem>>
      %dma_start3A = arith.constant 24064 : i32
      %dma_start3A_104 = tpu.memref_slice %arg6[%dma_start3A] : memref<32768xf32, #tpu.memory_space<vmem>> -> memref<512xf32, #tpu.memory_space<vmem>>
      %dma_start3A_105 = tpu.memref_slice %arg3[%run_scoped3A_81, %mul3A_34] : memref<64x2048xf32, #tpu.memory_space<hbm>> -> memref<1x512xf32, #tpu.memory_space<hbm>>
      %dma_start3A_106 = tpu.memref_squeeze %dma_start3A_105 : memref<1x512xf32, #tpu.memory_space<hbm>> -> memref<512xf32, #tpu.memory_space<hbm>>
      %dma_start3A_107 = arith.constant 24064 : i32
      %dma_start3A_108 = tpu.memref_slice %arg6[%dma_start3A_107] : memref<32768xf32, #tpu.memory_space<vmem>> -> memref<512xf32, #tpu.memory_space<vmem>>
      %dma_start3A_109 = tpu.memref_slice %arg3[%run_scoped3A_81, %mul3A_34] : memref<64x2048xf32, #tpu.memory_space<hbm>> -> memref<1x512xf32, #tpu.memory_space<hbm>>
      %dma_start3A_110 = tpu.memref_squeeze %dma_start3A_109 : memref<1x512xf32, #tpu.memory_space<hbm>> -> memref<512xf32, #tpu.memory_space<hbm>>
      tpu.enqueue_dma source(%dma_start3A_110 : memref<512xf32, #tpu.memory_space<hbm>>) target(%dma_start3A_108 : memref<512xf32, #tpu.memory_space<vmem>>) target_semaphore(%run_scoped3A_103 : memref<!tpu.dma_semaphore, #tpu.memory_space<semaphore_mem>>)
      %dma_wait3A = arith.constant 24064 : i32
      %dma_wait3A_111 = tpu.memref_slice %arg6[%dma_wait3A] : memref<32768xf32, #tpu.memory_space<vmem>> -> memref<512xf32, #tpu.memory_space<vmem>>
      %dma_wait3A_112 = tpu.memref_slice %arg3[%run_scoped3A_81, %mul3A_34] : memref<64x2048xf32, #tpu.memory_space<hbm>> -> memref<1x512xf32, #tpu.memory_space<hbm>>
      %dma_wait3A_113 = tpu.memref_squeeze %dma_wait3A_112 : memref<1x512xf32, #tpu.memory_space<hbm>> -> memref<512xf32, #tpu.memory_space<hbm>>
      %dma_wait3A_114 = arith.constant 24064 : i32
      %dma_wait3A_115 = tpu.memref_slice %arg6[%dma_wait3A_114] : memref<32768xf32, #tpu.memory_space<vmem>> -> memref<512xf32, #tpu.memory_space<vmem>>
      %dma_wait3A_116 = tpu.memref_slice %arg3[%run_scoped3A_81, %mul3A_34] : memref<64x2048xf32, #tpu.memory_space<hbm>> -> memref<1x512xf32, #tpu.memory_space<hbm>>
      %dma_wait3A_117 = tpu.memref_squeeze %dma_wait3A_116 : memref<1x512xf32, #tpu.memory_space<hbm>> -> memref<512xf32, #tpu.memory_space<hbm>>
      tpu.wait_dma2 semaphore(%run_scoped3A_103 : memref<!tpu.dma_semaphore, #tpu.memory_space<semaphore_mem>>) src(%dma_wait3A_117 : memref<512xf32, #tpu.memory_space<hbm>>) dst(%dma_wait3A_115 : memref<512xf32, #tpu.memory_space<vmem>>)
      tpu.yield
    }) : () -> ()
    %run_scoped3A_82 = arith.constant 48 : i32
    "tpu.region"() ({
      %run_scoped3A_103 = tpu.sem_alloc : memref<!tpu.dma_semaphore, #tpu.memory_space<semaphore_mem>>
      %dma_start3A = arith.constant 24576 : i32
      %dma_start3A_104 = tpu.memref_slice %arg6[%dma_start3A] : memref<32768xf32, #tpu.memory_space<vmem>> -> memref<512xf32, #tpu.memory_space<vmem>>
      %dma_start3A_105 = tpu.memref_slice %arg3[%run_scoped3A_82, %mul3A_34] : memref<64x2048xf32, #tpu.memory_space<hbm>> -> memref<1x512xf32, #tpu.memory_space<hbm>>
      %dma_start3A_106 = tpu.memref_squeeze %dma_start3A_105 : memref<1x512xf32, #tpu.memory_space<hbm>> -> memref<512xf32, #tpu.memory_space<hbm>>
      %dma_start3A_107 = arith.constant 24576 : i32
      %dma_start3A_108 = tpu.memref_slice %arg6[%dma_start3A_107] : memref<32768xf32, #tpu.memory_space<vmem>> -> memref<512xf32, #tpu.memory_space<vmem>>
      %dma_start3A_109 = tpu.memref_slice %arg3[%run_scoped3A_82, %mul3A_34] : memref<64x2048xf32, #tpu.memory_space<hbm>> -> memref<1x512xf32, #tpu.memory_space<hbm>>
      %dma_start3A_110 = tpu.memref_squeeze %dma_start3A_109 : memref<1x512xf32, #tpu.memory_space<hbm>> -> memref<512xf32, #tpu.memory_space<hbm>>
      tpu.enqueue_dma source(%dma_start3A_110 : memref<512xf32, #tpu.memory_space<hbm>>) target(%dma_start3A_108 : memref<512xf32, #tpu.memory_space<vmem>>) target_semaphore(%run_scoped3A_103 : memref<!tpu.dma_semaphore, #tpu.memory_space<semaphore_mem>>)
      %dma_wait3A = arith.constant 24576 : i32
      %dma_wait3A_111 = tpu.memref_slice %arg6[%dma_wait3A] : memref<32768xf32, #tpu.memory_space<vmem>> -> memref<512xf32, #tpu.memory_space<vmem>>
      %dma_wait3A_112 = tpu.memref_slice %arg3[%run_scoped3A_82, %mul3A_34] : memref<64x2048xf32, #tpu.memory_space<hbm>> -> memref<1x512xf32, #tpu.memory_space<hbm>>
      %dma_wait3A_113 = tpu.memref_squeeze %dma_wait3A_112 : memref<1x512xf32, #tpu.memory_space<hbm>> -> memref<512xf32, #tpu.memory_space<hbm>>
      %dma_wait3A_114 = arith.constant 24576 : i32
      %dma_wait3A_115 = tpu.memref_slice %arg6[%dma_wait3A_114] : memref<32768xf32, #tpu.memory_space<vmem>> -> memref<512xf32, #tpu.memory_space<vmem>>
      %dma_wait3A_116 = tpu.memref_slice %arg3[%run_scoped3A_82, %mul3A_34] : memref<64x2048xf32, #tpu.memory_space<hbm>> -> memref<1x512xf32, #tpu.memory_space<hbm>>
      %dma_wait3A_117 = tpu.memref_squeeze %dma_wait3A_116 : memref<1x512xf32, #tpu.memory_space<hbm>> -> memref<512xf32, #tpu.memory_space<hbm>>
      tpu.wait_dma2 semaphore(%run_scoped3A_103 : memref<!tpu.dma_semaphore, #tpu.memory_space<semaphore_mem>>) src(%dma_wait3A_117 : memref<512xf32, #tpu.memory_space<hbm>>) dst(%dma_wait3A_115 : memref<512xf32, #tpu.memory_space<vmem>>)
      tpu.yield
    }) : () -> ()
    %run_scoped3A_83 = arith.constant 49 : i32
    "tpu.region"() ({
      %run_scoped3A_103 = tpu.sem_alloc : memref<!tpu.dma_semaphore, #tpu.memory_space<semaphore_mem>>
      %dma_start3A = arith.constant 25088 : i32
      %dma_start3A_104 = tpu.memref_slice %arg6[%dma_start3A] : memref<32768xf32, #tpu.memory_space<vmem>> -> memref<512xf32, #tpu.memory_space<vmem>>
      %dma_start3A_105 = tpu.memref_slice %arg3[%run_scoped3A_83, %mul3A_34] : memref<64x2048xf32, #tpu.memory_space<hbm>> -> memref<1x512xf32, #tpu.memory_space<hbm>>
      %dma_start3A_106 = tpu.memref_squeeze %dma_start3A_105 : memref<1x512xf32, #tpu.memory_space<hbm>> -> memref<512xf32, #tpu.memory_space<hbm>>
      %dma_start3A_107 = arith.constant 25088 : i32
      %dma_start3A_108 = tpu.memref_slice %arg6[%dma_start3A_107] : memref<32768xf32, #tpu.memory_space<vmem>> -> memref<512xf32, #tpu.memory_space<vmem>>
      %dma_start3A_109 = tpu.memref_slice %arg3[%run_scoped3A_83, %mul3A_34] : memref<64x2048xf32, #tpu.memory_space<hbm>> -> memref<1x512xf32, #tpu.memory_space<hbm>>
      %dma_start3A_110 = tpu.memref_squeeze %dma_start3A_109 : memref<1x512xf32, #tpu.memory_space<hbm>> -> memref<512xf32, #tpu.memory_space<hbm>>
      tpu.enqueue_dma source(%dma_start3A_110 : memref<512xf32, #tpu.memory_space<hbm>>) target(%dma_start3A_108 : memref<512xf32, #tpu.memory_space<vmem>>) target_semaphore(%run_scoped3A_103 : memref<!tpu.dma_semaphore, #tpu.memory_space<semaphore_mem>>)
      %dma_wait3A = arith.constant 25088 : i32
      %dma_wait3A_111 = tpu.memref_slice %arg6[%dma_wait3A] : memref<32768xf32, #tpu.memory_space<vmem>> -> memref<512xf32, #tpu.memory_space<vmem>>
      %dma_wait3A_112 = tpu.memref_slice %arg3[%run_scoped3A_83, %mul3A_34] : memref<64x2048xf32, #tpu.memory_space<hbm>> -> memref<1x512xf32, #tpu.memory_space<hbm>>
      %dma_wait3A_113 = tpu.memref_squeeze %dma_wait3A_112 : memref<1x512xf32, #tpu.memory_space<hbm>> -> memref<512xf32, #tpu.memory_space<hbm>>
      %dma_wait3A_114 = arith.constant 25088 : i32
      %dma_wait3A_115 = tpu.memref_slice %arg6[%dma_wait3A_114] : memref<32768xf32, #tpu.memory_space<vmem>> -> memref<512xf32, #tpu.memory_space<vmem>>
      %dma_wait3A_116 = tpu.memref_slice %arg3[%run_scoped3A_83, %mul3A_34] : memref<64x2048xf32, #tpu.memory_space<hbm>> -> memref<1x512xf32, #tpu.memory_space<hbm>>
      %dma_wait3A_117 = tpu.memref_squeeze %dma_wait3A_116 : memref<1x512xf32, #tpu.memory_space<hbm>> -> memref<512xf32, #tpu.memory_space<hbm>>
      tpu.wait_dma2 semaphore(%run_scoped3A_103 : memref<!tpu.dma_semaphore, #tpu.memory_space<semaphore_mem>>) src(%dma_wait3A_117 : memref<512xf32, #tpu.memory_space<hbm>>) dst(%dma_wait3A_115 : memref<512xf32, #tpu.memory_space<vmem>>)
      tpu.yield
    }) : () -> ()
    %run_scoped3A_84 = arith.constant 50 : i32
    "tpu.region"() ({
      %run_scoped3A_103 = tpu.sem_alloc : memref<!tpu.dma_semaphore, #tpu.memory_space<semaphore_mem>>
      %dma_start3A = arith.constant 25600 : i32
      %dma_start3A_104 = tpu.memref_slice %arg6[%dma_start3A] : memref<32768xf32, #tpu.memory_space<vmem>> -> memref<512xf32, #tpu.memory_space<vmem>>
      %dma_start3A_105 = tpu.memref_slice %arg3[%run_scoped3A_84, %mul3A_34] : memref<64x2048xf32, #tpu.memory_space<hbm>> -> memref<1x512xf32, #tpu.memory_space<hbm>>
      %dma_start3A_106 = tpu.memref_squeeze %dma_start3A_105 : memref<1x512xf32, #tpu.memory_space<hbm>> -> memref<512xf32, #tpu.memory_space<hbm>>
      %dma_start3A_107 = arith.constant 25600 : i32
      %dma_start3A_108 = tpu.memref_slice %arg6[%dma_start3A_107] : memref<32768xf32, #tpu.memory_space<vmem>> -> memref<512xf32, #tpu.memory_space<vmem>>
      %dma_start3A_109 = tpu.memref_slice %arg3[%run_scoped3A_84, %mul3A_34] : memref<64x2048xf32, #tpu.memory_space<hbm>> -> memref<1x512xf32, #tpu.memory_space<hbm>>
      %dma_start3A_110 = tpu.memref_squeeze %dma_start3A_109 : memref<1x512xf32, #tpu.memory_space<hbm>> -> memref<512xf32, #tpu.memory_space<hbm>>
      tpu.enqueue_dma source(%dma_start3A_110 : memref<512xf32, #tpu.memory_space<hbm>>) target(%dma_start3A_108 : memref<512xf32, #tpu.memory_space<vmem>>) target_semaphore(%run_scoped3A_103 : memref<!tpu.dma_semaphore, #tpu.memory_space<semaphore_mem>>)
      %dma_wait3A = arith.constant 25600 : i32
      %dma_wait3A_111 = tpu.memref_slice %arg6[%dma_wait3A] : memref<32768xf32, #tpu.memory_space<vmem>> -> memref<512xf32, #tpu.memory_space<vmem>>
      %dma_wait3A_112 = tpu.memref_slice %arg3[%run_scoped3A_84, %mul3A_34] : memref<64x2048xf32, #tpu.memory_space<hbm>> -> memref<1x512xf32, #tpu.memory_space<hbm>>
      %dma_wait3A_113 = tpu.memref_squeeze %dma_wait3A_112 : memref<1x512xf32, #tpu.memory_space<hbm>> -> memref<512xf32, #tpu.memory_space<hbm>>
      %dma_wait3A_114 = arith.constant 25600 : i32
      %dma_wait3A_115 = tpu.memref_slice %arg6[%dma_wait3A_114] : memref<32768xf32, #tpu.memory_space<vmem>> -> memref<512xf32, #tpu.memory_space<vmem>>
      %dma_wait3A_116 = tpu.memref_slice %arg3[%run_scoped3A_84, %mul3A_34] : memref<64x2048xf32, #tpu.memory_space<hbm>> -> memref<1x512xf32, #tpu.memory_space<hbm>>
      %dma_wait3A_117 = tpu.memref_squeeze %dma_wait3A_116 : memref<1x512xf32, #tpu.memory_space<hbm>> -> memref<512xf32, #tpu.memory_space<hbm>>
      tpu.wait_dma2 semaphore(%run_scoped3A_103 : memref<!tpu.dma_semaphore, #tpu.memory_space<semaphore_mem>>) src(%dma_wait3A_117 : memref<512xf32, #tpu.memory_space<hbm>>) dst(%dma_wait3A_115 : memref<512xf32, #tpu.memory_space<vmem>>)
      tpu.yield
    }) : () -> ()
    %run_scoped3A_85 = arith.constant 51 : i32
    "tpu.region"() ({
      %run_scoped3A_103 = tpu.sem_alloc : memref<!tpu.dma_semaphore, #tpu.memory_space<semaphore_mem>>
      %dma_start3A = arith.constant 26112 : i32
      %dma_start3A_104 = tpu.memref_slice %arg6[%dma_start3A] : memref<32768xf32, #tpu.memory_space<vmem>> -> memref<512xf32, #tpu.memory_space<vmem>>
      %dma_start3A_105 = tpu.memref_slice %arg3[%run_scoped3A_85, %mul3A_34] : memref<64x2048xf32, #tpu.memory_space<hbm>> -> memref<1x512xf32, #tpu.memory_space<hbm>>
      %dma_start3A_106 = tpu.memref_squeeze %dma_start3A_105 : memref<1x512xf32, #tpu.memory_space<hbm>> -> memref<512xf32, #tpu.memory_space<hbm>>
      %dma_start3A_107 = arith.constant 26112 : i32
      %dma_start3A_108 = tpu.memref_slice %arg6[%dma_start3A_107] : memref<32768xf32, #tpu.memory_space<vmem>> -> memref<512xf32, #tpu.memory_space<vmem>>
      %dma_start3A_109 = tpu.memref_slice %arg3[%run_scoped3A_85, %mul3A_34] : memref<64x2048xf32, #tpu.memory_space<hbm>> -> memref<1x512xf32, #tpu.memory_space<hbm>>
      %dma_start3A_110 = tpu.memref_squeeze %dma_start3A_109 : memref<1x512xf32, #tpu.memory_space<hbm>> -> memref<512xf32, #tpu.memory_space<hbm>>
      tpu.enqueue_dma source(%dma_start3A_110 : memref<512xf32, #tpu.memory_space<hbm>>) target(%dma_start3A_108 : memref<512xf32, #tpu.memory_space<vmem>>) target_semaphore(%run_scoped3A_103 : memref<!tpu.dma_semaphore, #tpu.memory_space<semaphore_mem>>)
      %dma_wait3A = arith.constant 26112 : i32
      %dma_wait3A_111 = tpu.memref_slice %arg6[%dma_wait3A] : memref<32768xf32, #tpu.memory_space<vmem>> -> memref<512xf32, #tpu.memory_space<vmem>>
      %dma_wait3A_112 = tpu.memref_slice %arg3[%run_scoped3A_85, %mul3A_34] : memref<64x2048xf32, #tpu.memory_space<hbm>> -> memref<1x512xf32, #tpu.memory_space<hbm>>
      %dma_wait3A_113 = tpu.memref_squeeze %dma_wait3A_112 : memref<1x512xf32, #tpu.memory_space<hbm>> -> memref<512xf32, #tpu.memory_space<hbm>>
      %dma_wait3A_114 = arith.constant 26112 : i32
      %dma_wait3A_115 = tpu.memref_slice %arg6[%dma_wait3A_114] : memref<32768xf32, #tpu.memory_space<vmem>> -> memref<512xf32, #tpu.memory_space<vmem>>
      %dma_wait3A_116 = tpu.memref_slice %arg3[%run_scoped3A_85, %mul3A_34] : memref<64x2048xf32, #tpu.memory_space<hbm>> -> memref<1x512xf32, #tpu.memory_space<hbm>>
      %dma_wait3A_117 = tpu.memref_squeeze %dma_wait3A_116 : memref<1x512xf32, #tpu.memory_space<hbm>> -> memref<512xf32, #tpu.memory_space<hbm>>
      tpu.wait_dma2 semaphore(%run_scoped3A_103 : memref<!tpu.dma_semaphore, #tpu.memory_space<semaphore_mem>>) src(%dma_wait3A_117 : memref<512xf32, #tpu.memory_space<hbm>>) dst(%dma_wait3A_115 : memref<512xf32, #tpu.memory_space<vmem>>)
      tpu.yield
    }) : () -> ()
    %run_scoped3A_86 = arith.constant 52 : i32
    "tpu.region"() ({
      %run_scoped3A_103 = tpu.sem_alloc : memref<!tpu.dma_semaphore, #tpu.memory_space<semaphore_mem>>
      %dma_start3A = arith.constant 26624 : i32
      %dma_start3A_104 = tpu.memref_slice %arg6[%dma_start3A] : memref<32768xf32, #tpu.memory_space<vmem>> -> memref<512xf32, #tpu.memory_space<vmem>>
      %dma_start3A_105 = tpu.memref_slice %arg3[%run_scoped3A_86, %mul3A_34] : memref<64x2048xf32, #tpu.memory_space<hbm>> -> memref<1x512xf32, #tpu.memory_space<hbm>>
      %dma_start3A_106 = tpu.memref_squeeze %dma_start3A_105 : memref<1x512xf32, #tpu.memory_space<hbm>> -> memref<512xf32, #tpu.memory_space<hbm>>
      %dma_start3A_107 = arith.constant 26624 : i32
      %dma_start3A_108 = tpu.memref_slice %arg6[%dma_start3A_107] : memref<32768xf32, #tpu.memory_space<vmem>> -> memref<512xf32, #tpu.memory_space<vmem>>
      %dma_start3A_109 = tpu.memref_slice %arg3[%run_scoped3A_86, %mul3A_34] : memref<64x2048xf32, #tpu.memory_space<hbm>> -> memref<1x512xf32, #tpu.memory_space<hbm>>
      %dma_start3A_110 = tpu.memref_squeeze %dma_start3A_109 : memref<1x512xf32, #tpu.memory_space<hbm>> -> memref<512xf32, #tpu.memory_space<hbm>>
      tpu.enqueue_dma source(%dma_start3A_110 : memref<512xf32, #tpu.memory_space<hbm>>) target(%dma_start3A_108 : memref<512xf32, #tpu.memory_space<vmem>>) target_semaphore(%run_scoped3A_103 : memref<!tpu.dma_semaphore, #tpu.memory_space<semaphore_mem>>)
      %dma_wait3A = arith.constant 26624 : i32
      %dma_wait3A_111 = tpu.memref_slice %arg6[%dma_wait3A] : memref<32768xf32, #tpu.memory_space<vmem>> -> memref<512xf32, #tpu.memory_space<vmem>>
      %dma_wait3A_112 = tpu.memref_slice %arg3[%run_scoped3A_86, %mul3A_34] : memref<64x2048xf32, #tpu.memory_space<hbm>> -> memref<1x512xf32, #tpu.memory_space<hbm>>
      %dma_wait3A_113 = tpu.memref_squeeze %dma_wait3A_112 : memref<1x512xf32, #tpu.memory_space<hbm>> -> memref<512xf32, #tpu.memory_space<hbm>>
      %dma_wait3A_114 = arith.constant 26624 : i32
      %dma_wait3A_115 = tpu.memref_slice %arg6[%dma_wait3A_114] : memref<32768xf32, #tpu.memory_space<vmem>> -> memref<512xf32, #tpu.memory_space<vmem>>
      %dma_wait3A_116 = tpu.memref_slice %arg3[%run_scoped3A_86, %mul3A_34] : memref<64x2048xf32, #tpu.memory_space<hbm>> -> memref<1x512xf32, #tpu.memory_space<hbm>>
      %dma_wait3A_117 = tpu.memref_squeeze %dma_wait3A_116 : memref<1x512xf32, #tpu.memory_space<hbm>> -> memref<512xf32, #tpu.memory_space<hbm>>
      tpu.wait_dma2 semaphore(%run_scoped3A_103 : memref<!tpu.dma_semaphore, #tpu.memory_space<semaphore_mem>>) src(%dma_wait3A_117 : memref<512xf32, #tpu.memory_space<hbm>>) dst(%dma_wait3A_115 : memref<512xf32, #tpu.memory_space<vmem>>)
      tpu.yield
    }) : () -> ()
    %run_scoped3A_87 = arith.constant 53 : i32
    "tpu.region"() ({
      %run_scoped3A_103 = tpu.sem_alloc : memref<!tpu.dma_semaphore, #tpu.memory_space<semaphore_mem>>
      %dma_start3A = arith.constant 27136 : i32
      %dma_start3A_104 = tpu.memref_slice %arg6[%dma_start3A] : memref<32768xf32, #tpu.memory_space<vmem>> -> memref<512xf32, #tpu.memory_space<vmem>>
      %dma_start3A_105 = tpu.memref_slice %arg3[%run_scoped3A_87, %mul3A_34] : memref<64x2048xf32, #tpu.memory_space<hbm>> -> memref<1x512xf32, #tpu.memory_space<hbm>>
      %dma_start3A_106 = tpu.memref_squeeze %dma_start3A_105 : memref<1x512xf32, #tpu.memory_space<hbm>> -> memref<512xf32, #tpu.memory_space<hbm>>
      %dma_start3A_107 = arith.constant 27136 : i32
      %dma_start3A_108 = tpu.memref_slice %arg6[%dma_start3A_107] : memref<32768xf32, #tpu.memory_space<vmem>> -> memref<512xf32, #tpu.memory_space<vmem>>
      %dma_start3A_109 = tpu.memref_slice %arg3[%run_scoped3A_87, %mul3A_34] : memref<64x2048xf32, #tpu.memory_space<hbm>> -> memref<1x512xf32, #tpu.memory_space<hbm>>
      %dma_start3A_110 = tpu.memref_squeeze %dma_start3A_109 : memref<1x512xf32, #tpu.memory_space<hbm>> -> memref<512xf32, #tpu.memory_space<hbm>>
      tpu.enqueue_dma source(%dma_start3A_110 : memref<512xf32, #tpu.memory_space<hbm>>) target(%dma_start3A_108 : memref<512xf32, #tpu.memory_space<vmem>>) target_semaphore(%run_scoped3A_103 : memref<!tpu.dma_semaphore, #tpu.memory_space<semaphore_mem>>)
      %dma_wait3A = arith.constant 27136 : i32
      %dma_wait3A_111 = tpu.memref_slice %arg6[%dma_wait3A] : memref<32768xf32, #tpu.memory_space<vmem>> -> memref<512xf32, #tpu.memory_space<vmem>>
      %dma_wait3A_112 = tpu.memref_slice %arg3[%run_scoped3A_87, %mul3A_34] : memref<64x2048xf32, #tpu.memory_space<hbm>> -> memref<1x512xf32, #tpu.memory_space<hbm>>
      %dma_wait3A_113 = tpu.memref_squeeze %dma_wait3A_112 : memref<1x512xf32, #tpu.memory_space<hbm>> -> memref<512xf32, #tpu.memory_space<hbm>>
      %dma_wait3A_114 = arith.constant 27136 : i32
      %dma_wait3A_115 = tpu.memref_slice %arg6[%dma_wait3A_114] : memref<32768xf32, #tpu.memory_space<vmem>> -> memref<512xf32, #tpu.memory_space<vmem>>
      %dma_wait3A_116 = tpu.memref_slice %arg3[%run_scoped3A_87, %mul3A_34] : memref<64x2048xf32, #tpu.memory_space<hbm>> -> memref<1x512xf32, #tpu.memory_space<hbm>>
      %dma_wait3A_117 = tpu.memref_squeeze %dma_wait3A_116 : memref<1x512xf32, #tpu.memory_space<hbm>> -> memref<512xf32, #tpu.memory_space<hbm>>
      tpu.wait_dma2 semaphore(%run_scoped3A_103 : memref<!tpu.dma_semaphore, #tpu.memory_space<semaphore_mem>>) src(%dma_wait3A_117 : memref<512xf32, #tpu.memory_space<hbm>>) dst(%dma_wait3A_115 : memref<512xf32, #tpu.memory_space<vmem>>)
      tpu.yield
    }) : () -> ()
    %run_scoped3A_88 = arith.constant 54 : i32
    "tpu.region"() ({
      %run_scoped3A_103 = tpu.sem_alloc : memref<!tpu.dma_semaphore, #tpu.memory_space<semaphore_mem>>
      %dma_start3A = arith.constant 27648 : i32
      %dma_start3A_104 = tpu.memref_slice %arg6[%dma_start3A] : memref<32768xf32, #tpu.memory_space<vmem>> -> memref<512xf32, #tpu.memory_space<vmem>>
      %dma_start3A_105 = tpu.memref_slice %arg3[%run_scoped3A_88, %mul3A_34] : memref<64x2048xf32, #tpu.memory_space<hbm>> -> memref<1x512xf32, #tpu.memory_space<hbm>>
      %dma_start3A_106 = tpu.memref_squeeze %dma_start3A_105 : memref<1x512xf32, #tpu.memory_space<hbm>> -> memref<512xf32, #tpu.memory_space<hbm>>
      %dma_start3A_107 = arith.constant 27648 : i32
      %dma_start3A_108 = tpu.memref_slice %arg6[%dma_start3A_107] : memref<32768xf32, #tpu.memory_space<vmem>> -> memref<512xf32, #tpu.memory_space<vmem>>
      %dma_start3A_109 = tpu.memref_slice %arg3[%run_scoped3A_88, %mul3A_34] : memref<64x2048xf32, #tpu.memory_space<hbm>> -> memref<1x512xf32, #tpu.memory_space<hbm>>
      %dma_start3A_110 = tpu.memref_squeeze %dma_start3A_109 : memref<1x512xf32, #tpu.memory_space<hbm>> -> memref<512xf32, #tpu.memory_space<hbm>>
      tpu.enqueue_dma source(%dma_start3A_110 : memref<512xf32, #tpu.memory_space<hbm>>) target(%dma_start3A_108 : memref<512xf32, #tpu.memory_space<vmem>>) target_semaphore(%run_scoped3A_103 : memref<!tpu.dma_semaphore, #tpu.memory_space<semaphore_mem>>)
      %dma_wait3A = arith.constant 27648 : i32
      %dma_wait3A_111 = tpu.memref_slice %arg6[%dma_wait3A] : memref<32768xf32, #tpu.memory_space<vmem>> -> memref<512xf32, #tpu.memory_space<vmem>>
      %dma_wait3A_112 = tpu.memref_slice %arg3[%run_scoped3A_88, %mul3A_34] : memref<64x2048xf32, #tpu.memory_space<hbm>> -> memref<1x512xf32, #tpu.memory_space<hbm>>
      %dma_wait3A_113 = tpu.memref_squeeze %dma_wait3A_112 : memref<1x512xf32, #tpu.memory_space<hbm>> -> memref<512xf32, #tpu.memory_space<hbm>>
      %dma_wait3A_114 = arith.constant 27648 : i32
      %dma_wait3A_115 = tpu.memref_slice %arg6[%dma_wait3A_114] : memref<32768xf32, #tpu.memory_space<vmem>> -> memref<512xf32, #tpu.memory_space<vmem>>
      %dma_wait3A_116 = tpu.memref_slice %arg3[%run_scoped3A_88, %mul3A_34] : memref<64x2048xf32, #tpu.memory_space<hbm>> -> memref<1x512xf32, #tpu.memory_space<hbm>>
      %dma_wait3A_117 = tpu.memref_squeeze %dma_wait3A_116 : memref<1x512xf32, #tpu.memory_space<hbm>> -> memref<512xf32, #tpu.memory_space<hbm>>
      tpu.wait_dma2 semaphore(%run_scoped3A_103 : memref<!tpu.dma_semaphore, #tpu.memory_space<semaphore_mem>>) src(%dma_wait3A_117 : memref<512xf32, #tpu.memory_space<hbm>>) dst(%dma_wait3A_115 : memref<512xf32, #tpu.memory_space<vmem>>)
      tpu.yield
    }) : () -> ()
    %run_scoped3A_89 = arith.constant 55 : i32
    "tpu.region"() ({
      %run_scoped3A_103 = tpu.sem_alloc : memref<!tpu.dma_semaphore, #tpu.memory_space<semaphore_mem>>
      %dma_start3A = arith.constant 28160 : i32
      %dma_start3A_104 = tpu.memref_slice %arg6[%dma_start3A] : memref<32768xf32, #tpu.memory_space<vmem>> -> memref<512xf32, #tpu.memory_space<vmem>>
      %dma_start3A_105 = tpu.memref_slice %arg3[%run_scoped3A_89, %mul3A_34] : memref<64x2048xf32, #tpu.memory_space<hbm>> -> memref<1x512xf32, #tpu.memory_space<hbm>>
      %dma_start3A_106 = tpu.memref_squeeze %dma_start3A_105 : memref<1x512xf32, #tpu.memory_space<hbm>> -> memref<512xf32, #tpu.memory_space<hbm>>
      %dma_start3A_107 = arith.constant 28160 : i32
      %dma_start3A_108 = tpu.memref_slice %arg6[%dma_start3A_107] : memref<32768xf32, #tpu.memory_space<vmem>> -> memref<512xf32, #tpu.memory_space<vmem>>
      %dma_start3A_109 = tpu.memref_slice %arg3[%run_scoped3A_89, %mul3A_34] : memref<64x2048xf32, #tpu.memory_space<hbm>> -> memref<1x512xf32, #tpu.memory_space<hbm>>
      %dma_start3A_110 = tpu.memref_squeeze %dma_start3A_109 : memref<1x512xf32, #tpu.memory_space<hbm>> -> memref<512xf32, #tpu.memory_space<hbm>>
      tpu.enqueue_dma source(%dma_start3A_110 : memref<512xf32, #tpu.memory_space<hbm>>) target(%dma_start3A_108 : memref<512xf32, #tpu.memory_space<vmem>>) target_semaphore(%run_scoped3A_103 : memref<!tpu.dma_semaphore, #tpu.memory_space<semaphore_mem>>)
      %dma_wait3A = arith.constant 28160 : i32
      %dma_wait3A_111 = tpu.memref_slice %arg6[%dma_wait3A] : memref<32768xf32, #tpu.memory_space<vmem>> -> memref<512xf32, #tpu.memory_space<vmem>>
      %dma_wait3A_112 = tpu.memref_slice %arg3[%run_scoped3A_89, %mul3A_34] : memref<64x2048xf32, #tpu.memory_space<hbm>> -> memref<1x512xf32, #tpu.memory_space<hbm>>
      %dma_wait3A_113 = tpu.memref_squeeze %dma_wait3A_112 : memref<1x512xf32, #tpu.memory_space<hbm>> -> memref<512xf32, #tpu.memory_space<hbm>>
      %dma_wait3A_114 = arith.constant 28160 : i32
      %dma_wait3A_115 = tpu.memref_slice %arg6[%dma_wait3A_114] : memref<32768xf32, #tpu.memory_space<vmem>> -> memref<512xf32, #tpu.memory_space<vmem>>
      %dma_wait3A_116 = tpu.memref_slice %arg3[%run_scoped3A_89, %mul3A_34] : memref<64x2048xf32, #tpu.memory_space<hbm>> -> memref<1x512xf32, #tpu.memory_space<hbm>>
      %dma_wait3A_117 = tpu.memref_squeeze %dma_wait3A_116 : memref<1x512xf32, #tpu.memory_space<hbm>> -> memref<512xf32, #tpu.memory_space<hbm>>
      tpu.wait_dma2 semaphore(%run_scoped3A_103 : memref<!tpu.dma_semaphore, #tpu.memory_space<semaphore_mem>>) src(%dma_wait3A_117 : memref<512xf32, #tpu.memory_space<hbm>>) dst(%dma_wait3A_115 : memref<512xf32, #tpu.memory_space<vmem>>)
      tpu.yield
    }) : () -> ()
    %run_scoped3A_90 = arith.constant 56 : i32
    "tpu.region"() ({
      %run_scoped3A_103 = tpu.sem_alloc : memref<!tpu.dma_semaphore, #tpu.memory_space<semaphore_mem>>
      %dma_start3A = arith.constant 28672 : i32
      %dma_start3A_104 = tpu.memref_slice %arg6[%dma_start3A] : memref<32768xf32, #tpu.memory_space<vmem>> -> memref<512xf32, #tpu.memory_space<vmem>>
      %dma_start3A_105 = tpu.memref_slice %arg3[%run_scoped3A_90, %mul3A_34] : memref<64x2048xf32, #tpu.memory_space<hbm>> -> memref<1x512xf32, #tpu.memory_space<hbm>>
      %dma_start3A_106 = tpu.memref_squeeze %dma_start3A_105 : memref<1x512xf32, #tpu.memory_space<hbm>> -> memref<512xf32, #tpu.memory_space<hbm>>
      %dma_start3A_107 = arith.constant 28672 : i32
      %dma_start3A_108 = tpu.memref_slice %arg6[%dma_start3A_107] : memref<32768xf32, #tpu.memory_space<vmem>> -> memref<512xf32, #tpu.memory_space<vmem>>
      %dma_start3A_109 = tpu.memref_slice %arg3[%run_scoped3A_90, %mul3A_34] : memref<64x2048xf32, #tpu.memory_space<hbm>> -> memref<1x512xf32, #tpu.memory_space<hbm>>
      %dma_start3A_110 = tpu.memref_squeeze %dma_start3A_109 : memref<1x512xf32, #tpu.memory_space<hbm>> -> memref<512xf32, #tpu.memory_space<hbm>>
      tpu.enqueue_dma source(%dma_start3A_110 : memref<512xf32, #tpu.memory_space<hbm>>) target(%dma_start3A_108 : memref<512xf32, #tpu.memory_space<vmem>>) target_semaphore(%run_scoped3A_103 : memref<!tpu.dma_semaphore, #tpu.memory_space<semaphore_mem>>)
      %dma_wait3A = arith.constant 28672 : i32
      %dma_wait3A_111 = tpu.memref_slice %arg6[%dma_wait3A] : memref<32768xf32, #tpu.memory_space<vmem>> -> memref<512xf32, #tpu.memory_space<vmem>>
      %dma_wait3A_112 = tpu.memref_slice %arg3[%run_scoped3A_90, %mul3A_34] : memref<64x2048xf32, #tpu.memory_space<hbm>> -> memref<1x512xf32, #tpu.memory_space<hbm>>
      %dma_wait3A_113 = tpu.memref_squeeze %dma_wait3A_112 : memref<1x512xf32, #tpu.memory_space<hbm>> -> memref<512xf32, #tpu.memory_space<hbm>>
      %dma_wait3A_114 = arith.constant 28672 : i32
      %dma_wait3A_115 = tpu.memref_slice %arg6[%dma_wait3A_114] : memref<32768xf32, #tpu.memory_space<vmem>> -> memref<512xf32, #tpu.memory_space<vmem>>
      %dma_wait3A_116 = tpu.memref_slice %arg3[%run_scoped3A_90, %mul3A_34] : memref<64x2048xf32, #tpu.memory_space<hbm>> -> memref<1x512xf32, #tpu.memory_space<hbm>>
      %dma_wait3A_117 = tpu.memref_squeeze %dma_wait3A_116 : memref<1x512xf32, #tpu.memory_space<hbm>> -> memref<512xf32, #tpu.memory_space<hbm>>
      tpu.wait_dma2 semaphore(%run_scoped3A_103 : memref<!tpu.dma_semaphore, #tpu.memory_space<semaphore_mem>>) src(%dma_wait3A_117 : memref<512xf32, #tpu.memory_space<hbm>>) dst(%dma_wait3A_115 : memref<512xf32, #tpu.memory_space<vmem>>)
      tpu.yield
    }) : () -> ()
    %run_scoped3A_91 = arith.constant 57 : i32
    "tpu.region"() ({
      %run_scoped3A_103 = tpu.sem_alloc : memref<!tpu.dma_semaphore, #tpu.memory_space<semaphore_mem>>
      %dma_start3A = arith.constant 29184 : i32
      %dma_start3A_104 = tpu.memref_slice %arg6[%dma_start3A] : memref<32768xf32, #tpu.memory_space<vmem>> -> memref<512xf32, #tpu.memory_space<vmem>>
      %dma_start3A_105 = tpu.memref_slice %arg3[%run_scoped3A_91, %mul3A_34] : memref<64x2048xf32, #tpu.memory_space<hbm>> -> memref<1x512xf32, #tpu.memory_space<hbm>>
      %dma_start3A_106 = tpu.memref_squeeze %dma_start3A_105 : memref<1x512xf32, #tpu.memory_space<hbm>> -> memref<512xf32, #tpu.memory_space<hbm>>
      %dma_start3A_107 = arith.constant 29184 : i32
      %dma_start3A_108 = tpu.memref_slice %arg6[%dma_start3A_107] : memref<32768xf32, #tpu.memory_space<vmem>> -> memref<512xf32, #tpu.memory_space<vmem>>
      %dma_start3A_109 = tpu.memref_slice %arg3[%run_scoped3A_91, %mul3A_34] : memref<64x2048xf32, #tpu.memory_space<hbm>> -> memref<1x512xf32, #tpu.memory_space<hbm>>
      %dma_start3A_110 = tpu.memref_squeeze %dma_start3A_109 : memref<1x512xf32, #tpu.memory_space<hbm>> -> memref<512xf32, #tpu.memory_space<hbm>>
      tpu.enqueue_dma source(%dma_start3A_110 : memref<512xf32, #tpu.memory_space<hbm>>) target(%dma_start3A_108 : memref<512xf32, #tpu.memory_space<vmem>>) target_semaphore(%run_scoped3A_103 : memref<!tpu.dma_semaphore, #tpu.memory_space<semaphore_mem>>)
      %dma_wait3A = arith.constant 29184 : i32
      %dma_wait3A_111 = tpu.memref_slice %arg6[%dma_wait3A] : memref<32768xf32, #tpu.memory_space<vmem>> -> memref<512xf32, #tpu.memory_space<vmem>>
      %dma_wait3A_112 = tpu.memref_slice %arg3[%run_scoped3A_91, %mul3A_34] : memref<64x2048xf32, #tpu.memory_space<hbm>> -> memref<1x512xf32, #tpu.memory_space<hbm>>
      %dma_wait3A_113 = tpu.memref_squeeze %dma_wait3A_112 : memref<1x512xf32, #tpu.memory_space<hbm>> -> memref<512xf32, #tpu.memory_space<hbm>>
      %dma_wait3A_114 = arith.constant 29184 : i32
      %dma_wait3A_115 = tpu.memref_slice %arg6[%dma_wait3A_114] : memref<32768xf32, #tpu.memory_space<vmem>> -> memref<512xf32, #tpu.memory_space<vmem>>
      %dma_wait3A_116 = tpu.memref_slice %arg3[%run_scoped3A_91, %mul3A_34] : memref<64x2048xf32, #tpu.memory_space<hbm>> -> memref<1x512xf32, #tpu.memory_space<hbm>>
      %dma_wait3A_117 = tpu.memref_squeeze %dma_wait3A_116 : memref<1x512xf32, #tpu.memory_space<hbm>> -> memref<512xf32, #tpu.memory_space<hbm>>
      tpu.wait_dma2 semaphore(%run_scoped3A_103 : memref<!tpu.dma_semaphore, #tpu.memory_space<semaphore_mem>>) src(%dma_wait3A_117 : memref<512xf32, #tpu.memory_space<hbm>>) dst(%dma_wait3A_115 : memref<512xf32, #tpu.memory_space<vmem>>)
      tpu.yield
    }) : () -> ()
    %run_scoped3A_92 = arith.constant 58 : i32
    "tpu.region"() ({
      %run_scoped3A_103 = tpu.sem_alloc : memref<!tpu.dma_semaphore, #tpu.memory_space<semaphore_mem>>
      %dma_start3A = arith.constant 29696 : i32
      %dma_start3A_104 = tpu.memref_slice %arg6[%dma_start3A] : memref<32768xf32, #tpu.memory_space<vmem>> -> memref<512xf32, #tpu.memory_space<vmem>>
      %dma_start3A_105 = tpu.memref_slice %arg3[%run_scoped3A_92, %mul3A_34] : memref<64x2048xf32, #tpu.memory_space<hbm>> -> memref<1x512xf32, #tpu.memory_space<hbm>>
      %dma_start3A_106 = tpu.memref_squeeze %dma_start3A_105 : memref<1x512xf32, #tpu.memory_space<hbm>> -> memref<512xf32, #tpu.memory_space<hbm>>
      %dma_start3A_107 = arith.constant 29696 : i32
      %dma_start3A_108 = tpu.memref_slice %arg6[%dma_start3A_107] : memref<32768xf32, #tpu.memory_space<vmem>> -> memref<512xf32, #tpu.memory_space<vmem>>
      %dma_start3A_109 = tpu.memref_slice %arg3[%run_scoped3A_92, %mul3A_34] : memref<64x2048xf32, #tpu.memory_space<hbm>> -> memref<1x512xf32, #tpu.memory_space<hbm>>
      %dma_start3A_110 = tpu.memref_squeeze %dma_start3A_109 : memref<1x512xf32, #tpu.memory_space<hbm>> -> memref<512xf32, #tpu.memory_space<hbm>>
      tpu.enqueue_dma source(%dma_start3A_110 : memref<512xf32, #tpu.memory_space<hbm>>) target(%dma_start3A_108 : memref<512xf32, #tpu.memory_space<vmem>>) target_semaphore(%run_scoped3A_103 : memref<!tpu.dma_semaphore, #tpu.memory_space<semaphore_mem>>)
      %dma_wait3A = arith.constant 29696 : i32
      %dma_wait3A_111 = tpu.memref_slice %arg6[%dma_wait3A] : memref<32768xf32, #tpu.memory_space<vmem>> -> memref<512xf32, #tpu.memory_space<vmem>>
      %dma_wait3A_112 = tpu.memref_slice %arg3[%run_scoped3A_92, %mul3A_34] : memref<64x2048xf32, #tpu.memory_space<hbm>> -> memref<1x512xf32, #tpu.memory_space<hbm>>
      %dma_wait3A_113 = tpu.memref_squeeze %dma_wait3A_112 : memref<1x512xf32, #tpu.memory_space<hbm>> -> memref<512xf32, #tpu.memory_space<hbm>>
      %dma_wait3A_114 = arith.constant 29696 : i32
      %dma_wait3A_115 = tpu.memref_slice %arg6[%dma_wait3A_114] : memref<32768xf32, #tpu.memory_space<vmem>> -> memref<512xf32, #tpu.memory_space<vmem>>
      %dma_wait3A_116 = tpu.memref_slice %arg3[%run_scoped3A_92, %mul3A_34] : memref<64x2048xf32, #tpu.memory_space<hbm>> -> memref<1x512xf32, #tpu.memory_space<hbm>>
      %dma_wait3A_117 = tpu.memref_squeeze %dma_wait3A_116 : memref<1x512xf32, #tpu.memory_space<hbm>> -> memref<512xf32, #tpu.memory_space<hbm>>
      tpu.wait_dma2 semaphore(%run_scoped3A_103 : memref<!tpu.dma_semaphore, #tpu.memory_space<semaphore_mem>>) src(%dma_wait3A_117 : memref<512xf32, #tpu.memory_space<hbm>>) dst(%dma_wait3A_115 : memref<512xf32, #tpu.memory_space<vmem>>)
      tpu.yield
    }) : () -> ()
    %run_scoped3A_93 = arith.constant 59 : i32
    "tpu.region"() ({
      %run_scoped3A_103 = tpu.sem_alloc : memref<!tpu.dma_semaphore, #tpu.memory_space<semaphore_mem>>
      %dma_start3A = arith.constant 30208 : i32
      %dma_start3A_104 = tpu.memref_slice %arg6[%dma_start3A] : memref<32768xf32, #tpu.memory_space<vmem>> -> memref<512xf32, #tpu.memory_space<vmem>>
      %dma_start3A_105 = tpu.memref_slice %arg3[%run_scoped3A_93, %mul3A_34] : memref<64x2048xf32, #tpu.memory_space<hbm>> -> memref<1x512xf32, #tpu.memory_space<hbm>>
      %dma_start3A_106 = tpu.memref_squeeze %dma_start3A_105 : memref<1x512xf32, #tpu.memory_space<hbm>> -> memref<512xf32, #tpu.memory_space<hbm>>
      %dma_start3A_107 = arith.constant 30208 : i32
      %dma_start3A_108 = tpu.memref_slice %arg6[%dma_start3A_107] : memref<32768xf32, #tpu.memory_space<vmem>> -> memref<512xf32, #tpu.memory_space<vmem>>
      %dma_start3A_109 = tpu.memref_slice %arg3[%run_scoped3A_93, %mul3A_34] : memref<64x2048xf32, #tpu.memory_space<hbm>> -> memref<1x512xf32, #tpu.memory_space<hbm>>
      %dma_start3A_110 = tpu.memref_squeeze %dma_start3A_109 : memref<1x512xf32, #tpu.memory_space<hbm>> -> memref<512xf32, #tpu.memory_space<hbm>>
      tpu.enqueue_dma source(%dma_start3A_110 : memref<512xf32, #tpu.memory_space<hbm>>) target(%dma_start3A_108 : memref<512xf32, #tpu.memory_space<vmem>>) target_semaphore(%run_scoped3A_103 : memref<!tpu.dma_semaphore, #tpu.memory_space<semaphore_mem>>)
      %dma_wait3A = arith.constant 30208 : i32
      %dma_wait3A_111 = tpu.memref_slice %arg6[%dma_wait3A] : memref<32768xf32, #tpu.memory_space<vmem>> -> memref<512xf32, #tpu.memory_space<vmem>>
      %dma_wait3A_112 = tpu.memref_slice %arg3[%run_scoped3A_93, %mul3A_34] : memref<64x2048xf32, #tpu.memory_space<hbm>> -> memref<1x512xf32, #tpu.memory_space<hbm>>
      %dma_wait3A_113 = tpu.memref_squeeze %dma_wait3A_112 : memref<1x512xf32, #tpu.memory_space<hbm>> -> memref<512xf32, #tpu.memory_space<hbm>>
      %dma_wait3A_114 = arith.constant 30208 : i32
      %dma_wait3A_115 = tpu.memref_slice %arg6[%dma_wait3A_114] : memref<32768xf32, #tpu.memory_space<vmem>> -> memref<512xf32, #tpu.memory_space<vmem>>
      %dma_wait3A_116 = tpu.memref_slice %arg3[%run_scoped3A_93, %mul3A_34] : memref<64x2048xf32, #tpu.memory_space<hbm>> -> memref<1x512xf32, #tpu.memory_space<hbm>>
      %dma_wait3A_117 = tpu.memref_squeeze %dma_wait3A_116 : memref<1x512xf32, #tpu.memory_space<hbm>> -> memref<512xf32, #tpu.memory_space<hbm>>
      tpu.wait_dma2 semaphore(%run_scoped3A_103 : memref<!tpu.dma_semaphore, #tpu.memory_space<semaphore_mem>>) src(%dma_wait3A_117 : memref<512xf32, #tpu.memory_space<hbm>>) dst(%dma_wait3A_115 : memref<512xf32, #tpu.memory_space<vmem>>)
      tpu.yield
    }) : () -> ()
    %run_scoped3A_94 = arith.constant 60 : i32
    "tpu.region"() ({
      %run_scoped3A_103 = tpu.sem_alloc : memref<!tpu.dma_semaphore, #tpu.memory_space<semaphore_mem>>
      %dma_start3A = arith.constant 30720 : i32
      %dma_start3A_104 = tpu.memref_slice %arg6[%dma_start3A] : memref<32768xf32, #tpu.memory_space<vmem>> -> memref<512xf32, #tpu.memory_space<vmem>>
      %dma_start3A_105 = tpu.memref_slice %arg3[%run_scoped3A_94, %mul3A_34] : memref<64x2048xf32, #tpu.memory_space<hbm>> -> memref<1x512xf32, #tpu.memory_space<hbm>>
      %dma_start3A_106 = tpu.memref_squeeze %dma_start3A_105 : memref<1x512xf32, #tpu.memory_space<hbm>> -> memref<512xf32, #tpu.memory_space<hbm>>
      %dma_start3A_107 = arith.constant 30720 : i32
      %dma_start3A_108 = tpu.memref_slice %arg6[%dma_start3A_107] : memref<32768xf32, #tpu.memory_space<vmem>> -> memref<512xf32, #tpu.memory_space<vmem>>
      %dma_start3A_109 = tpu.memref_slice %arg3[%run_scoped3A_94, %mul3A_34] : memref<64x2048xf32, #tpu.memory_space<hbm>> -> memref<1x512xf32, #tpu.memory_space<hbm>>
      %dma_start3A_110 = tpu.memref_squeeze %dma_start3A_109 : memref<1x512xf32, #tpu.memory_space<hbm>> -> memref<512xf32, #tpu.memory_space<hbm>>
      tpu.enqueue_dma source(%dma_start3A_110 : memref<512xf32, #tpu.memory_space<hbm>>) target(%dma_start3A_108 : memref<512xf32, #tpu.memory_space<vmem>>) target_semaphore(%run_scoped3A_103 : memref<!tpu.dma_semaphore, #tpu.memory_space<semaphore_mem>>)
      %dma_wait3A = arith.constant 30720 : i32
      %dma_wait3A_111 = tpu.memref_slice %arg6[%dma_wait3A] : memref<32768xf32, #tpu.memory_space<vmem>> -> memref<512xf32, #tpu.memory_space<vmem>>
      %dma_wait3A_112 = tpu.memref_slice %arg3[%run_scoped3A_94, %mul3A_34] : memref<64x2048xf32, #tpu.memory_space<hbm>> -> memref<1x512xf32, #tpu.memory_space<hbm>>
      %dma_wait3A_113 = tpu.memref_squeeze %dma_wait3A_112 : memref<1x512xf32, #tpu.memory_space<hbm>> -> memref<512xf32, #tpu.memory_space<hbm>>
      %dma_wait3A_114 = arith.constant 30720 : i32
      %dma_wait3A_115 = tpu.memref_slice %arg6[%dma_wait3A_114] : memref<32768xf32, #tpu.memory_space<vmem>> -> memref<512xf32, #tpu.memory_space<vmem>>
      %dma_wait3A_116 = tpu.memref_slice %arg3[%run_scoped3A_94, %mul3A_34] : memref<64x2048xf32, #tpu.memory_space<hbm>> -> memref<1x512xf32, #tpu.memory_space<hbm>>
      %dma_wait3A_117 = tpu.memref_squeeze %dma_wait3A_116 : memref<1x512xf32, #tpu.memory_space<hbm>> -> memref<512xf32, #tpu.memory_space<hbm>>
      tpu.wait_dma2 semaphore(%run_scoped3A_103 : memref<!tpu.dma_semaphore, #tpu.memory_space<semaphore_mem>>) src(%dma_wait3A_117 : memref<512xf32, #tpu.memory_space<hbm>>) dst(%dma_wait3A_115 : memref<512xf32, #tpu.memory_space<vmem>>)
      tpu.yield
    }) : () -> ()
    %run_scoped3A_95 = arith.constant 61 : i32
    "tpu.region"() ({
      %run_scoped3A_103 = tpu.sem_alloc : memref<!tpu.dma_semaphore, #tpu.memory_space<semaphore_mem>>
      %dma_start3A = arith.constant 31232 : i32
      %dma_start3A_104 = tpu.memref_slice %arg6[%dma_start3A] : memref<32768xf32, #tpu.memory_space<vmem>> -> memref<512xf32, #tpu.memory_space<vmem>>
      %dma_start3A_105 = tpu.memref_slice %arg3[%run_scoped3A_95, %mul3A_34] : memref<64x2048xf32, #tpu.memory_space<hbm>> -> memref<1x512xf32, #tpu.memory_space<hbm>>
      %dma_start3A_106 = tpu.memref_squeeze %dma_start3A_105 : memref<1x512xf32, #tpu.memory_space<hbm>> -> memref<512xf32, #tpu.memory_space<hbm>>
      %dma_start3A_107 = arith.constant 31232 : i32
      %dma_start3A_108 = tpu.memref_slice %arg6[%dma_start3A_107] : memref<32768xf32, #tpu.memory_space<vmem>> -> memref<512xf32, #tpu.memory_space<vmem>>
      %dma_start3A_109 = tpu.memref_slice %arg3[%run_scoped3A_95, %mul3A_34] : memref<64x2048xf32, #tpu.memory_space<hbm>> -> memref<1x512xf32, #tpu.memory_space<hbm>>
      %dma_start3A_110 = tpu.memref_squeeze %dma_start3A_109 : memref<1x512xf32, #tpu.memory_space<hbm>> -> memref<512xf32, #tpu.memory_space<hbm>>
      tpu.enqueue_dma source(%dma_start3A_110 : memref<512xf32, #tpu.memory_space<hbm>>) target(%dma_start3A_108 : memref<512xf32, #tpu.memory_space<vmem>>) target_semaphore(%run_scoped3A_103 : memref<!tpu.dma_semaphore, #tpu.memory_space<semaphore_mem>>)
      %dma_wait3A = arith.constant 31232 : i32
      %dma_wait3A_111 = tpu.memref_slice %arg6[%dma_wait3A] : memref<32768xf32, #tpu.memory_space<vmem>> -> memref<512xf32, #tpu.memory_space<vmem>>
      %dma_wait3A_112 = tpu.memref_slice %arg3[%run_scoped3A_95, %mul3A_34] : memref<64x2048xf32, #tpu.memory_space<hbm>> -> memref<1x512xf32, #tpu.memory_space<hbm>>
      %dma_wait3A_113 = tpu.memref_squeeze %dma_wait3A_112 : memref<1x512xf32, #tpu.memory_space<hbm>> -> memref<512xf32, #tpu.memory_space<hbm>>
      %dma_wait3A_114 = arith.constant 31232 : i32
      %dma_wait3A_115 = tpu.memref_slice %arg6[%dma_wait3A_114] : memref<32768xf32, #tpu.memory_space<vmem>> -> memref<512xf32, #tpu.memory_space<vmem>>
      %dma_wait3A_116 = tpu.memref_slice %arg3[%run_scoped3A_95, %mul3A_34] : memref<64x2048xf32, #tpu.memory_space<hbm>> -> memref<1x512xf32, #tpu.memory_space<hbm>>
      %dma_wait3A_117 = tpu.memref_squeeze %dma_wait3A_116 : memref<1x512xf32, #tpu.memory_space<hbm>> -> memref<512xf32, #tpu.memory_space<hbm>>
      tpu.wait_dma2 semaphore(%run_scoped3A_103 : memref<!tpu.dma_semaphore, #tpu.memory_space<semaphore_mem>>) src(%dma_wait3A_117 : memref<512xf32, #tpu.memory_space<hbm>>) dst(%dma_wait3A_115 : memref<512xf32, #tpu.memory_space<vmem>>)
      tpu.yield
    }) : () -> ()
    %run_scoped3A_96 = arith.constant 62 : i32
    "tpu.region"() ({
      %run_scoped3A_103 = tpu.sem_alloc : memref<!tpu.dma_semaphore, #tpu.memory_space<semaphore_mem>>
      %dma_start3A = arith.constant 31744 : i32
      %dma_start3A_104 = tpu.memref_slice %arg6[%dma_start3A] : memref<32768xf32, #tpu.memory_space<vmem>> -> memref<512xf32, #tpu.memory_space<vmem>>
      %dma_start3A_105 = tpu.memref_slice %arg3[%run_scoped3A_96, %mul3A_34] : memref<64x2048xf32, #tpu.memory_space<hbm>> -> memref<1x512xf32, #tpu.memory_space<hbm>>
      %dma_start3A_106 = tpu.memref_squeeze %dma_start3A_105 : memref<1x512xf32, #tpu.memory_space<hbm>> -> memref<512xf32, #tpu.memory_space<hbm>>
      %dma_start3A_107 = arith.constant 31744 : i32
      %dma_start3A_108 = tpu.memref_slice %arg6[%dma_start3A_107] : memref<32768xf32, #tpu.memory_space<vmem>> -> memref<512xf32, #tpu.memory_space<vmem>>
      %dma_start3A_109 = tpu.memref_slice %arg3[%run_scoped3A_96, %mul3A_34] : memref<64x2048xf32, #tpu.memory_space<hbm>> -> memref<1x512xf32, #tpu.memory_space<hbm>>
      %dma_start3A_110 = tpu.memref_squeeze %dma_start3A_109 : memref<1x512xf32, #tpu.memory_space<hbm>> -> memref<512xf32, #tpu.memory_space<hbm>>
      tpu.enqueue_dma source(%dma_start3A_110 : memref<512xf32, #tpu.memory_space<hbm>>) target(%dma_start3A_108 : memref<512xf32, #tpu.memory_space<vmem>>) target_semaphore(%run_scoped3A_103 : memref<!tpu.dma_semaphore, #tpu.memory_space<semaphore_mem>>)
      %dma_wait3A = arith.constant 31744 : i32
      %dma_wait3A_111 = tpu.memref_slice %arg6[%dma_wait3A] : memref<32768xf32, #tpu.memory_space<vmem>> -> memref<512xf32, #tpu.memory_space<vmem>>
      %dma_wait3A_112 = tpu.memref_slice %arg3[%run_scoped3A_96, %mul3A_34] : memref<64x2048xf32, #tpu.memory_space<hbm>> -> memref<1x512xf32, #tpu.memory_space<hbm>>
      %dma_wait3A_113 = tpu.memref_squeeze %dma_wait3A_112 : memref<1x512xf32, #tpu.memory_space<hbm>> -> memref<512xf32, #tpu.memory_space<hbm>>
      %dma_wait3A_114 = arith.constant 31744 : i32
      %dma_wait3A_115 = tpu.memref_slice %arg6[%dma_wait3A_114] : memref<32768xf32, #tpu.memory_space<vmem>> -> memref<512xf32, #tpu.memory_space<vmem>>
      %dma_wait3A_116 = tpu.memref_slice %arg3[%run_scoped3A_96, %mul3A_34] : memref<64x2048xf32, #tpu.memory_space<hbm>> -> memref<1x512xf32, #tpu.memory_space<hbm>>
      %dma_wait3A_117 = tpu.memref_squeeze %dma_wait3A_116 : memref<1x512xf32, #tpu.memory_space<hbm>> -> memref<512xf32, #tpu.memory_space<hbm>>
      tpu.wait_dma2 semaphore(%run_scoped3A_103 : memref<!tpu.dma_semaphore, #tpu.memory_space<semaphore_mem>>) src(%dma_wait3A_117 : memref<512xf32, #tpu.memory_space<hbm>>) dst(%dma_wait3A_115 : memref<512xf32, #tpu.memory_space<vmem>>)
      tpu.yield
    }) : () -> ()
    %run_scoped3A_97 = arith.constant 63 : i32
    "tpu.region"() ({
      %run_scoped3A_103 = tpu.sem_alloc : memref<!tpu.dma_semaphore, #tpu.memory_space<semaphore_mem>>
      %dma_start3A = arith.constant 32256 : i32
      %dma_start3A_104 = tpu.memref_slice %arg6[%dma_start3A] : memref<32768xf32, #tpu.memory_space<vmem>> -> memref<512xf32, #tpu.memory_space<vmem>>
      %dma_start3A_105 = tpu.memref_slice %arg3[%run_scoped3A_97, %mul3A_34] : memref<64x2048xf32, #tpu.memory_space<hbm>> -> memref<1x512xf32, #tpu.memory_space<hbm>>
      %dma_start3A_106 = tpu.memref_squeeze %dma_start3A_105 : memref<1x512xf32, #tpu.memory_space<hbm>> -> memref<512xf32, #tpu.memory_space<hbm>>
      %dma_start3A_107 = arith.constant 32256 : i32
      %dma_start3A_108 = tpu.memref_slice %arg6[%dma_start3A_107] : memref<32768xf32, #tpu.memory_space<vmem>> -> memref<512xf32, #tpu.memory_space<vmem>>
      %dma_start3A_109 = tpu.memref_slice %arg3[%run_scoped3A_97, %mul3A_34] : memref<64x2048xf32, #tpu.memory_space<hbm>> -> memref<1x512xf32, #tpu.memory_space<hbm>>
      %dma_start3A_110 = tpu.memref_squeeze %dma_start3A_109 : memref<1x512xf32, #tpu.memory_space<hbm>> -> memref<512xf32, #tpu.memory_space<hbm>>
      tpu.enqueue_dma source(%dma_start3A_110 : memref<512xf32, #tpu.memory_space<hbm>>) target(%dma_start3A_108 : memref<512xf32, #tpu.memory_space<vmem>>) target_semaphore(%run_scoped3A_103 : memref<!tpu.dma_semaphore, #tpu.memory_space<semaphore_mem>>)
      %dma_wait3A = arith.constant 32256 : i32
      %dma_wait3A_111 = tpu.memref_slice %arg6[%dma_wait3A] : memref<32768xf32, #tpu.memory_space<vmem>> -> memref<512xf32, #tpu.memory_space<vmem>>
      %dma_wait3A_112 = tpu.memref_slice %arg3[%run_scoped3A_97, %mul3A_34] : memref<64x2048xf32, #tpu.memory_space<hbm>> -> memref<1x512xf32, #tpu.memory_space<hbm>>
      %dma_wait3A_113 = tpu.memref_squeeze %dma_wait3A_112 : memref<1x512xf32, #tpu.memory_space<hbm>> -> memref<512xf32, #tpu.memory_space<hbm>>
      %dma_wait3A_114 = arith.constant 32256 : i32
      %dma_wait3A_115 = tpu.memref_slice %arg6[%dma_wait3A_114] : memref<32768xf32, #tpu.memory_space<vmem>> -> memref<512xf32, #tpu.memory_space<vmem>>
      %dma_wait3A_116 = tpu.memref_slice %arg3[%run_scoped3A_97, %mul3A_34] : memref<64x2048xf32, #tpu.memory_space<hbm>> -> memref<1x512xf32, #tpu.memory_space<hbm>>
      %dma_wait3A_117 = tpu.memref_squeeze %dma_wait3A_116 : memref<1x512xf32, #tpu.memory_space<hbm>> -> memref<512xf32, #tpu.memory_space<hbm>>
      tpu.wait_dma2 semaphore(%run_scoped3A_103 : memref<!tpu.dma_semaphore, #tpu.memory_space<semaphore_mem>>) src(%dma_wait3A_117 : memref<512xf32, #tpu.memory_space<hbm>>) dst(%dma_wait3A_115 : memref<512xf32, #tpu.memory_space<vmem>>)
      tpu.yield
    }) : () -> ()
    %iota3A = tpu.iota {dimensions = array<i32: 0>} : vector<16xi32>
    %scan3A = arith.constant 0 : i32
    %scan3A_98 = arith.constant 0 : i32
    %scan3A_99 = arith.constant 16 : i32
    %scan3A_100 = arith.addi %scan3A_98, %scan3A_99 : i32
    %scan3A_101 = arith.constant 1 : i32
    scf.for %scan3A_103 = %scan3A_98 to %scan3A_100 step %scan3A_101  : i32 {
      %mul3A_104 = arith.constant 64 : i32
      %mul3A_105 = arith.muli %scan3A_103, %mul3A_104 : i32
      %add3A_106 = arith.addi %mul3A_32, %mul3A_105 : i32
      "tpu.region"() ({
        %run_scoped3A_113 = tpu.sem_alloc : memref<!tpu.dma_semaphore, #tpu.memory_space<semaphore_mem>>
        %dma_start3A = tpu.memref_slice %arg2[%add3A_106, %mul3A_34] : memref<8192x2048xf32, #tpu.memory_space<hbm>> -> memref<64x512xf32, #tpu.memory_space<hbm>>
        %dma_start3A_114 = tpu.memref_slice %arg2[%add3A_106, %mul3A_34] : memref<8192x2048xf32, #tpu.memory_space<hbm>> -> memref<64x512xf32, #tpu.memory_space<hbm>>
        tpu.enqueue_dma source(%dma_start3A_114 : memref<64x512xf32, #tpu.memory_space<hbm>>) target(%arg7 : memref<64x512xf32, #tpu.memory_space<vmem>>) target_semaphore(%run_scoped3A_113 : memref<!tpu.dma_semaphore, #tpu.memory_space<semaphore_mem>>)
        %dma_wait3A = tpu.memref_slice %arg2[%add3A_106, %mul3A_34] : memref<8192x2048xf32, #tpu.memory_space<hbm>> -> memref<64x512xf32, #tpu.memory_space<hbm>>
        %dma_wait3A_115 = tpu.memref_slice %arg2[%add3A_106, %mul3A_34] : memref<8192x2048xf32, #tpu.memory_space<hbm>> -> memref<64x512xf32, #tpu.memory_space<hbm>>
        tpu.wait_dma2 semaphore(%run_scoped3A_113 : memref<!tpu.dma_semaphore, #tpu.memory_space<semaphore_mem>>) src(%dma_wait3A_115 : memref<64x512xf32, #tpu.memory_space<hbm>>) dst(%arg7 : memref<64x512xf32, #tpu.memory_space<vmem>>)
        tpu.yield
      }) : () -> ()
      "tpu.region"() ({
        %run_scoped3A_113 = tpu.sem_alloc : memref<!tpu.dma_semaphore, #tpu.memory_space<semaphore_mem>>
        %dma_start3A = arith.constant 0 : i32
        %dma_start3A_114 = tpu.memref_slice %arg4[%add3A_106, %dma_start3A] : memref<8192x80xf32, #tpu.memory_space<hbm>> -> memref<64x80xf32, #tpu.memory_space<hbm>>
        %dma_start3A_115 = arith.constant 0 : i32
        %dma_start3A_116 = tpu.memref_slice %arg4[%add3A_106, %dma_start3A_115] : memref<8192x80xf32, #tpu.memory_space<hbm>> -> memref<64x80xf32, #tpu.memory_space<hbm>>
        tpu.enqueue_dma source(%dma_start3A_116 : memref<64x80xf32, #tpu.memory_space<hbm>>) target(%arg9 : memref<64x80xf32, #tpu.memory_space<vmem>>) target_semaphore(%run_scoped3A_113 : memref<!tpu.dma_semaphore, #tpu.memory_space<semaphore_mem>>)
        %dma_wait3A = arith.constant 0 : i32
        %dma_wait3A_117 = tpu.memref_slice %arg4[%add3A_106, %dma_wait3A] : memref<8192x80xf32, #tpu.memory_space<hbm>> -> memref<64x80xf32, #tpu.memory_space<hbm>>
        %dma_wait3A_118 = arith.constant 0 : i32
        %dma_wait3A_119 = tpu.memref_slice %arg4[%add3A_106, %dma_wait3A_118] : memref<8192x80xf32, #tpu.memory_space<hbm>> -> memref<64x80xf32, #tpu.memory_space<hbm>>
        tpu.wait_dma2 semaphore(%run_scoped3A_113 : memref<!tpu.dma_semaphore, #tpu.memory_space<semaphore_mem>>) src(%dma_wait3A_119 : memref<64x80xf32, #tpu.memory_space<hbm>>) dst(%arg9 : memref<64x80xf32, #tpu.memory_space<vmem>>)
        tpu.yield
      }) : () -> ()
      %scan3A_107 = arith.constant 0 : i32
      %scan3A_108 = arith.constant 0 : i32
      %scan3A_109 = arith.constant 64 : i32
      %scan3A_110 = arith.addi %scan3A_108, %scan3A_109 : i32
      %scan3A_111 = arith.constant 1 : i32
      scf.for %scan3A_113 = %scan3A_108 to %scan3A_110 step %scan3A_111  : i32 {
        %get3A = arith.index_cast %scan3A_113 : i32 to index
        %get3A_114 = arith.constant 0 : index
        %get3A_115 = tpu.vector_load %arg9[%get3A, %get3A_114] {strides = array<i32>} : memref<64x80xf32, #tpu.memory_space<vmem>>, vector<16xf32>,
        %get3A_116 = arith.index_cast %scan3A_113 : i32 to index
        %get3A_117 = arith.constant 16 : index
        %get3A_118 = tpu.vector_load %arg9[%get3A_116, %get3A_117] {strides = array<i32>} : memref<64x80xf32, #tpu.memory_space<vmem>>, vector<16xf32>,
        %get3A_119 = arith.index_cast %scan3A_113 : i32 to index
        %get3A_120 = arith.constant 32 : index
        %get3A_121 = tpu.vector_load %arg9[%get3A_119, %get3A_120] {strides = array<i32>} : memref<64x80xf32, #tpu.memory_space<vmem>>, vector<16xf32>,
        %get3A_122 = arith.index_cast %scan3A_113 : i32 to index
        %get3A_123 = arith.constant 48 : index
        %get3A_124 = tpu.vector_load %arg9[%get3A_122, %get3A_123] {strides = array<i32>} : memref<64x80xf32, #tpu.memory_space<vmem>>, vector<16xf32>,
        %convert_element_type3A = arith.fptosi %get3A_124 : vector<16xf32> to vector<16xi32>
        %add3A_125 = arith.addi %convert_element_type3A, %iota3A : vector<16xi32>
        %get3A_126 = arith.index_cast %scan3A_113 : i32 to index
        %get3A_127 = arith.constant 64 : index
        %get3A_128 = tpu.vector_load %arg9[%get3A_126, %get3A_127] {strides = array<i32>} : memref<64x80xf32, #tpu.memory_space<vmem>>, vector<16xf32>,
        %convert_element_type3A_129 = arith.fptosi %get3A_128 : vector<16xf32> to vector<16xi32>
        %add3A_130 = arith.addi %convert_element_type3A_129, %iota3A : vector<16xi32>
        %scan3A_131 = arith.constant 0 : i32
        %scan3A_132 = arith.constant 0 : i32
        %scan3A_133 = arith.constant 32 : i32
        %scan3A_134 = arith.addi %scan3A_132, %scan3A_133 : i32
        %scan3A_135 = arith.constant 4 : i32
        scf.for %scan3A_137 = %scan3A_132 to %scan3A_134 step %scan3A_135  : i32 {
          %mul3A_138 = arith.constant 16 : i32
          %mul3A_139 = arith.muli %scan3A_137, %mul3A_138 : i32
          %get3A_140 = arith.index_cast %scan3A_113 : i32 to index
          %get3A_141 = arith.index_cast %mul3A_139 : i32 to index
          %get3A_142 = tpu.vector_load %arg7[%get3A_140, %get3A_141] {strides = array<i32>} : memref<64x512xf32, #tpu.memory_space<vmem>>, vector<16xf32>,
          %add3A_143 = vector.broadcast %mul3A_139 : i32 to vector<16xi32>
          %add3A_144 = arith.addi %add3A_125, %add3A_143 : vector<16xi32>
          %gather3A = tpu.vector_load_idx %arg6[%add3A_144] : memref<32768xf32, #tpu.memory_space<vmem>>[vector<16xi32>], vector<16xf32>,
          %add3A_145 = vector.broadcast %mul3A_139 : i32 to vector<16xi32>
          %add3A_146 = arith.addi %add3A_130, %add3A_145 : vector<16xi32>
          %gather3A_147 = tpu.vector_load_idx %arg6[%add3A_146] : memref<32768xf32, #tpu.memory_space<vmem>>[vector<16xi32>], vector<16xf32>,
          %mul3A_148 = arith.mulf %get3A_115, %get3A_142 : vector<16xf32>
          %mul3A_149 = arith.mulf %get3A_118, %gather3A : vector<16xf32>
          %add3A_150 = arith.addf %mul3A_148, %mul3A_149 : vector<16xf32>
          %mul3A_151 = arith.mulf %get3A_121, %gather3A_147 : vector<16xf32>
          %add3A_152 = arith.addf %add3A_150, %mul3A_151 : vector<16xf32>
          %swap3A = arith.index_cast %scan3A_113 : i32 to index
          %swap3A_153 = arith.index_cast %mul3A_139 : i32 to index
          %swap3A_154 = tpu.vector_load %arg8[%swap3A, %swap3A_153] {strides = array<i32>} : memref<64x512xf32, #tpu.memory_space<vmem>>, vector<16xf32>,
          tpu.vector_store %arg8[%swap3A, %swap3A_153], %add3A_152 {strides = array<i32>} : memref<64x512xf32, #tpu.memory_space<vmem>>, vector<16xf32>,
          %scan3A_155 = arith.constant 1 : i32
          %scan3A_156 = arith.addi %scan3A_137, %scan3A_155 : i32
          %mul3A_157 = arith.constant 16 : i32
          %mul3A_158 = arith.muli %scan3A_156, %mul3A_157 : i32
          %get3A_159 = arith.index_cast %scan3A_113 : i32 to index
          %get3A_160 = arith.index_cast %mul3A_158 : i32 to index
          %get3A_161 = tpu.vector_load %arg7[%get3A_159, %get3A_160] {strides = array<i32>} : memref<64x512xf32, #tpu.memory_space<vmem>>, vector<16xf32>,
          %add3A_162 = vector.broadcast %mul3A_158 : i32 to vector<16xi32>
          %add3A_163 = arith.addi %add3A_125, %add3A_162 : vector<16xi32>
          %gather3A_164 = tpu.vector_load_idx %arg6[%add3A_163] : memref<32768xf32, #tpu.memory_space<vmem>>[vector<16xi32>], vector<16xf32>,
          %add3A_165 = vector.broadcast %mul3A_158 : i32 to vector<16xi32>
          %add3A_166 = arith.addi %add3A_130, %add3A_165 : vector<16xi32>
          %gather3A_167 = tpu.vector_load_idx %arg6[%add3A_166] : memref<32768xf32, #tpu.memory_space<vmem>>[vector<16xi32>], vector<16xf32>,
          %mul3A_168 = arith.mulf %get3A_115, %get3A_161 : vector<16xf32>
          %mul3A_169 = arith.mulf %get3A_118, %gather3A_164 : vector<16xf32>
          %add3A_170 = arith.addf %mul3A_168, %mul3A_169 : vector<16xf32>
          %mul3A_171 = arith.mulf %get3A_121, %gather3A_167 : vector<16xf32>
          %add3A_172 = arith.addf %add3A_170, %mul3A_171 : vector<16xf32>
          %swap3A_173 = arith.index_cast %scan3A_113 : i32 to index
          %swap3A_174 = arith.index_cast %mul3A_158 : i32 to index
          %swap3A_175 = tpu.vector_load %arg8[%swap3A_173, %swap3A_174] {strides = array<i32>} : memref<64x512xf32, #tpu.memory_space<vmem>>, vector<16xf32>,
          tpu.vector_store %arg8[%swap3A_173, %swap3A_174], %add3A_172 {strides = array<i32>} : memref<64x512xf32, #tpu.memory_space<vmem>>, vector<16xf32>,
          %scan3A_176 = arith.constant 2 : i32
          %scan3A_177 = arith.addi %scan3A_137, %scan3A_176 : i32
          %mul3A_178 = arith.constant 16 : i32
          %mul3A_179 = arith.muli %scan3A_177, %mul3A_178 : i32
          %get3A_180 = arith.index_cast %scan3A_113 : i32 to index
          %get3A_181 = arith.index_cast %mul3A_179 : i32 to index
          %get3A_182 = tpu.vector_load %arg7[%get3A_180, %get3A_181] {strides = array<i32>} : memref<64x512xf32, #tpu.memory_space<vmem>>, vector<16xf32>,
          %add3A_183 = vector.broadcast %mul3A_179 : i32 to vector<16xi32>
          %add3A_184 = arith.addi %add3A_125, %add3A_183 : vector<16xi32>
          %gather3A_185 = tpu.vector_load_idx %arg6[%add3A_184] : memref<32768xf32, #tpu.memory_space<vmem>>[vector<16xi32>], vector<16xf32>,
          %add3A_186 = vector.broadcast %mul3A_179 : i32 to vector<16xi32>
          %add3A_187 = arith.addi %add3A_130, %add3A_186 : vector<16xi32>
          %gather3A_188 = tpu.vector_load_idx %arg6[%add3A_187] : memref<32768xf32, #tpu.memory_space<vmem>>[vector<16xi32>], vector<16xf32>,
          %mul3A_189 = arith.mulf %get3A_115, %get3A_182 : vector<16xf32>
          %mul3A_190 = arith.mulf %get3A_118, %gather3A_185 : vector<16xf32>
          %add3A_191 = arith.addf %mul3A_189, %mul3A_190 : vector<16xf32>
          %mul3A_192 = arith.mulf %get3A_121, %gather3A_188 : vector<16xf32>
          %add3A_193 = arith.addf %add3A_191, %mul3A_192 : vector<16xf32>
          %swap3A_194 = arith.index_cast %scan3A_113 : i32 to index
          %swap3A_195 = arith.index_cast %mul3A_179 : i32 to index
          %swap3A_196 = tpu.vector_load %arg8[%swap3A_194, %swap3A_195] {strides = array<i32>} : memref<64x512xf32, #tpu.memory_space<vmem>>, vector<16xf32>,
          tpu.vector_store %arg8[%swap3A_194, %swap3A_195], %add3A_193 {strides = array<i32>} : memref<64x512xf32, #tpu.memory_space<vmem>>, vector<16xf32>,
          %scan3A_197 = arith.constant 3 : i32
          %scan3A_198 = arith.addi %scan3A_137, %scan3A_197 : i32
          %mul3A_199 = arith.constant 16 : i32
          %mul3A_200 = arith.muli %scan3A_198, %mul3A_199 : i32
          %get3A_201 = arith.index_cast %scan3A_113 : i32 to index
          %get3A_202 = arith.index_cast %mul3A_200 : i32 to index
          %get3A_203 = tpu.vector_load %arg7[%get3A_201, %get3A_202] {strides = array<i32>} : memref<64x512xf32, #tpu.memory_space<vmem>>, vector<16xf32>,
          %add3A_204 = vector.broadcast %mul3A_200 : i32 to vector<16xi32>
          %add3A_205 = arith.addi %add3A_125, %add3A_204 : vector<16xi32>
          %gather3A_206 = tpu.vector_load_idx %arg6[%add3A_205] : memref<32768xf32, #tpu.memory_space<vmem>>[vector<16xi32>], vector<16xf32>,
          %add3A_207 = vector.broadcast %mul3A_200 : i32 to vector<16xi32>
          %add3A_208 = arith.addi %add3A_130, %add3A_207 : vector<16xi32>
          %gather3A_209 = tpu.vector_load_idx %arg6[%add3A_208] : memref<32768xf32, #tpu.memory_space<vmem>>[vector<16xi32>], vector<16xf32>,
          %mul3A_210 = arith.mulf %get3A_115, %get3A_203 : vector<16xf32>
          %mul3A_211 = arith.mulf %get3A_118, %gather3A_206 : vector<16xf32>
          %add3A_212 = arith.addf %mul3A_210, %mul3A_211 : vector<16xf32>
          %mul3A_213 = arith.mulf %get3A_121, %gather3A_209 : vector<16xf32>
          %add3A_214 = arith.addf %add3A_212, %mul3A_213 : vector<16xf32>
          %swap3A_215 = arith.index_cast %scan3A_113 : i32 to index
          %swap3A_216 = arith.index_cast %mul3A_200 : i32 to index
          %swap3A_217 = tpu.vector_load %arg8[%swap3A_215, %swap3A_216] {strides = array<i32>} : memref<64x512xf32, #tpu.memory_space<vmem>>, vector<16xf32>,
          tpu.vector_store %arg8[%swap3A_215, %swap3A_216], %add3A_214 {strides = array<i32>} : memref<64x512xf32, #tpu.memory_space<vmem>>, vector<16xf32>,
        }
        %scan3A_136 = arith.constant 32 : i32
      }
      %scan3A_112 = arith.constant 64 : i32
      "tpu.region"() ({
        %run_scoped3A_113 = tpu.sem_alloc : memref<!tpu.dma_semaphore, #tpu.memory_space<semaphore_mem>>
        %dma_start3A = tpu.memref_slice %arg5[%add3A_106, %mul3A_34] : memref<8192x2048xf32, #tpu.memory_space<hbm>> -> memref<64x512xf32, #tpu.memory_space<hbm>>
        %dma_start3A_114 = tpu.memref_slice %arg5[%add3A_106, %mul3A_34] : memref<8192x2048xf32, #tpu.memory_space<hbm>> -> memref<64x512xf32, #tpu.memory_space<hbm>>
        tpu.enqueue_dma source(%arg8 : memref<64x512xf32, #tpu.memory_space<vmem>>) target(%dma_start3A_114 : memref<64x512xf32, #tpu.memory_space<hbm>>) target_semaphore(%run_scoped3A_113 : memref<!tpu.dma_semaphore, #tpu.memory_space<semaphore_mem>>)
        %dma_wait3A = tpu.memref_slice %arg5[%add3A_106, %mul3A_34] : memref<8192x2048xf32, #tpu.memory_space<hbm>> -> memref<64x512xf32, #tpu.memory_space<hbm>>
        %dma_wait3A_115 = tpu.memref_slice %arg5[%add3A_106, %mul3A_34] : memref<8192x2048xf32, #tpu.memory_space<hbm>> -> memref<64x512xf32, #tpu.memory_space<hbm>>
        tpu.wait_dma2 semaphore(%run_scoped3A_113 : memref<!tpu.dma_semaphore, #tpu.memory_space<semaphore_mem>>) src(%arg8 : memref<64x512xf32, #tpu.memory_space<vmem>>) dst(%dma_wait3A_115 : memref<64x512xf32, #tpu.memory_space<hbm>>)
        tpu.yield
      }) : () -> ()
    }
    %scan3A_102 = arith.constant 16 : i32
    return
  }
}

module attributes {stable_mosaic.version = 14 : i64} {
  func.func @_router_body(%arg0: i32, %arg1: memref<1024x2048xf32, #tpu.memory_space<vmem>>, %arg2: memref<2048x64xf32, #tpu.memory_space<vmem>>, %arg3: memref<1x64xf32, #tpu.memory_space<vmem>>, %arg4: memref<1024x80xf32, #tpu.memory_space<vmem>>) attributes {dimension_semantics = [#tpu.dimension_semantics<arbitrary>], iteration_bounds = array<i64: 8>, scalar_prefetch = 0 : i64, scratch_operands = 0 : i64, tpu.core_type = #tpu.core_type<tc>, window_params = [{transform_indices = @transform_0, window_bounds = array<i64: 1024, 2048>}, {pipeline_mode = #tpu.pipeline_mode<synchronous>, transform_indices = @transform_1, window_bounds = array<i64: 2048, 64>}, {pipeline_mode = #tpu.pipeline_mode<synchronous>, transform_indices = @transform_2, window_bounds = array<i64: 1, 64>}, {transform_indices = @transform_3, window_bounds = array<i64: 1024, 80>}]} {
    %get3A = arith.constant 0 : index
    %get3A_0 = arith.constant 0 : index
    %get3A_1 = vector.load %arg1[%get3A, %get3A_0] : memref<1024x2048xf32, #tpu.memory_space<vmem>>, vector<1024x2048xf32>
    %get3A_2 = arith.constant 0 : index
    %get3A_3 = arith.constant 0 : index
    %get3A_4 = vector.load %arg2[%get3A_2, %get3A_3] : memref<2048x64xf32, #tpu.memory_space<vmem>>, vector<2048x64xf32>
    %dot_general3A = arith.constant dense<0.000000e+00> : vector<1024x64xf32>
    %dot_general3A_5 = tpu.matmul %get3A_1, %get3A_4, %dot_general3A {dimension_numbers = #tpu.dot_dimension_numbers<[1], [0], [0], [1], [0, 0, 1, 1], [], []>, transpose_lhs_hint = false} : vector<1024x2048xf32>, vector<2048x64xf32>, vector<1024x64xf32> -> vector<1024x64xf32>
    %get3A_6 = arith.constant 0 : index
    %get3A_7 = arith.constant 0 : index
    %get3A_8 = vector.load %arg3[%get3A_6, %get3A_7] : memref<1x64xf32, #tpu.memory_space<vmem>>, vector<1x64xf32>
    %add3A = vector.broadcast %get3A_8 : vector<1x64xf32> to vector<1024x64xf32>
    %add3A_9 = arith.addf %dot_general3A_5, %add3A : vector<1024x64xf32>
    %iota3A = tpu.iota {dimensions = array<i32: 1>} : vector<1024x64xi32>
    %reduce_max3A = arith.constant dense<0xFF800000> : vector<1024xf32>
    %reduce_max3A_10 = vector.multi_reduction <maximumf>, %add3A_9, %reduce_max3A [1] : vector<1024x64xf32> to vector<1024xf32>
    %broadcast_in_dim3A = vector.shape_cast %reduce_max3A_10 : vector<1024xf32> to vector<1024x1xf32>
    %eq3A = vector.broadcast %broadcast_in_dim3A : vector<1024x1xf32> to vector<1024x64xf32>
    %eq3A_11 = arith.cmpf oeq, %add3A_9, %eq3A : vector<1024x64xf32>
    %jit3A = arith.constant 64 : i32
    %broadcast_in_dim3A_12 = vector.broadcast %jit3A : i32 to vector<1024x64xi32>
    %select_n3A = arith.select %eq3A_11, %iota3A, %broadcast_in_dim3A_12 : vector<1024x64xi1>, vector<1024x64xi32>
    %reduce_min3A = arith.constant dense<2147483647> : vector<1024xi32>
    %reduce_min3A_13 = vector.multi_reduction <minsi>, %select_n3A, %reduce_min3A [1] : vector<1024x64xi32> to vector<1024xi32>
    %broadcast_in_dim3A_14 = vector.shape_cast %reduce_min3A_13 : vector<1024xi32> to vector<1024x1xi32>
    %eq3A_15 = vector.broadcast %broadcast_in_dim3A_14 : vector<1024x1xi32> to vector<1024x64xi32>
    %eq3A_16 = arith.cmpi eq, %iota3A, %eq3A_15 : vector<1024x64xi32>
    %jit3A_17 = arith.constant 0xFF800000 : f32
    %broadcast_in_dim3A_18 = vector.broadcast %jit3A_17 : f32 to vector<1024x64xf32>
    %select_n3A_19 = arith.select %eq3A_16, %broadcast_in_dim3A_18, %add3A_9 : vector<1024x64xi1>, vector<1024x64xf32>
    %reduce_max3A_20 = arith.constant dense<0xFF800000> : vector<1024xf32>
    %reduce_max3A_21 = vector.multi_reduction <maximumf>, %select_n3A_19, %reduce_max3A_20 [1] : vector<1024x64xf32> to vector<1024xf32>
    %broadcast_in_dim3A_22 = vector.shape_cast %reduce_max3A_21 : vector<1024xf32> to vector<1024x1xf32>
    %eq3A_23 = vector.broadcast %broadcast_in_dim3A_22 : vector<1024x1xf32> to vector<1024x64xf32>
    %eq3A_24 = arith.cmpf oeq, %select_n3A_19, %eq3A_23 : vector<1024x64xf32>
    %jit3A_25 = arith.constant 64 : i32
    %broadcast_in_dim3A_26 = vector.broadcast %jit3A_25 : i32 to vector<1024x64xi32>
    %select_n3A_27 = arith.select %eq3A_24, %iota3A, %broadcast_in_dim3A_26 : vector<1024x64xi1>, vector<1024x64xi32>
    %reduce_min3A_28 = arith.constant dense<2147483647> : vector<1024xi32>
    %reduce_min3A_29 = vector.multi_reduction <minsi>, %select_n3A_27, %reduce_min3A_28 [1] : vector<1024x64xi32> to vector<1024xi32>
    %broadcast_in_dim3A_30 = vector.shape_cast %reduce_min3A_29 : vector<1024xi32> to vector<1024x1xi32>
    %sub3A = vector.broadcast %broadcast_in_dim3A : vector<1024x1xf32> to vector<1024x64xf32>
    %sub3A_31 = arith.subf %add3A_9, %sub3A : vector<1024x64xf32>
    %exp3A = math.exp %sub3A_31 : vector<1024x64xf32>
    %reduce_sum3A = arith.constant dense<0.000000e+00> : vector<1024xf32>
    %reduce_sum3A_32 = vector.multi_reduction <add>, %exp3A, %reduce_sum3A [1] : vector<1024x64xf32> to vector<1024xf32>
    %broadcast_in_dim3A_33 = vector.shape_cast %reduce_sum3A_32 : vector<1024xf32> to vector<1024x1xf32>
    %div3A = arith.constant 1.000000e+00 : f32
    %div3A_34 = vector.broadcast %div3A : f32 to vector<1024x1xf32>
    %div3A_35 = arith.divf %div3A_34, %broadcast_in_dim3A_33 : vector<1024x1xf32>
    %sub3A_36 = arith.subf %broadcast_in_dim3A_22, %broadcast_in_dim3A : vector<1024x1xf32>
    %exp3A_37 = math.exp %sub3A_36 : vector<1024x1xf32>
    %mul3A = arith.mulf %exp3A_37, %div3A_35 : vector<1024x1xf32>
    %broadcast_in_dim3A_38 = arith.constant 1.000000e+00 : f32
    %broadcast_in_dim3A_39 = vector.broadcast %broadcast_in_dim3A_38 : f32 to vector<1x16xf32>
    %add3A_40 = arith.addf %div3A_35, %mul3A : vector<1024x1xf32>
    %mul3A_41 = vector.broadcast %add3A_40 : vector<1024x1xf32> to vector<1024x16xf32>
    %mul3A_42 = vector.broadcast %broadcast_in_dim3A_39 : vector<1x16xf32> to vector<1024x16xf32>
    %mul3A_43 = arith.mulf %mul3A_41, %mul3A_42 : vector<1024x16xf32>
    %mul3A_44 = vector.broadcast %div3A_35 : vector<1024x1xf32> to vector<1024x16xf32>
    %mul3A_45 = vector.broadcast %broadcast_in_dim3A_39 : vector<1x16xf32> to vector<1024x16xf32>
    %mul3A_46 = arith.mulf %mul3A_44, %mul3A_45 : vector<1024x16xf32>
    %mul3A_47 = vector.broadcast %mul3A : vector<1024x1xf32> to vector<1024x16xf32>
    %mul3A_48 = vector.broadcast %broadcast_in_dim3A_39 : vector<1x16xf32> to vector<1024x16xf32>
    %mul3A_49 = arith.mulf %mul3A_47, %mul3A_48 : vector<1024x16xf32>
    %mul3A_50 = arith.constant 512 : i32
    %mul3A_51 = vector.broadcast %mul3A_50 : i32 to vector<1024x1xi32>
    %mul3A_52 = arith.muli %broadcast_in_dim3A_14, %mul3A_51 : vector<1024x1xi32>
    %convert_element_type3A = arith.sitofp %mul3A_52 : vector<1024x1xi32> to vector<1024x1xf32>
    %mul3A_53 = vector.broadcast %convert_element_type3A : vector<1024x1xf32> to vector<1024x16xf32>
    %mul3A_54 = vector.broadcast %broadcast_in_dim3A_39 : vector<1x16xf32> to vector<1024x16xf32>
    %mul3A_55 = arith.mulf %mul3A_53, %mul3A_54 : vector<1024x16xf32>
    %mul3A_56 = arith.constant 512 : i32
    %mul3A_57 = vector.broadcast %mul3A_56 : i32 to vector<1024x1xi32>
    %mul3A_58 = arith.muli %broadcast_in_dim3A_30, %mul3A_57 : vector<1024x1xi32>
    %convert_element_type3A_59 = arith.sitofp %mul3A_58 : vector<1024x1xi32> to vector<1024x1xf32>
    %mul3A_60 = vector.broadcast %convert_element_type3A_59 : vector<1024x1xf32> to vector<1024x16xf32>
    %mul3A_61 = vector.broadcast %broadcast_in_dim3A_39 : vector<1x16xf32> to vector<1024x16xf32>
    %mul3A_62 = arith.mulf %mul3A_60, %mul3A_61 : vector<1024x16xf32>
    %concatenate3A = tpu.concatenate %mul3A_43, %mul3A_46, %mul3A_49, %mul3A_55, %mul3A_62 in 1 : vector<1024x16xf32>, vector<1024x16xf32>, vector<1024x16xf32>, vector<1024x16xf32>, vector<1024x16xf32> -> vector<1024x80xf32>
    %swap3A = arith.constant 0 : index
    %swap3A_63 = arith.constant 0 : index
    %swap3A_64 = vector.load %arg4[%swap3A, %swap3A_63] : memref<1024x80xf32, #tpu.memory_space<vmem>>, vector<1024x80xf32>
    tpu.vector_store %arg4[%swap3A, %swap3A_63], %concatenate3A {strides = array<i32>} : memref<1024x80xf32, #tpu.memory_space<vmem>>, vector<1024x80xf32>,
    return
  }
  func.func @transform_0(%arg0: i32) -> (i32, i32) {
    %c0_i32 = arith.constant 0 : i32
    %c0_i32_0 = arith.constant 0 : i32
    return %arg0, %c0_i32 : i32, i32
  }
  func.func @transform_1(%arg0: i32) -> (i32, i32) {
    %c0_i32 = arith.constant 0 : i32
    %c0_i32_0 = arith.constant 0 : i32
    %c0_i32_1 = arith.constant 0 : i32
    return %c0_i32, %c0_i32_0 : i32, i32
  }
  func.func @transform_2(%arg0: i32) -> (i32, i32) {
    %c0_i32 = arith.constant 0 : i32
    %c0_i32_0 = arith.constant 0 : i32
    %c0_i32_1 = arith.constant 0 : i32
    return %c0_i32, %c0_i32_0 : i32, i32
  }
  func.func @transform_3(%arg0: i32) -> (i32, i32) {
    %c0_i32 = arith.constant 0 : i32
    %c0_i32_0 = arith.constant 0 : i32
    return %arg0, %c0_i32 : i32, i32
  }
}

</mosaic_0001>

<sc_bundles>
// kernel: kernel.4.cloned.1.call-start
scs
__scs_entry_jumppad:
0x0: {  	(pc) =	sbr.rel $0x88, $3  }
0x1: {  	(tag) =	ssettag $0x0;
	lr =	simm.s32 $0x1  }
0x2: {  	[smem:$0x3F9D] =	sst lr;
	_ =	strace $0xD0000000  }
0x3: {  	_ = 	snop  }
0x4: {  	_ = 	snop  }
0x5: {  	_ = 	snop  }
0x6: {  	_ = 	snop  }
0x7: {  	_ = 	snop  }
__scs_overlays_trampoline_lowered:
0x8: {  	[smem:$0x3FAC] =	sst s0  }
0x9: {  	[smem:$0x3FAD] =	sst s1  }
0xa: {  	[smem:$0x3FAE] =	sst s2  }
0xb: {  	[smem:$0x3FAF] =	sst s3  }
0xc: {  	[smem:$0x3FB0] =	sst s4  }
0xd: {  	[smem:$0x3FB1] =	sst s5  }
0xe: {  	[smem:$0x3FB2] =	sst s6  }
0xf: {  	[smem:$0x3FB3] =	sst s7  }
0x10: {  	[smem:$0x3FB4] =	sst s8  }
0x11: {  	[smem:$0x3FB5] =	sst s9;
	s0 =	simm.s32 @!p0 $0x0  }
0x12: {  	s1 =	sld [smem:$0x3F9B];
	s0 =	simm.s32 @p0 $0x1  }
0x13: {  	[smem:$0x3FB6] =	sst s0;
	s0 =	simm.s32 @!p1 $0x0  }
0x14: {  	s2 =	sld [smem:$0x3F9A];
	s0 =	simm.s32 @p1 $0x1  }
0x15: {  	[smem:$0x3FB7] =	sst s0;
	s0 =	simm.s32 @!p2 $0x0  }
0x16: {  	s3 =	sld [smem:$0x3FDB];
	s0 =	simm.s32 @p2 $0x1  }
0x17: {  	s4 =	simm.s32 $0x1BF5;
	[smem:$0x3FB9] =	sst s0  }
0x18: {  	s0 =	sld [smem:$0x3F9C];
	_ =	swait.ge [sflag:s4], $0x0  }
0x19: {  	s7 =	sld [smem:$0x3F9D]  }
0x1a: {  	s8 =	sadd.s32 $0xFFFFE003, lr  }
0x1b: {  	s9 =	sadd.s32 $0xFFFFFEF7, lr;
	s5 =	simm.s32 $0xFFFFFFFF;
	p2 =	slt.u32 s8, $0xFFFFF086  }
0x1c: {  	p1 =	slt.u32 s9, $0xF7A;
	s5 =	simm.s32 @!p2 $0x0  }
0x1d: {  	s5 =	simm.s32 @p1 $0x1;
	p0 =	seq.s32 s7, s2  }
0x1e: {  	s7 =	smul.u32 @!p0 $0xF7A, s2;
	p2 =	seq.s32 @!p0 s5, $0x0  }
0x1f: {  	s9 =	smul.u32 $0xF7A, s1;
	s8 =	simm.s32 @!p0 $0x1BF5;
	p2 =	por !p2, p0  }
0x20: {  	[sflag:s8] =	ssyncset.s32 @!p0 $0xFFFFF086;
	s6 =	sadd.s32 @!p0 s3, s7;
	s7 =	simm.s32 @!p0 $0x108  }
0x21: {  	s3 =	sadd.s32 s3, s9;
	s6 =	sadd.s32 @!p0 $0x88, s6;
	s7 =	simm.s32 @p2 $0x1082  }
0x22: {  	[simem:s7], [sflag:s8] =	dma.local @!p0 [hbm:s6], $0xF7A  }
0x23: {  	s9 =	sor.u32 $0xD0000000, s2;
	s6 =	simm.s32 $0x108;
	_ =	swait.ge @!p0 [sflag:s8], $0x0  }
0x24: {  	s3 =	sadd.s32 $0x88, s3;
	s6 =	simm.s32 @!p1 $0x1082;
	[sflag:s4] =	ssyncset.s32 $0xFFFFF086  }
0x25: {  	[simem:s6], [sflag:s4] =	dma.local [hbm:s3], $0xF7A  }
0x26: {  	[smem:$0x3F9D] =	sst s1;
	(tag) =	ssettag s2;
	_ =	strace s9  }
0x27: {  	s1 =	sld [smem:$0x3FAD]  }
0x28: {  	s2 =	sld [smem:$0x3FAE]  }
0x29: {  	s4 =	sld [smem:$0x3FB0]  }
0x2a: {  	p0 =	seq.s32 s5, $0x0;
	s5 =	sld [smem:$0x3FB1]  }
0x2b: {  	s6 =	sld [smem:$0x3FB2]  }
0x2c: {  	s7 =	sld [smem:$0x3FB3]  }
0x2d: {  	s3 =	simm.s32 $0x108;
	s8 =	sld [smem:$0x3FB4]  }
0x2e: {  	s3 =	simm.s32 @!p0 $0x1082;
	s9 =	sld [smem:$0x3FB5]  }
0x2f: {  	lr =	sadd.s32 s0, s3;
	s0 =	sld [smem:$0x3FAC]  }
0x30: {  	s3 =	sld [smem:$0x3FAF]  }
0x31: {  	[smem:$0x3FB8] =	sst s10  }
0x32: {  	s10 =	sld [smem:$0x3FB6];
	_ =	sdelay $0x3  }
0x33: {  	p0 =	seq.s32 s10, $0x1;
	s10 =	sld [smem:$0x3FB8];
	_ =	sdelay $0x3  }
0x34: {  	[smem:$0x3FB8] =	sst s10  }
0x35: {  	s10 =	sld [smem:$0x3FB7];
	_ =	sdelay $0x3  }
0x36: {  	p1 =	seq.s32 s10, $0x1;
	s10 =	sld [smem:$0x3FB8];
	_ =	sdelay $0x3  }
0x37: {  	[smem:$0x3FB8] =	sst s10  }
0x38: {  	s10 =	sld [smem:$0x3FB9]  }
0x39: {  	_ = 	snop;
	(pc) =	sbr.ind lr, $3  }
0x3a: {  	_ = 	snop  }
0x3b: {  	_ = 	snop  }
0x3c: {  	p2 =	seq.s32 s10, $0x1;
	s10 =	sld [smem:$0x3FB8]  }
0x3d: {  	_ =	shalt  }
0x3e: {  	_ =	shalt  }
0x3f: {  	_ =	shalt  }
0x40: {  	_ =	shalt  }
0x41: {  	_ =	shalt  }
0x42: {  	_ =	shalt  }
0x43: {  	_ =	shalt  }
0x44: {  	_ =	shalt  }
0x45: {  	_ =	shalt  }
0x46: {  	_ =	shalt  }
0x47: {  	_ =	shalt  }
0x48: {  	_ =	shalt  }
0x49: {  	_ =	shalt  }
0x4a: {  	_ =	shalt  }
0x4b: {  	_ =	shalt  }
0x4c: {  	_ =	shalt  }
0x4d: {  	_ =	shalt  }
0x4e: {  	_ =	shalt  }
0x4f: {  	_ =	shalt  }
0x50: {  	_ =	shalt  }
0x51: {  	_ =	shalt  }
0x52: {  	_ =	shalt  }
0x53: {  	_ =	shalt  }
0x54: {  	_ =	shalt  }
0x55: {  	_ =	shalt  }
0x56: {  	_ =	shalt  }
0x57: {  	_ =	shalt  }
0x58: {  	_ =	shalt  }
0x59: {  	_ =	shalt  }
0x5a: {  	_ =	shalt  }
0x5b: {  	_ =	shalt  }
0x5c: {  	_ =	shalt  }
0x5d: {  	_ =	shalt  }
0x5e: {  	_ =	shalt  }
0x5f: {  	_ =	shalt  }
0x60: {  	_ =	shalt  }
0x61: {  	_ =	shalt  }
0x62: {  	_ =	shalt  }
0x63: {  	_ =	shalt  }
0x64: {  	_ =	shalt  }
0x65: {  	_ =	shalt  }
0x66: {  	_ =	shalt  }
0x67: {  	_ =	shalt  }
0x68: {  	_ =	shalt  }
0x69: {  	_ =	shalt  }
0x6a: {  	_ =	shalt  }
0x6b: {  	_ =	shalt  }
0x6c: {  	_ =	shalt  }
0x6d: {  	_ =	shalt  }
0x6e: {  	_ =	shalt  }
0x6f: {  	_ =	shalt  }
0x70: {  	_ =	shalt  }
0x71: {  	_ =	shalt  }
0x72: {  	_ =	shalt  }
0x73: {  	_ =	shalt  }
0x74: {  	_ =	shalt  }
0x75: {  	_ =	shalt  }
0x76: {  	_ =	shalt  }
0x77: {  	_ =	shalt  }
0x78: {  	_ =	shalt  }
0x79: {  	_ =	shalt  }
0x7a: {  	_ =	shalt  }
0x7b: {  	_ =	shalt  }
0x7c: {  	_ =	shalt  }
0x7d: {  	_ =	shalt  }
0x7e: {  	_ =	shalt  }
0x7f: {  	_ =	shalt  }
0x80: {  	_ =	shalt  }
0x81: {  	_ =	shalt  }
0x82: {  	_ =	shalt  }
0x83: {  	_ =	shalt  }
0x84: {  	_ =	shalt  }
0x85: {  	_ =	shalt  }
0x86: {  	_ =	shalt  }
0x87: {  	_ =	shalt  }
.Lfunc_end0:
.L_simem_size_0:
called_computation_lowered:
.L_overlay_start_0:
0x88: {  	s2 =	sld [smem:$0x3FD9]  }
0x89: {  	s3 =	sld [smem:$0x3FFE];
	_ =	sdelay $0x1  }
0x8a: {  	s1 =	srdreg.scid  }
0x8b: {  	s0 =	sand.u32 $0x1, s1  }
0x8c: {  	s17 =	sshll.u32 s0, $0xA;
	s2 =	sadd.s32 s3, s2  }
0x8d: {  	s2 =	sadd.s32 s2, s17  }
0x8e: {  	[smem:$0x3FC4] =	sst s2  }
0x8f: {  	_ = 	snop  }
0x90: {  	s2 =	sld [smem:$0x3FC9]  }
0x91: {  	s18 =	sld [smem:$0x3FC6]  }
0x92: {  	s4 =	sld [smem:$0x3FD0];
	(tm) =	ssettm $0x1  }
0x93: {  	s5 =	sld [smem:$0x3FFB];
	_ =	sdelay $0x3  }
0x94: {  	_ =	strace s5  }
0x95: {  	s5 =	sld [smem:$0x3FFC];
	_ =	sdelay $0x3  }
0x96: {  	_ =	strace s5  }
0x97: {  	s5 =	sld [smem:$0x3FFD];
	_ =	sdelay $0x3  }
0x98: {  	_ =	strace s5  }
0x99: {  	_ =	strace $0x8FFFFFFF  }
0x9a: {  	s19 =	sld [smem:$0x3FDB];
	_ =	sdelay $0x1  }
0x9b: {  	s6 =	simm.s32 $_scs_section_size  }
0x9c: {  	s7 =	simm.s32 $_size__tile_overlayer_lowered;
	s8 =	simm.s32 $_tile_overlayer_lowered  }
0x9d: {  	s22 =	simm.s32 $0x1BFF;
	s21 =	sshll.u32 s8, $0x1;
	s5 =	sadd.s32 s6, s19  }
0x9e: {  	s9 =	simm.s32 $0x0;
	s20 =	sshll.u32 s7, $0x1;
	s7 =	sadd.s32 s21, s5  }
0x9f: {  	[timem:s9], [sflag:s22] =	dma.local [hbm:s7], s20  }
0xa0: {  	_ =	swait.ge [sflag:s22], s20  }
0xa1: {  	s6 =	ssub.s32 $0x0, s20;
	[sflag:s22] =	ssyncset.done $0x0  }
0xa2: {  	[sflag:s22] =	ssyncadd.s32 s6;
	_ =	sdelay $0x1  }
0xa3: {  	s23 =	simm.s32 $0x1B8B  }
0xa4: {  	_ =	swait.ge [sflag:s23], $0x1  }
0xa5: {  	[sflag:s23] =	ssyncset.done $0x0  }
0xa6: {  	s25 =	simm.s32 $0x1B8E;
	s24 =	sld [smem:$0x3FFE];
	[sflag:s23] =	ssyncadd.s32 $0xFFFFFFFF  }
0xa7: {  	s26 =	simm.s32 $execute0_lowered;
	[smem:$0x3FD2] =	sst s25  }
0xa8: {  	s7 =	sshll.u32 s26, $0x1;
	_ =	strace $0x80000046;
	[dreg:$0x1] =	wrdreg $0xFFFFFFFF  }
0xa9: {  	s28 =	simm.s32 $_size_execute0_lowered;
	s5 =	sadd.s32 s5, s7;
	[dreg:$0x0] =	wrdreg $0x0  }
0xaa: {  	s7 =	sshll.u32 s28, $0x1;
	[dreg:$0x2] =	wrdreg s5  }
0xab: {  	[dreg:$0x3] =	wrdreg s7  }
0xac: {  	[dreg:$0x4] =	wrdreg $0xC0  }
0xad: {  	_ =	task [dreg:s9], $0x5FFFF  }
0xae: {  	[dreg:$0x1] =	wrdreg $0xFFFFFFFF  }
0xaf: {  	[dreg:$0x0] =	wrdreg $0x60  }
0xb0: {  	[dreg:$0x2] =	wrdreg s2  }
0xb1: {  	[dreg:$0x3] =	wrdreg s18  }
0xb2: {  	[dreg:$0x4] =	wrdreg s24  }
0xb3: {  	[dreg:$0x5] =	wrdreg s4  }
0xb4: {  	[dreg:$0x6] =	wrdreg $0x9  }
0xb5: {  	_ =	task.clear_ibuf [dreg:s9], $0x7FFFF;
	_ =	strace $0x90000046  }
0xb6: {  	s29 =	simm.s32 $0x9;
	_ =	strace $0x80000048  }
0xb7: {  	_ =	swait.ge [sflag:s29], $0x1  }
0xb8: {  	[sflag:s29] =	ssyncadd.s32 $0xFFFFFFFF  }
0xb9: {  	_ =	strace $0x90000048  }
0xba: {  	_ =	sfence  }
0xbb: {  	s30 =	sld [smem:$0x0];
	_ =	sdelay $0x2  }
0xbc: {  	s31 =	sshll.u32 s1, $0xD;
	s1 =	sshrl.u32 s1, $0x2  }
0xbd: {  	s3 =	sand.u32 $0x4000, s31;
	s1 =	sadd.s32 s1, s30  }
0xbe: {  	s0 =	sor.u32 s3, s0;
	s1 =	sshll.u32 s1, $0x11  }
0xbf: {  	s0 =	sor.u32 s1, s0  }
0xc0: {  	s0 =	sadd.s32 $0x8F2B, s0  }
0xc1: {  	[sflag:s0] =	ssyncadd.remote.s32 $0x1  }
0xc2: {  	_ =	sfence.sel $0xFFFF  }
0xc3: {  	[dreg:$0x0] =	wrdreg $0xFFFFFFFF;
	(pc) =	sbr.abs _section_cstart, $3  }
0xc4: {  	[dreg:$0x1] =	wrdreg $0xFFFFFFFF  }
0xc5: {  	_ =	task.clear_ibuf [dreg:s9], $0x2FFFF;
	_ =	strace $0x9FFFFFFF  }
0xc6: {  	(tm) =	ssettm $0x7FFFFFFF  }
0xc7: {  	_ =	shalt  }
tec
execute0_lowered:
.L_overlay_start_1:
0x0: {  	(tag) =	ssettag $0x1  }
0x1: {  	s1 =	rddreg [dreg:$0x0]  }
0x2: {  	s9 =	stileid.u32;
	s5 =	srdreg.scid  }
0x3: {  	s0 =	rddreg [dreg:$0x1];
	s6 =	sshll.u32 s9, $0x1;
	s7 =	sand.u32 $0x1, s5  }
0x4: {  	s2 =	rddreg [dreg:$0x2];
	s20 =	sand.u32 $0x2, s6;
	s21 =	ssub.s32 $0x2, s7  }
0x5: {  	s3 =	rddreg [dreg:$0x3];
	s6 =	sor.u32 s7, s20;
	s8 =	sshrl.u32 s21, $0x1  }
0x6: {  	s4 =	simm.s32 $0x0;
	s6 =	sshll.u32 s6, $0x9;
	s22 =	ssub.s32 s21, s8  }
0x7: {  	[smem:$0x7FF] =	sst s4;
	s7 =	sadd.s32 s0, s6;
	s0 =	smax.u32 s22, $0x1  }
0x8: {  	_ =	strace $0x80000047;
	s23 =	sadd.s32 $0x10, s7;
	[dreg:$0x15] =	wrdreg s0  }
0x9: {  	s24 =	sadd.s32 $0x20, s7;
	[dreg:$0x5] =	wrdreg s23  }
0xa: {  	s25 =	sadd.s32 $0x30, s7;
	[dreg:$0x6] =	wrdreg s24  }
0xb: {  	s9 =	sshll.u32 s9, $0x9;
	s26 =	sadd.s32 $0x40, s7;
	[dreg:$0x7] =	wrdreg s25  }
0xc: {  	s8 =	sand.u32 $0x1C00, s9;
	s9 =	sadd.s32 $0x50, s7;
	[dreg:$0x8] =	wrdreg s26  }
0xd: {  	s10 =	sadd.s32 $0x60, s7;
	[dreg:$0x9] =	wrdreg s9  }
0xe: {  	s11 =	sadd.s32 $0x70, s7;
	[dreg:$0xa] =	wrdreg s10  }
0xf: {  	s12 =	sadd.s32 $0x800, s7;
	[dreg:$0xb] =	wrdreg s11  }
0x10: {  	s13 =	sadd.s32 $0x810, s7;
	[dreg:$0xc] =	wrdreg s12  }
0x11: {  	s14 =	sadd.s32 $0x820, s7;
	[dreg:$0xd] =	wrdreg s13  }
0x12: {  	s15 =	sadd.s32 $0x830, s7;
	[dreg:$0xe] =	wrdreg s14  }
0x13: {  	s16 =	sadd.s32 $0x840, s7;
	[dreg:$0xf] =	wrdreg s15  }
0x14: {  	s17 =	sadd.s32 $0x850, s7;
	[dreg:$0x10] =	wrdreg s16  }
0x15: {  	s18 =	sadd.s32 $0x860, s7;
	[dreg:$0x11] =	wrdreg s17  }
0x16: {  	s19 =	sadd.s32 $0x870, s7;
	[dreg:$0x12] =	wrdreg s18  }
0x17: {  	s20 =	sadd.s32 $0x1000, s7;
	[dreg:$0x13] =	wrdreg s19  }
0x18: {  	s21 =	sadd.s32 $0x1010, s7;
	[dreg:$0x14] =	wrdreg s20  }
0x19: {  	s22 =	sadd.s32 $0x1020, s7;
	[dreg:$0x16] =	wrdreg s21  }
0x1a: {  	s5 =	sadd.s32 $0x800, s2;
	s2 =	sadd.s32 $0x1070, s7;
	[dreg:$0x17] =	wrdreg s22  }
0x1b: {  	s23 =	sadd.s32 $0x1030, s7;
	[dreg:$0x1c] =	wrdreg s2  }
0x1c: {  	s24 =	sadd.s32 $0x1040, s7;
	[dreg:$0x18] =	wrdreg s23  }
0x1d: {  	s25 =	sadd.s32 $0x1050, s7;
	[dreg:$0x19] =	wrdreg s24  }
0x1e: {  	s26 =	sadd.s32 $0x1060, s7;
	[dreg:$0x1a] =	wrdreg s25  }
0x1f: {  	s9 =	sadd.s32 $0x1800, s7;
	[dreg:$0x1b] =	wrdreg s26  }
0x20: {  	s10 =	sadd.s32 $0x1810, s7;
	[dreg:$0x1d] =	wrdreg s9  }
0x21: {  	s11 =	sadd.s32 $0x1820, s7;
	[dreg:$0x1e] =	wrdreg s10  }
0x22: {  	s12 =	sadd.s32 $0x1830, s7;
	[dreg:$0x1f] =	wrdreg s11  }
0x23: {  	s13 =	sadd.s32 $0x1840, s7;
	[smem:$0x7DC] =	sst s12  }
0x24: {  	s14 =	sadd.s32 $0x1850, s7;
	[smem:$0x7DD] =	sst s13  }
0x25: {  	s15 =	sadd.s32 $0x1860, s7;
	[smem:$0x7DE] =	sst s14  }
0x26: {  	s16 =	sadd.s32 $0x1870, s7;
	[smem:$0x7DF] =	sst s15  }
0x27: {  	s17 =	sadd.s32 $0x2000, s7;
	[smem:$0x7E0] =	sst s16  }
0x28: {  	s18 =	sadd.s32 $0x2010, s7;
	[smem:$0x7E1] =	sst s17  }
0x29: {  	s19 =	sadd.s32 $0x2020, s7;
	[smem:$0x7E2] =	sst s18  }
0x2a: {  	s20 =	sadd.s32 $0x2030, s7;
	[smem:$0x7E3] =	sst s19  }
0x2b: {  	s21 =	sadd.s32 $0x2040, s7;
	[smem:$0x7E4] =	sst s20  }
0x2c: {  	s22 =	sadd.s32 $0x2050, s7;
	[smem:$0x7E5] =	sst s21  }
0x2d: {  	s2 =	sadd.s32 $0x2820, s7;
	[smem:$0x7E6] =	sst s22  }
0x2e: {  	s23 =	sadd.s32 $0x2060, s7;
	[smem:$0x7EB] =	sst s2  }
0x2f: {  	s24 =	sadd.s32 $0x2070, s7;
	[smem:$0x7E7] =	sst s23  }
0x30: {  	s25 =	sadd.s32 $0x2800, s7;
	[smem:$0x7E8] =	sst s24  }
0x31: {  	s26 =	sadd.s32 $0x2810, s7;
	[smem:$0x7E9] =	sst s25  }
0x32: {  	s9 =	sadd.s32 $0x2830, s7;
	[smem:$0x7EA] =	sst s26  }
0x33: {  	s10 =	sadd.s32 $0x2840, s7;
	[smem:$0x7EC] =	sst s9  }
0x34: {  	s11 =	sadd.s32 $0x2850, s7;
	[smem:$0x7ED] =	sst s10  }
0x35: {  	s12 =	sadd.s32 $0x2860, s7;
	[smem:$0x7EE] =	sst s11  }
0x36: {  	s13 =	sadd.s32 $0x2870, s7;
	[smem:$0x7EF] =	sst s12  }
0x37: {  	s14 =	sadd.s32 $0x3000, s7;
	[smem:$0x7F0] =	sst s13  }
0x38: {  	s15 =	sadd.s32 $0x3010, s7;
	[smem:$0x7F1] =	sst s14  }
0x39: {  	s16 =	sadd.s32 $0x3020, s7;
	[smem:$0x7F2] =	sst s15  }
0x3a: {  	s17 =	sadd.s32 $0x3030, s7;
	[smem:$0x7F3] =	sst s16  }
0x3b: {  	s18 =	sadd.s32 $0x3040, s7;
	[smem:$0x7F4] =	sst s17  }
0x3c: {  	s19 =	sadd.s32 $0x3050, s7;
	[smem:$0x7F5] =	sst s18  }
0x3d: {  	s28 =	simm.s32 $0x1;
	s20 =	sadd.s32 $0x3060, s7;
	[smem:$0x7F6] =	sst s19  }
0x3e: {  	s29 =	simm.s32 $0x1000;
	s21 =	sadd.s32 $0x3070, s7;
	[smem:$0x7F7] =	sst s20  }
0x3f: {  	s30 =	simm.s32 $0x4000;
	s22 =	sadd.s32 $0x3800, s7;
	[smem:$0x7F8] =	sst s21  }
0x40: {  	s31 =	simm.s32 $0x8000;
	[smem:$0x7F9] =	sst s22;
	s23 =	sadd.s32 $0x3810, s7  }
0x41: {  	s0 =	simm.s32 $0x18000;
	s24 =	sadd.s32 $0x3820, s7;
	[smem:$0x7FA] =	sst s23  }
0x42: {  	s2 =	simm.s32 $0x10000;
	s25 =	sadd.s32 $0x3830, s7;
	[smem:$0x7FB] =	sst s24  }
0x43: {  	s26 =	sadd.s32 $0x3840, s7;
	s22 =	sadd.s32 $0x3850, s7;
	[smem:$0x7FC] =	sst s25  }
0x44: {  	s9 =	simm.s32 $0x0;
	[smem:$0x7FD] =	sst s26;
	s23 =	sadd.s32 $0x3860, s7  }
0x45: {  	v0 =	vlaneseq.u32;
	s24 =	sadd.s32 $0x3870, s7;
	s25 =	simm.s32 $0x80;
	s26 =	simm.s32 $0x400  }
.LBB2_1:
0x46: {  	[tilespmem:s4], [sflag:$0x1] =	stream.strided.gather [hbm4b:s7+s25], $0x200, s26, s25, $0x38;
	[tilespmem:$0x1A000] =	vst v63  }
0x47: {  	_ =	swait.ge [sflag:s28], $0x200  }
0x48: {  	[sflag:s28] =	ssyncset.done $0x0  }
0x49: {  	s11 =	simm.s32 $0x200;
	s10 =	rddreg [dreg:$0x5];
	[sflag:s28] =	ssyncadd.s32 $0xFFFFFE00  }
0x4a: {  	[tilespmem:s11], [sflag:$0x1] =	stream.strided.gather [hbm4b:s10+s25], $0x200, s26, s25, $0x38;
	[tilespmem:$0x1A000] =	vst v63  }
0x4b: {  	_ =	swait.ge [sflag:s28], $0x200  }
0x4c: {  	[sflag:s28] =	ssyncset.done $0x0  }
0x4d: {  	s17 =	rddreg [dreg:$0x6];
	[sflag:s28] =	ssyncadd.s32 $0xFFFFFE00  }
0x4e: {  	[tilespmem:s26], [sflag:$0x1] =	stream.strided.gather [hbm4b:s17+s25], $0x200, s26, s25, $0x38;
	[tilespmem:$0x1A000] =	vst v63  }
0x4f: {  	_ =	swait.ge [sflag:s28], $0x200  }
0x50: {  	[sflag:s28] =	ssyncset.done $0x0  }
0x51: {  	s19 =	simm.s32 $0x600;
	s18 =	rddreg [dreg:$0x7];
	[sflag:s28] =	ssyncadd.s32 $0xFFFFFE00  }
0x52: {  	[tilespmem:s19], [sflag:$0x1] =	stream.strided.gather [hbm4b:s18+s25], $0x200, s26, s25, $0x38;
	[tilespmem:$0x1A000] =	vst v63  }
0x53: {  	_ =	swait.ge [sflag:s28], $0x200  }
0x54: {  	[sflag:s28] =	ssyncset.done $0x0  }
0x55: {  	s21 =	simm.s32 $0x800;
	s20 =	rddreg [dreg:$0x8];
	[sflag:s28] =	ssyncadd.s32 $0xFFFFFE00  }
0x56: {  	[tilespmem:s21], [sflag:$0x1] =	stream.strided.gather [hbm4b:s20+s25], $0x200, s26, s25, $0x38;
	[tilespmem:$0x1A000] =	vst v63  }
0x57: {  	_ =	swait.ge [sflag:s28], $0x200  }
0x58: {  	[sflag:s28] =	ssyncset.done $0x0  }
0x59: {  	s12 =	simm.s32 $0xA00;
	s11 =	rddreg [dreg:$0x9];
	[sflag:s28] =	ssyncadd.s32 $0xFFFFFE00  }
0x5a: {  	[tilespmem:s12], [sflag:$0x1] =	stream.strided.gather [hbm4b:s11+s25], $0x200, s26, s25, $0x38;
	[tilespmem:$0x1A000] =	vst v63  }
0x5b: {  	_ =	swait.ge [sflag:s28], $0x200  }
0x5c: {  	[sflag:s28] =	ssyncset.done $0x0  }
0x5d: {  	s14 =	simm.s32 $0xC00;
	s13 =	rddreg [dreg:$0xa];
	[sflag:s28] =	ssyncadd.s32 $0xFFFFFE00  }
0x5e: {  	[tilespmem:s14], [sflag:$0x1] =	stream.strided.gather [hbm4b:s13+s25], $0x200, s26, s25, $0x38;
	[tilespmem:$0x1A000] =	vst v63  }
0x5f: {  	_ =	swait.ge [sflag:s28], $0x200  }
0x60: {  	[sflag:s28] =	ssyncset.done $0x0  }
0x61: {  	s16 =	simm.s32 $0xE00;
	s15 =	rddreg [dreg:$0xb];
	[sflag:s28] =	ssyncadd.s32 $0xFFFFFE00  }
0x62: {  	[tilespmem:s16], [sflag:$0x1] =	stream.strided.gather [hbm4b:s15+s25], $0x200, s26, s25, $0x38;
	[tilespmem:$0x1A000] =	vst v63  }
0x63: {  	_ =	swait.ge [sflag:s28], $0x200  }
0x64: {  	[sflag:s28] =	ssyncset.done $0x0  }
0x65: {  	s17 =	rddreg [dreg:$0xc];
	[sflag:s28] =	ssyncadd.s32 $0xFFFFFE00  }
0x66: {  	[tilespmem:s29], [sflag:$0x1] =	stream.strided.gather [hbm4b:s17+s25], $0x200, s26, s25, $0x38;
	[tilespmem:$0x1A000] =	vst v63  }
0x67: {  	_ =	swait.ge [sflag:s28], $0x200  }
0x68: {  	[sflag:s28] =	ssyncset.done $0x0  }
0x69: {  	s19 =	simm.s32 $0x1200;
	s18 =	rddreg [dreg:$0xd];
	[sflag:s28] =	ssyncadd.s32 $0xFFFFFE00  }
0x6a: {  	[tilespmem:s19], [sflag:$0x1] =	stream.strided.gather [hbm4b:s18+s25], $0x200, s26, s25, $0x38;
	[tilespmem:$0x1A000] =	vst v63  }
0x6b: {  	_ =	swait.ge [sflag:s28], $0x200  }
0x6c: {  	[sflag:s28] =	ssyncset.done $0x0  }
0x6d: {  	s21 =	simm.s32 $0x1400;
	s20 =	rddreg [dreg:$0xe];
	[sflag:s28] =	ssyncadd.s32 $0xFFFFFE00  }
0x6e: {  	[tilespmem:s21], [sflag:$0x1] =	stream.strided.gather [hbm4b:s20+s25], $0x200, s26, s25, $0x38;
	[tilespmem:$0x1A000] =	vst v63  }
0x6f: {  	_ =	swait.ge [sflag:s28], $0x200  }
0x70: {  	[sflag:s28] =	ssyncset.done $0x0  }
0x71: {  	s13 =	simm.s32 $0x1600;
	s12 =	rddreg [dreg:$0xf];
	[sflag:s28] =	ssyncadd.s32 $0xFFFFFE00  }
0x72: {  	[tilespmem:s13], [sflag:$0x1] =	stream.strided.gather [hbm4b:s12+s25], $0x200, s26, s25, $0x38;
	[tilespmem:$0x1A000] =	vst v63  }
0x73: {  	_ =	swait.ge [sflag:s28], $0x200  }
0x74: {  	[sflag:s28] =	ssyncset.done $0x0  }
0x75: {  	s15 =	simm.s32 $0x1800;
	s14 =	rddreg [dreg:$0x10];
	[sflag:s28] =	ssyncadd.s32 $0xFFFFFE00  }
0x76: {  	[tilespmem:s15], [sflag:$0x1] =	stream.strided.gather [hbm4b:s14+s25], $0x200, s26, s25, $0x38;
	[tilespmem:$0x1A000] =	vst v63  }
0x77: {  	_ =	swait.ge [sflag:s28], $0x200  }
0x78: {  	[sflag:s28] =	ssyncset.done $0x0  }
0x79: {  	s17 =	simm.s32 $0x1A00;
	s16 =	rddreg [dreg:$0x11];
	[sflag:s28] =	ssyncadd.s32 $0xFFFFFE00  }
0x7a: {  	[tilespmem:s17], [sflag:$0x1] =	stream.strided.gather [hbm4b:s16+s25], $0x200, s26, s25, $0x38;
	[tilespmem:$0x1A000] =	vst v63  }
0x7b: {  	_ =	swait.ge [sflag:s28], $0x200  }
0x7c: {  	[sflag:s28] =	ssyncset.done $0x0  }
0x7d: {  	s19 =	simm.s32 $0x1C00;
	s18 =	rddreg [dreg:$0x12];
	[sflag:s28] =	ssyncadd.s32 $0xFFFFFE00  }
0x7e: {  	[tilespmem:s19], [sflag:$0x1] =	stream.strided.gather [hbm4b:s18+s25], $0x200, s26, s25, $0x38;
	[tilespmem:$0x1A000] =	vst v63  }
0x7f: {  	_ =	swait.ge [sflag:s28], $0x200  }
0x80: {  	[sflag:s28] =	ssyncset.done $0x0  }
0x81: {  	s21 =	simm.s32 $0x1E00;
	s20 =	rddreg [dreg:$0x13];
	[sflag:s28] =	ssyncadd.s32 $0xFFFFFE00  }
0x82: {  	[tilespmem:s21], [sflag:$0x1] =	stream.strided.gather [hbm4b:s20+s25], $0x200, s26, s25, $0x38;
	[tilespmem:$0x1A000] =	vst v63  }
0x83: {  	_ =	swait.ge [sflag:s28], $0x200  }
0x84: {  	[sflag:s28] =	ssyncset.done $0x0  }
0x85: {  	s13 =	simm.s32 $0x2000;
	s12 =	rddreg [dreg:$0x14];
	[sflag:s28] =	ssyncadd.s32 $0xFFFFFE00  }
0x86: {  	[tilespmem:s13], [sflag:$0x1] =	stream.strided.gather [hbm4b:s12+s25], $0x200, s26, s25, $0x38;
	[tilespmem:$0x1A000] =	vst v63  }
0x87: {  	_ =	swait.ge [sflag:s28], $0x200  }
0x88: {  	[sflag:s28] =	ssyncset.done $0x0  }
0x89: {  	s15 =	simm.s32 $0x2200;
	s14 =	rddreg [dreg:$0x16];
	[sflag:s28] =	ssyncadd.s32 $0xFFFFFE00  }
0x8a: {  	[tilespmem:s15], [sflag:$0x1] =	stream.strided.gather [hbm4b:s14+s25], $0x200, s26, s25, $0x38;
	[tilespmem:$0x1A000] =	vst v63  }
0x8b: {  	_ =	swait.ge [sflag:s28], $0x200  }
0x8c: {  	[sflag:s28] =	ssyncset.done $0x0  }
0x8d: {  	s17 =	simm.s32 $0x2400;
	s16 =	rddreg [dreg:$0x17];
	[sflag:s28] =	ssyncadd.s32 $0xFFFFFE00  }
0x8e: {  	[tilespmem:s17], [sflag:$0x1] =	stream.strided.gather [hbm4b:s16+s25], $0x200, s26, s25, $0x38;
	[tilespmem:$0x1A000] =	vst v63  }
0x8f: {  	_ =	swait.ge [sflag:s28], $0x200  }
0x90: {  	[sflag:s28] =	ssyncset.done $0x0  }
0x91: {  	s19 =	simm.s32 $0x2600;
	s18 =	rddreg [dreg:$0x18];
	[sflag:s28] =	ssyncadd.s32 $0xFFFFFE00  }
0x92: {  	[tilespmem:s19], [sflag:$0x1] =	stream.strided.gather [hbm4b:s18+s25], $0x200, s26, s25, $0x38;
	[tilespmem:$0x1A000] =	vst v63  }
0x93: {  	_ =	swait.ge [sflag:s28], $0x200  }
0x94: {  	[sflag:s28] =	ssyncset.done $0x0  }
0x95: {  	s21 =	simm.s32 $0x2800;
	s20 =	rddreg [dreg:$0x19];
	[sflag:s28] =	ssyncadd.s32 $0xFFFFFE00  }
0x96: {  	[tilespmem:s21], [sflag:$0x1] =	stream.strided.gather [hbm4b:s20+s25], $0x200, s26, s25, $0x38;
	[tilespmem:$0x1A000] =	vst v63  }
0x97: {  	_ =	swait.ge [sflag:s28], $0x200  }
0x98: {  	[sflag:s28] =	ssyncset.done $0x0  }
0x99: {  	s13 =	simm.s32 $0x2A00;
	s12 =	rddreg [dreg:$0x1a];
	[sflag:s28] =	ssyncadd.s32 $0xFFFFFE00  }
0x9a: {  	[tilespmem:s13], [sflag:$0x1] =	stream.strided.gather [hbm4b:s12+s25], $0x200, s26, s25, $0x38;
	[tilespmem:$0x1A000] =	vst v63  }
0x9b: {  	_ =	swait.ge [sflag:s28], $0x200  }
0x9c: {  	[sflag:s28] =	ssyncset.done $0x0  }
0x9d: {  	s15 =	simm.s32 $0x2C00;
	s14 =	rddreg [dreg:$0x1b];
	[sflag:s28] =	ssyncadd.s32 $0xFFFFFE00  }
0x9e: {  	[tilespmem:s15], [sflag:$0x1] =	stream.strided.gather [hbm4b:s14+s25], $0x200, s26, s25, $0x38;
	[tilespmem:$0x1A000] =	vst v63  }
0x9f: {  	_ =	swait.ge [sflag:s28], $0x200  }
0xa0: {  	[sflag:s28] =	ssyncset.done $0x0  }
0xa1: {  	s17 =	simm.s32 $0x2E00;
	s16 =	rddreg [dreg:$0x1c];
	[sflag:s28] =	ssyncadd.s32 $0xFFFFFE00  }
0xa2: {  	[tilespmem:s17], [sflag:$0x1] =	stream.strided.gather [hbm4b:s16+s25], $0x200, s26, s25, $0x38;
	[tilespmem:$0x1A000] =	vst v63  }
0xa3: {  	_ =	swait.ge [sflag:s28], $0x200  }
0xa4: {  	[sflag:s28] =	ssyncset.done $0x0  }
0xa5: {  	s19 =	simm.s32 $0x3000;
	s18 =	rddreg [dreg:$0x1d];
	[sflag:s28] =	ssyncadd.s32 $0xFFFFFE00  }
0xa6: {  	[tilespmem:s19], [sflag:$0x1] =	stream.strided.gather [hbm4b:s18+s25], $0x200, s26, s25, $0x38;
	[tilespmem:$0x1A000] =	vst v63  }
0xa7: {  	_ =	swait.ge [sflag:s28], $0x200  }
0xa8: {  	[sflag:s28] =	ssyncset.done $0x0  }
0xa9: {  	s21 =	simm.s32 $0x3200;
	s20 =	rddreg [dreg:$0x1e];
	[sflag:s28] =	ssyncadd.s32 $0xFFFFFE00  }
0xaa: {  	[tilespmem:s21], [sflag:$0x1] =	stream.strided.gather [hbm4b:s20+s25], $0x200, s26, s25, $0x38;
	[tilespmem:$0x1A000] =	vst v63  }
0xab: {  	_ =	swait.ge [sflag:s28], $0x200  }
0xac: {  	[sflag:s28] =	ssyncset.done $0x0  }
0xad: {  	s13 =	simm.s32 $0x3400;
	s12 =	rddreg [dreg:$0x1f];
	[sflag:s28] =	ssyncadd.s32 $0xFFFFFE00  }
0xae: {  	[tilespmem:s13], [sflag:$0x1] =	stream.strided.gather [hbm4b:s12+s25], $0x200, s26, s25, $0x38;
	[tilespmem:$0x1A000] =	vst v63  }
0xaf: {  	_ =	swait.ge [sflag:s28], $0x200  }
0xb0: {  	s14 =	sld [smem:$0x7DC]  }
0xb1: {  	[sflag:s28] =	ssyncset.done $0x0  }
0xb2: {  	s15 =	simm.s32 $0x3600;
	[sflag:s28] =	ssyncadd.s32 $0xFFFFFE00  }
0xb3: {  	[tilespmem:s15], [sflag:$0x1] =	stream.strided.gather [hbm4b:s14+s25], $0x200, s26, s25, $0x38;
	[tilespmem:$0x1A000] =	vst v63  }
0xb4: {  	_ =	swait.ge [sflag:s28], $0x200  }
0xb5: {  	s16 =	sld [smem:$0x7DD]  }
0xb6: {  	[sflag:s28] =	ssyncset.done $0x0  }
0xb7: {  	s17 =	simm.s32 $0x3800;
	[sflag:s28] =	ssyncadd.s32 $0xFFFFFE00  }
0xb8: {  	[tilespmem:s17], [sflag:$0x1] =	stream.strided.gather [hbm4b:s16+s25], $0x200, s26, s25, $0x38;
	[tilespmem:$0x1A000] =	vst v63  }
0xb9: {  	_ =	swait.ge [sflag:s28], $0x200  }
0xba: {  	s18 =	sld [smem:$0x7DE]  }
0xbb: {  	[sflag:s28] =	ssyncset.done $0x0  }
0xbc: {  	s19 =	simm.s32 $0x3A00;
	[sflag:s28] =	ssyncadd.s32 $0xFFFFFE00  }
0xbd: {  	[tilespmem:s19], [sflag:$0x1] =	stream.strided.gather [hbm4b:s18+s25], $0x200, s26, s25, $0x38;
	[tilespmem:$0x1A000] =	vst v63  }
0xbe: {  	_ =	swait.ge [sflag:s28], $0x200  }
0xbf: {  	s20 =	sld [smem:$0x7DF]  }
0xc0: {  	[sflag:s28] =	ssyncset.done $0x0  }
0xc1: {  	s21 =	simm.s32 $0x3C00;
	[sflag:s28] =	ssyncadd.s32 $0xFFFFFE00  }
0xc2: {  	[tilespmem:s21], [sflag:$0x1] =	stream.strided.gather [hbm4b:s20+s25], $0x200, s26, s25, $0x38;
	[tilespmem:$0x1A000] =	vst v63  }
0xc3: {  	_ =	swait.ge [sflag:s28], $0x200  }
0xc4: {  	s11 =	sld [smem:$0x7E0]  }
0xc5: {  	[sflag:s28] =	ssyncset.done $0x0  }
0xc6: {  	s12 =	simm.s32 $0x3E00;
	[sflag:s28] =	ssyncadd.s32 $0xFFFFFE00  }
0xc7: {  	[tilespmem:s12], [sflag:$0x1] =	stream.strided.gather [hbm4b:s11+s25], $0x200, s26, s25, $0x38;
	[tilespmem:$0x1A000] =	vst v63  }
0xc8: {  	_ =	swait.ge [sflag:s28], $0x200  }
0xc9: {  	s13 =	sld [smem:$0x7E1]  }
0xca: {  	[sflag:s28] =	ssyncset.done $0x0  }
0xcb: {  	[sflag:s28] =	ssyncadd.s32 $0xFFFFFE00  }
0xcc: {  	[tilespmem:s30], [sflag:$0x1] =	stream.strided.gather [hbm4b:s13+s25], $0x200, s26, s25, $0x38;
	[tilespmem:$0x1A000] =	vst v63  }
0xcd: {  	_ =	swait.ge [sflag:s28], $0x200  }
0xce: {  	s14 =	sld [smem:$0x7E2]  }
0xcf: {  	[sflag:s28] =	ssyncset.done $0x0  }
0xd0: {  	s15 =	simm.s32 $0x4200;
	[sflag:s28] =	ssyncadd.s32 $0xFFFFFE00  }
0xd1: {  	[tilespmem:s15], [sflag:$0x1] =	stream.strided.gather [hbm4b:s14+s25], $0x200, s26, s25, $0x38;
	[tilespmem:$0x1A000] =	vst v63  }
0xd2: {  	_ =	swait.ge [sflag:s28], $0x200  }
0xd3: {  	s16 =	sld [smem:$0x7E3]  }
0xd4: {  	[sflag:s28] =	ssyncset.done $0x0  }
0xd5: {  	s17 =	simm.s32 $0x4400;
	[sflag:s28] =	ssyncadd.s32 $0xFFFFFE00  }
0xd6: {  	[tilespmem:s17], [sflag:$0x1] =	stream.strided.gather [hbm4b:s16+s25], $0x200, s26, s25, $0x38;
	[tilespmem:$0x1A000] =	vst v63  }
0xd7: {  	_ =	swait.ge [sflag:s28], $0x200  }
0xd8: {  	s18 =	sld [smem:$0x7E4]  }
0xd9: {  	[sflag:s28] =	ssyncset.done $0x0  }
0xda: {  	s19 =	simm.s32 $0x4600;
	[sflag:s28] =	ssyncadd.s32 $0xFFFFFE00  }
0xdb: {  	[tilespmem:s19], [sflag:$0x1] =	stream.strided.gather [hbm4b:s18+s25], $0x200, s26, s25, $0x38;
	[tilespmem:$0x1A000] =	vst v63  }
0xdc: {  	_ =	swait.ge [sflag:s28], $0x200  }
0xdd: {  	s20 =	sld [smem:$0x7E5]  }
0xde: {  	[sflag:s28] =	ssyncset.done $0x0  }
0xdf: {  	s21 =	simm.s32 $0x4800;
	[sflag:s28] =	ssyncadd.s32 $0xFFFFFE00  }
0xe0: {  	[tilespmem:s21], [sflag:$0x1] =	stream.strided.gather [hbm4b:s20+s25], $0x200, s26, s25, $0x38;
	[tilespmem:$0x1A000] =	vst v63  }
0xe1: {  	_ =	swait.ge [sflag:s28], $0x200  }
0xe2: {  	s12 =	sld [smem:$0x7E6]  }
0xe3: {  	[sflag:s28] =	ssyncset.done $0x0  }
0xe4: {  	s13 =	simm.s32 $0x4A00;
	[sflag:s28] =	ssyncadd.s32 $0xFFFFFE00  }
0xe5: {  	[tilespmem:s13], [sflag:$0x1] =	stream.strided.gather [hbm4b:s12+s25], $0x200, s26, s25, $0x38;
	[tilespmem:$0x1A000] =	vst v63  }
0xe6: {  	_ =	swait.ge [sflag:s28], $0x200  }
0xe7: {  	s14 =	sld [smem:$0x7E7]  }
0xe8: {  	[sflag:s28] =	ssyncset.done $0x0  }
0xe9: {  	s15 =	simm.s32 $0x4C00;
	[sflag:s28] =	ssyncadd.s32 $0xFFFFFE00  }
0xea: {  	[tilespmem:s15], [sflag:$0x1] =	stream.strided.gather [hbm4b:s14+s25], $0x200, s26, s25, $0x38;
	[tilespmem:$0x1A000] =	vst v63  }
0xeb: {  	_ =	swait.ge [sflag:s28], $0x200  }
0xec: {  	s16 =	sld [smem:$0x7E8]  }
0xed: {  	[sflag:s28] =	ssyncset.done $0x0  }
0xee: {  	s17 =	simm.s32 $0x4E00;
	[sflag:s28] =	ssyncadd.s32 $0xFFFFFE00  }
0xef: {  	[tilespmem:s17], [sflag:$0x1] =	stream.strided.gather [hbm4b:s16+s25], $0x200, s26, s25, $0x38;
	[tilespmem:$0x1A000] =	vst v63  }
0xf0: {  	_ =	swait.ge [sflag:s28], $0x200  }
0xf1: {  	s18 =	sld [smem:$0x7E9]  }
0xf2: {  	[sflag:s28] =	ssyncset.done $0x0  }
0xf3: {  	s19 =	simm.s32 $0x5000;
	[sflag:s28] =	ssyncadd.s32 $0xFFFFFE00  }
0xf4: {  	[tilespmem:s19], [sflag:$0x1] =	stream.strided.gather [hbm4b:s18+s25], $0x200, s26, s25, $0x38;
	[tilespmem:$0x1A000] =	vst v63  }
0xf5: {  	_ =	swait.ge [sflag:s28], $0x200  }
0xf6: {  	s20 =	sld [smem:$0x7EA]  }
0xf7: {  	[sflag:s28] =	ssyncset.done $0x0  }
0xf8: {  	s21 =	simm.s32 $0x5200;
	[sflag:s28] =	ssyncadd.s32 $0xFFFFFE00  }
0xf9: {  	[tilespmem:s21], [sflag:$0x1] =	stream.strided.gather [hbm4b:s20+s25], $0x200, s26, s25, $0x38;
	[tilespmem:$0x1A000] =	vst v63  }
0xfa: {  	_ =	swait.ge [sflag:s28], $0x200  }
0xfb: {  	s12 =	sld [smem:$0x7EB]  }
0xfc: {  	[sflag:s28] =	ssyncset.done $0x0  }
0xfd: {  	s13 =	simm.s32 $0x5400;
	[sflag:s28] =	ssyncadd.s32 $0xFFFFFE00  }
0xfe: {  	[tilespmem:s13], [sflag:$0x1] =	stream.strided.gather [hbm4b:s12+s25], $0x200, s26, s25, $0x38;
	[tilespmem:$0x1A000] =	vst v63  }
0xff: {  	_ =	swait.ge [sflag:s28], $0x200  }
0x100: {  	s14 =	sld [smem:$0x7EC]  }
0x101: {  	[sflag:s28] =	ssyncset.done $0x0  }
0x102: {  	s15 =	simm.s32 $0x5600;
	[sflag:s28] =	ssyncadd.s32 $0xFFFFFE00  }
0x103: {  	[tilespmem:s15], [sflag:$0x1] =	stream.strided.gather [hbm4b:s14+s25], $0x200, s26, s25, $0x38;
	[tilespmem:$0x1A000] =	vst v63  }
0x104: {  	_ =	swait.ge [sflag:s28], $0x200  }
0x105: {  	s16 =	sld [smem:$0x7ED]  }
0x106: {  	[sflag:s28] =	ssyncset.done $0x0  }
0x107: {  	s17 =	simm.s32 $0x5800;
	[sflag:s28] =	ssyncadd.s32 $0xFFFFFE00  }
0x108: {  	[tilespmem:s17], [sflag:$0x1] =	stream.strided.gather [hbm4b:s16+s25], $0x200, s26, s25, $0x38;
	[tilespmem:$0x1A000] =	vst v63  }
0x109: {  	_ =	swait.ge [sflag:s28], $0x200  }
0x10a: {  	s18 =	sld [smem:$0x7EE]  }
0x10b: {  	[sflag:s28] =	ssyncset.done $0x0  }
0x10c: {  	s19 =	simm.s32 $0x5A00;
	[sflag:s28] =	ssyncadd.s32 $0xFFFFFE00  }
0x10d: {  	[tilespmem:s19], [sflag:$0x1] =	stream.strided.gather [hbm4b:s18+s25], $0x200, s26, s25, $0x38;
	[tilespmem:$0x1A000] =	vst v63  }
0x10e: {  	_ =	swait.ge [sflag:s28], $0x200  }
0x10f: {  	s20 =	sld [smem:$0x7EF]  }
0x110: {  	[sflag:s28] =	ssyncset.done $0x0  }
0x111: {  	s21 =	simm.s32 $0x5C00;
	[sflag:s28] =	ssyncadd.s32 $0xFFFFFE00  }
0x112: {  	[tilespmem:s21], [sflag:$0x1] =	stream.strided.gather [hbm4b:s20+s25], $0x200, s26, s25, $0x38;
	[tilespmem:$0x1A000] =	vst v63  }
0x113: {  	_ =	swait.ge [sflag:s28], $0x200  }
0x114: {  	s12 =	sld [smem:$0x7F0]  }
0x115: {  	[sflag:s28] =	ssyncset.done $0x0  }
0x116: {  	s13 =	simm.s32 $0x5E00;
	[sflag:s28] =	ssyncadd.s32 $0xFFFFFE00  }
0x117: {  	[tilespmem:s13], [sflag:$0x1] =	stream.strided.gather [hbm4b:s12+s25], $0x200, s26, s25, $0x38;
	[tilespmem:$0x1A000] =	vst v63  }
0x118: {  	_ =	swait.ge [sflag:s28], $0x200  }
0x119: {  	s14 =	sld [smem:$0x7F1]  }
0x11a: {  	[sflag:s28] =	ssyncset.done $0x0  }
0x11b: {  	s15 =	simm.s32 $0x6000;
	[sflag:s28] =	ssyncadd.s32 $0xFFFFFE00  }
0x11c: {  	[tilespmem:s15], [sflag:$0x1] =	stream.strided.gather [hbm4b:s14+s25], $0x200, s26, s25, $0x38;
	[tilespmem:$0x1A000] =	vst v63  }
0x11d: {  	_ =	swait.ge [sflag:s28], $0x200  }
0x11e: {  	s16 =	sld [smem:$0x7F2]  }
0x11f: {  	[sflag:s28] =	ssyncset.done $0x0  }
0x120: {  	s17 =	simm.s32 $0x6200;
	[sflag:s28] =	ssyncadd.s32 $0xFFFFFE00  }
0x121: {  	[tilespmem:s17], [sflag:$0x1] =	stream.strided.gather [hbm4b:s16+s25], $0x200, s26, s25, $0x38;
	[tilespmem:$0x1A000] =	vst v63  }
0x122: {  	_ =	swait.ge [sflag:s28], $0x200  }
0x123: {  	s18 =	sld [smem:$0x7F3]  }
0x124: {  	[sflag:s28] =	ssyncset.done $0x0  }
0x125: {  	s19 =	simm.s32 $0x6400;
	[sflag:s28] =	ssyncadd.s32 $0xFFFFFE00  }
0x126: {  	[tilespmem:s19], [sflag:$0x1] =	stream.strided.gather [hbm4b:s18+s25], $0x200, s26, s25, $0x38;
	[tilespmem:$0x1A000] =	vst v63  }
0x127: {  	_ =	swait.ge [sflag:s28], $0x200  }
0x128: {  	s20 =	sld [smem:$0x7F4]  }
0x129: {  	[sflag:s28] =	ssyncset.done $0x0  }
0x12a: {  	s21 =	simm.s32 $0x6600;
	[sflag:s28] =	ssyncadd.s32 $0xFFFFFE00  }
0x12b: {  	[tilespmem:s21], [sflag:$0x1] =	stream.strided.gather [hbm4b:s20+s25], $0x200, s26, s25, $0x38;
	[tilespmem:$0x1A000] =	vst v63  }
0x12c: {  	_ =	swait.ge [sflag:s28], $0x200  }
0x12d: {  	s12 =	sld [smem:$0x7F5]  }
0x12e: {  	[sflag:s28] =	ssyncset.done $0x0  }
0x12f: {  	s13 =	simm.s32 $0x6800;
	[sflag:s28] =	ssyncadd.s32 $0xFFFFFE00  }
0x130: {  	[tilespmem:s13], [sflag:$0x1] =	stream.strided.gather [hbm4b:s12+s25], $0x200, s26, s25, $0x38;
	[tilespmem:$0x1A000] =	vst v63  }
0x131: {  	_ =	swait.ge [sflag:s28], $0x200  }
0x132: {  	s14 =	sld [smem:$0x7F6]  }
0x133: {  	[sflag:s28] =	ssyncset.done $0x0  }
0x134: {  	s15 =	simm.s32 $0x6A00;
	[sflag:s28] =	ssyncadd.s32 $0xFFFFFE00  }
0x135: {  	[tilespmem:s15], [sflag:$0x1] =	stream.strided.gather [hbm4b:s14+s25], $0x200, s26, s25, $0x38;
	[tilespmem:$0x1A000] =	vst v63  }
0x136: {  	_ =	swait.ge [sflag:s28], $0x200  }
0x137: {  	s16 =	sld [smem:$0x7F7]  }
0x138: {  	[sflag:s28] =	ssyncset.done $0x0  }
0x139: {  	s17 =	simm.s32 $0x6C00;
	[sflag:s28] =	ssyncadd.s32 $0xFFFFFE00  }
0x13a: {  	[tilespmem:s17], [sflag:$0x1] =	stream.strided.gather [hbm4b:s16+s25], $0x200, s26, s25, $0x38;
	[tilespmem:$0x1A000] =	vst v63  }
0x13b: {  	_ =	swait.ge [sflag:s28], $0x200  }
0x13c: {  	s18 =	sld [smem:$0x7F8]  }
0x13d: {  	[sflag:s28] =	ssyncset.done $0x0  }
0x13e: {  	s19 =	simm.s32 $0x6E00;
	[sflag:s28] =	ssyncadd.s32 $0xFFFFFE00  }
0x13f: {  	[tilespmem:s19], [sflag:$0x1] =	stream.strided.gather [hbm4b:s18+s25], $0x200, s26, s25, $0x38;
	[tilespmem:$0x1A000] =	vst v63  }
0x140: {  	_ =	swait.ge [sflag:s28], $0x200  }
0x141: {  	s20 =	sld [smem:$0x7F9]  }
0x142: {  	[sflag:s28] =	ssyncset.done $0x0  }
0x143: {  	s21 =	simm.s32 $0x7000;
	[sflag:s28] =	ssyncadd.s32 $0xFFFFFE00  }
0x144: {  	[tilespmem:s21], [sflag:$0x1] =	stream.strided.gather [hbm4b:s20+s25], $0x200, s26, s25, $0x38;
	[tilespmem:$0x1A000] =	vst v63  }
0x145: {  	_ =	swait.ge [sflag:s28], $0x200  }
0x146: {  	s11 =	sld [smem:$0x7FA]  }
0x147: {  	[sflag:s28] =	ssyncset.done $0x0  }
0x148: {  	s12 =	simm.s32 $0x7200;
	[sflag:s28] =	ssyncadd.s32 $0xFFFFFE00  }
0x149: {  	[tilespmem:s12], [sflag:$0x1] =	stream.strided.gather [hbm4b:s11+s25], $0x200, s26, s25, $0x38;
	[tilespmem:$0x1A000] =	vst v63  }
0x14a: {  	_ =	swait.ge [sflag:s28], $0x200  }
0x14b: {  	s13 =	sld [smem:$0x7FB]  }
0x14c: {  	[sflag:s28] =	ssyncset.done $0x0  }
0x14d: {  	s14 =	simm.s32 $0x7400;
	[sflag:s28] =	ssyncadd.s32 $0xFFFFFE00  }
0x14e: {  	[tilespmem:s14], [sflag:$0x1] =	stream.strided.gather [hbm4b:s13+s25], $0x200, s26, s25, $0x38;
	[tilespmem:$0x1A000] =	vst v63  }
0x14f: {  	_ =	swait.ge [sflag:s28], $0x200  }
0x150: {  	s15 =	sld [smem:$0x7FC]  }
0x151: {  	[sflag:s28] =	ssyncset.done $0x0  }
0x152: {  	s16 =	simm.s32 $0x7600;
	[sflag:s28] =	ssyncadd.s32 $0xFFFFFE00  }
0x153: {  	[tilespmem:s16], [sflag:$0x1] =	stream.strided.gather [hbm4b:s15+s25], $0x200, s26, s25, $0x38;
	[tilespmem:$0x1A000] =	vst v63  }
0x154: {  	_ =	swait.ge [sflag:s28], $0x200  }
0x155: {  	s17 =	sld [smem:$0x7FD]  }
0x156: {  	[sflag:s28] =	ssyncset.done $0x0  }
0x157: {  	s18 =	simm.s32 $0x7800;
	[sflag:s28] =	ssyncadd.s32 $0xFFFFFE00  }
0x158: {  	[tilespmem:s18], [sflag:$0x1] =	stream.strided.gather [hbm4b:s17+s25], $0x200, s26, s25, $0x38;
	[tilespmem:$0x1A000] =	vst v63  }
0x159: {  	_ =	swait.ge [sflag:s28], $0x200  }
0x15a: {  	[sflag:s28] =	ssyncset.done $0x0  }
0x15b: {  	s19 =	simm.s32 $0x7A00;
	[sflag:s28] =	ssyncadd.s32 $0xFFFFFE00  }
0x15c: {  	[tilespmem:s19], [sflag:$0x1] =	stream.strided.gather [hbm4b:s22+s25], $0x200, s26, s25, $0x38;
	[tilespmem:$0x1A000] =	vst v63  }
0x15d: {  	_ =	swait.ge [sflag:s28], $0x200  }
0x15e: {  	[sflag:s28] =	ssyncset.done $0x0  }
0x15f: {  	s20 =	simm.s32 $0x7C00;
	[sflag:s28] =	ssyncadd.s32 $0xFFFFFE00  }
0x160: {  	[tilespmem:s20], [sflag:$0x1] =	stream.strided.gather [hbm4b:s23+s25], $0x200, s26, s25, $0x38;
	[tilespmem:$0x1A000] =	vst v63  }
0x161: {  	_ =	swait.ge [sflag:s28], $0x200  }
0x162: {  	[sflag:s28] =	ssyncset.done $0x0  }
0x163: {  	s21 =	simm.s32 $0x7E00;
	[sflag:s28] =	ssyncadd.s32 $0xFFFFFE00  }
0x164: {  	[tilespmem:s21], [sflag:$0x1] =	stream.strided.gather [hbm4b:s24+s25], $0x200, s26, s25, $0x38;
	[tilespmem:$0x1A000] =	vst v63  }
0x165: {  	_ =	swait.ge [sflag:s28], $0x200  }
0x166: {  	[sflag:s28] =	ssyncset.done $0x0  }
0x167: {  	s10 =	simm.s32 $0x0;
	[sflag:s28] =	ssyncadd.s32 $0xFFFFFE00  }
.LBB2_2:
0x168: {  	s11 =	sshll.u32 s10, $0x6  }
0x169: {  	s12 =	sadd.s32 s8, s11  }
0x16a: {  	s11 =	sshll.u32 s12, $0x8  }
0x16b: {  	s11 =	sor.u32 s6, s11  }
0x16c: {  	s13 =	sadd.s32 s1, s11  }
0x16d: {  	[tilespmem:s31], [sflag:$0x1] =	stream.strided.gather [hbm4b:s13+s29], $0x8000, s30, s29, $0x38;
	[tilespmem:$0x1A000] =	vst v63  }
0x16e: {  	_ =	swait.ge [sflag:s28], $0x8000  }
0x16f: {  	s12 =	sshll.u32 s12, $0x4;
	[sflag:s28] =	ssyncset.done $0x0  }
0x170: {  	s21 =	sadd.s32 s5, s12;
	s12 =	simm.s32 $0x0;
	[sflag:s28] =	ssyncadd.s32 $0xFFFF8000  }
0x171: {  	[tilespmem:s0], [sflag:$0x1] =	stream.linear.gather [hbm4b:s21+s12], $0x2000, $0x38;
	[tilespmem:$0x1A000] =	vst v63  }
0x172: {  	_ =	swait.ge [sflag:s28], $0x2000  }
0x173: {  	[sflag:s28] =	ssyncset.done $0x0  }
0x174: {  	s13 =	simm.s32 $0x0;
	[sflag:s28] =	ssyncadd.s32 $0xFFFFE000  }
.LBB2_3:
0x175: {  	s15 =	sshll.u32 s13, $0x7  }
0x176: {  	v1 =	vld [tilespmem:s15+$0x18030];
	_ =	sdelay $0x2  }
0x177: {  	v3 =	vld [tilespmem:s15+$0x18040];
	_ =	sdelay $0x1  }
0x178: {  	v1 =	vtrunc.f32 v1  }
0x179: {  	v1 =	vcvt.f32.s32 v1;
	_ =	sdelay $0x1  }
0x17a: {  	v2 =	vadd.s32 v0, v1;
	v1 =	vtrunc.f32 v3  }
0x17b: {  	s16 =	simm.s32 $0x0;
	s14 =	sshll.u32 s13, $0x9;
	v1 =	vcvt.f32.s32 v1  }
0x17c: {  	s14 =	sand.u32 $0x7000, s14;
	s17 =	sand.u32 $0x380, s15;
	v5 =	vadd.s32 s16, v2  }
0x17d: {  	s18 =	sand.u32 $0x40, s16;
	s14 =	sor.u32 s14, s17;
	v4 =	vadd.s32 v0, v1  }
0x17e: {  	s17 =	sand.u32 $0xC00, s12;
	s19 =	sor.u32 s14, s18;
	v3 =	vld [tilespmem:s15+$0x18010];
	v6 =	vadd.s32 s16, v4  }
0x17f: {  	v1 =	vld [tilespmem:s15+$0x18000];
	s16 =	sor.u32 s17, s19  }
0x180: {  	v8 =	vld [tilespmem:s16+$0x8000]  }
0x181: {  	v7 =	vld.idx.msk [tilespmem:v5+s4+$0x0], $0xffff  }
0x182: {  	v5 =	vld [tilespmem:s15+$0x18020]  }
0x183: {  	v6 =	vld.idx.msk [tilespmem:v6+s4+$0x0], $0xffff;
	_ =	sdelay $0x2  }
0x184: {  	v8 =	vmul.f32 v8, v1;
	v7 =	vmul.f32 v7, v3  }
0x185: {  	s20 =	simm.s32 $0x10  }
0x186: {  	v7 =	vadd.f32 v7, v8;
	v8 =	vadd.s32 s20, v2;
	v6 =	vmul.f32 v6, v5;
	_ =	sdelay $0x1  }
0x187: {  	v6 =	vadd.f32 v6, v7  }
0x188: {  	s18 =	sand.u32 $0x50, s20;
	v7 =	vadd.s32 s20, v4  }
0x189: {  	s21 =	sor.u32 s14, s18;
	[tilespmem:s16+$0x10000] =	vst v6  }
0x18a: {  	s15 =	sor.u32 s17, s21;
	v6 =	vld.idx.msk [tilespmem:v8+s4+$0x0], $0xffff  }
0x18b: {  	v8 =	vld [tilespmem:s15+$0x8000];
	_ =	sdelay $0x1  }
0x18c: {  	v7 =	vld.idx.msk [tilespmem:v7+s4+$0x0], $0xffff;
	_ =	sdelay $0x2  }
0x18d: {  	v8 =	vmul.f32 v8, v1;
	v6 =	vmul.f32 v6, v3  }
0x18e: {  	s18 =	simm.s32 $0x20  }
0x18f: {  	v6 =	vadd.f32 v6, v8;
	v7 =	vmul.f32 v7, v5;
	v8 =	vadd.s32 s18, v2;
	_ =	sdelay $0x1  }
0x190: {  	v6 =	vadd.f32 v7, v6  }
0x191: {  	s19 =	sand.u32 $0x60, s18;
	v7 =	vadd.s32 s18, v4  }
0x192: {  	s20 =	sor.u32 s14, s19;
	[tilespmem:s15+$0x10000] =	vst v6  }
0x193: {  	s21 =	sor.u32 s17, s20;
	v6 =	vld.idx.msk [tilespmem:v8+s4+$0x0], $0xffff  }
0x194: {  	v8 =	vld [tilespmem:s21+$0x8000];
	_ =	sdelay $0x1  }
0x195: {  	v7 =	vld.idx.msk [tilespmem:v7+s4+$0x0], $0xffff;
	_ =	sdelay $0x2  }
0x196: {  	v8 =	vmul.f32 v8, v1;
	v6 =	vmul.f32 v6, v3  }
0x197: {  	s18 =	simm.s32 $0x30  }
0x198: {  	v6 =	vadd.f32 v6, v8;
	v7 =	vmul.f32 v7, v5;
	v8 =	vadd.s32 s18, v2;
	_ =	sdelay $0x1  }
0x199: {  	v6 =	vadd.f32 v7, v6  }
0x19a: {  	s16 =	sand.u32 $0x70, s18;
	v7 =	vadd.s32 s18, v4  }
0x19b: {  	s19 =	sor.u32 s14, s16;
	[tilespmem:s21+$0x10000] =	vst v6  }
0x19c: {  	s19 =	sor.u32 s17, s19;
	v6 =	vld.idx.msk [tilespmem:v8+s4+$0x0], $0xffff  }
0x19d: {  	v8 =	vld [tilespmem:s19+$0x8000];
	_ =	sdelay $0x1  }
0x19e: {  	v7 =	vld.idx.msk [tilespmem:v7+s4+$0x0], $0xffff;
	_ =	sdelay $0x2  }
0x19f: {  	v8 =	vmul.f32 v8, v1;
	v6 =	vmul.f32 v6, v3  }
0x1a0: {  	s20 =	simm.s32 $0x40  }
0x1a1: {  	v8 =	vadd.f32 v6, v8;
	v9 =	vmul.f32 v7, v5;
	v7 =	vadd.s32 s20, v2  }
0x1a2: {  	s16 =	simm.s32 $0x4;
	s21 =	sand.u32 $0x40, s20  }
0x1a3: {  	s15 =	simm.s32 $0x70;
	s17 =	simm.s32 $0x200;
	v6 =	vadd.s32 s20, v4;
	s20 =	sor.u32 s14, s21;
	v8 =	vadd.f32 v9, v8  }
.LBB2_4:
0x1a4: {  	s16 =	sadd.s32 $0x4, s16  }
0x1a5: {  	s18 =	sand.u32 $0xC00, s17;
	p0 =	slt.u32 s16, $0x1C;
	[tilespmem:s19+$0x10000] =	vst v8  }
0x1a6: {  	s19 =	sor.u32 s18, s20;
	v7 =	vld.idx.msk [tilespmem:v7+s4+$0x0], $0xffff  }
0x1a7: {  	v8 =	vld [tilespmem:s19+$0x8000]  }
0x1a8: {  	v6 =	vld.idx.msk [tilespmem:v6+s4+$0x0], $0xffff;
	_ =	sdelay $0x3  }
0x1a9: {  	v7 =	vmul.f32 v7, v3;
	v8 =	vmul.f32 v8, v1  }
0x1aa: {  	s20 =	sadd.s32 $0xFFFFFFE0, s15  }
0x1ab: {  	s21 =	sand.u32 $0x50, s20;
	v6 =	vmul.f32 v6, v5;
	v7 =	vadd.f32 v7, v8;
	v8 =	vadd.s32 s20, v2  }
0x1ac: {  	s21 =	sor.u32 s14, s21  }
0x1ad: {  	v6 =	vadd.f32 v6, v7;
	v7 =	vadd.s32 s20, v4;
	_ =	sdelay $0x1  }
0x1ae: {  	[tilespmem:s19+$0x10000] =	vst v6  }
0x1af: {  	s19 =	sor.u32 s18, s21;
	v6 =	vld.idx.msk [tilespmem:v8+s4+$0x0], $0xffff  }
0x1b0: {  	v8 =	vld [tilespmem:s19+$0x8000]  }
0x1b1: {  	v7 =	vld.idx.msk [tilespmem:v7+s4+$0x0], $0xffff;
	_ =	sdelay $0x3  }
0x1b2: {  	v6 =	vmul.f32 v6, v3;
	v8 =	vmul.f32 v8, v1  }
0x1b3: {  	s20 =	sadd.s32 $0xFFFFFFF0, s15  }
0x1b4: {  	s21 =	sand.u32 $0x60, s20;
	v7 =	vmul.f32 v7, v5;
	v6 =	vadd.f32 v6, v8;
	v8 =	vadd.s32 s20, v2  }
0x1b5: {  	s21 =	sor.u32 s14, s21  }
0x1b6: {  	v6 =	vadd.f32 v7, v6;
	v7 =	vadd.s32 s20, v4;
	_ =	sdelay $0x1  }
0x1b7: {  	[tilespmem:s19+$0x10000] =	vst v6  }
0x1b8: {  	s19 =	sor.u32 s18, s21;
	v6 =	vld.idx.msk [tilespmem:v8+s4+$0x0], $0xffff  }
0x1b9: {  	v8 =	vld [tilespmem:s19+$0x8000]  }
0x1ba: {  	v7 =	vld.idx.msk [tilespmem:v7+s4+$0x0], $0xffff;
	_ =	sdelay $0x3  }
0x1bb: {  	v6 =	vmul.f32 v6, v3;
	v8 =	vmul.f32 v8, v1;
	_ =	sdelay $0x1  }
0x1bc: {  	v7 =	vmul.f32 v7, v5;
	v6 =	vadd.f32 v6, v8;
	v8 =	vadd.s32 s15, v2;
	_ =	sdelay $0x1  }
0x1bd: {  	v6 =	vadd.f32 v7, v6;
	v7 =	vadd.s32 s15, v4  }
0x1be: {  	s20 =	sand.u32 $0x70, s15  }
0x1bf: {  	[tilespmem:s19+$0x10000] =	vst v6;
	s19 =	sor.u32 s14, s20  }
0x1c0: {  	s19 =	sor.u32 s18, s19;
	v6 =	vld.idx.msk [tilespmem:v8+s4+$0x0], $0xffff  }
0x1c1: {  	v8 =	vld [tilespmem:s19+$0x8000]  }
0x1c2: {  	v9 =	vld.idx.msk [tilespmem:v7+s4+$0x0], $0xffff;
	_ =	sdelay $0x2  }
0x1c3: {  	s15 =	sadd.s32 $0x40, s15  }
.Ltmp0:
0x1c4: {  	s18 =	sadd.s32 $0xFFFFFFD0, s15;
	v10 =	vmul.f32 v6, v3;
	v8 =	vmul.f32 v8, v1;
	(pc) =	sbr.rel @p0 .LBB2_4-.Ltmp0, $3  }
0x1c5: {  	s20 =	sand.u32 $0x40, s18;
	v7 =	vadd.s32 s18, v2;
	v6 =	vadd.s32 s18, v4  }
0x1c6: {  	s20 =	sor.u32 s14, s20;
	v9 =	vmul.f32 v9, v5;
	v8 =	vadd.f32 v10, v8;
	_ =	sdelay $0x1  }
0x1c7: {  	s17 =	sadd.s32 $0x200, s17;
	v8 =	vadd.f32 v9, v8  }
0x1c8: {  	_ =	sdelay $0x2  }
0x1c9: {  	s16 =	sand.u32 $0xC00, s17;
	[tilespmem:s19+$0x10000] =	vst v8  }
0x1ca: {  	s17 =	sor.u32 s16, s20;
	v7 =	vld.idx.msk [tilespmem:v7+s4+$0x0], $0xffff  }
0x1cb: {  	v8 =	vld [tilespmem:s17+$0x8000];
	_ =	sdelay $0x1  }
0x1cc: {  	v6 =	vld.idx.msk [tilespmem:v6+s4+$0x0], $0xffff;
	_ =	sdelay $0x2  }
0x1cd: {  	v8 =	vmul.f32 v8, v1;
	v7 =	vmul.f32 v7, v3  }
0x1ce: {  	s18 =	sadd.s32 $0xFFFFFFE0, s15  }
0x1cf: {  	v57 =	vadd.s32 s18, v2;
	v6 =	vmul.f32 v6, v5;
	v7 =	vadd.f32 v7, v8;
	_ =	sdelay $0x1  }
0x1d0: {  	v6 =	vadd.f32 v6, v7  }
0x1d1: {  	s20 =	sand.u32 $0x50, s18;
	v58 =	vadd.s32 s18, v4  }
0x1d2: {  	s21 =	sor.u32 s14, s20;
	[tilespmem:s17+$0x10000] =	vst v6  }
0x1d3: {  	s17 =	sor.u32 s16, s21;
	v6 =	vld.idx.msk [tilespmem:v57+s4+$0x0], $0xffff  }
0x1d4: {  	v59 =	vld [tilespmem:s17+$0x8000];
	_ =	sdelay $0x1  }
0x1d5: {  	v7 =	vld.idx.msk [tilespmem:v58+s4+$0x0], $0xffff;
	_ =	sdelay $0x2  }
0x1d6: {  	v8 =	vmul.f32 v59, v1;
	v6 =	vmul.f32 v6, v3  }
0x1d7: {  	s19 =	sadd.s32 $0xFFFFFFF0, s15  }
0x1d8: {  	v60 =	vadd.s32 s19, v2;
	v7 =	vmul.f32 v7, v5;
	v6 =	vadd.f32 v6, v8;
	_ =	sdelay $0x1  }
0x1d9: {  	v6 =	vadd.f32 v7, v6  }
0x1da: {  	s20 =	sand.u32 $0x60, s19;
	v61 =	vadd.s32 s19, v4  }
0x1db: {  	s21 =	sor.u32 s14, s20;
	[tilespmem:s17+$0x10000] =	vst v6  }
0x1dc: {  	s19 =	sor.u32 s16, s21;
	v6 =	vld.idx.msk [tilespmem:v60+s4+$0x0], $0xffff  }
0x1dd: {  	v62 =	vld [tilespmem:s19+$0x8000];
	_ =	sdelay $0x1  }
0x1de: {  	v7 =	vld.idx.msk [tilespmem:v61+s4+$0x0], $0xffff;
	_ =	sdelay $0x2  }
0x1df: {  	v8 =	vmul.f32 v62, v1;
	v6 =	vmul.f32 v6, v3;
	_ =	sdelay $0x1  }
0x1e0: {  	v2 =	vadd.s32 s15, v2;
	v7 =	vmul.f32 v7, v5;
	v6 =	vadd.f32 v6, v8;
	_ =	sdelay $0x1  }
0x1e1: {  	v6 =	vadd.f32 v7, v6  }
0x1e2: {  	v63 =	vadd.s32 s15, v4;
	s20 =	sand.u32 $0x70, s15  }
0x1e3: {  	s21 =	sor.u32 s14, s20;
	[tilespmem:s19+$0x10000] =	vst v6  }
0x1e4: {  	s14 =	sor.u32 s16, s21;
	v2 =	vld.idx.msk [tilespmem:v2+s4+$0x0], $0xffff  }
0x1e5: {  	v6 =	vld [tilespmem:s14+$0x8000];
	_ =	sdelay $0x1  }
0x1e6: {  	v4 =	vld.idx.msk [tilespmem:v63+s4+$0x0], $0xffff;
	_ =	sdelay $0x2  }
0x1e7: {  	s13 =	sadd.s32 $0x1, s13;
	v1 =	vmul.f32 v6, v1;
	v2 =	vmul.f32 v2, v3  }
0x1e8: {  	p0 =	sne.s32 s13, $0x40  }
.Ltmp1:
0x1e9: {  	v1 =	vadd.f32 v2, v1;
	v2 =	vmul.f32 v4, v5;
	(pc) =	sbr.rel @p0 .LBB2_3-.Ltmp1, $3  }
0x1ea: {  	_ = 	snop  }
0x1eb: {  	v1 =	vadd.f32 v2, v1;
	_ =	sdelay $0x1  }
0x1ec: {  	[tilespmem:s14+$0x10000] =	vst v1  }
0x1ed: {  	s10 =	sadd.s32 $0x1, s10  }
0x1ee: {  	p0 =	sne.s32 s10, $0x10  }
.Ltmp2:
0x1ef: {  	s11 =	sadd.s32 s3, s11;
	(pc) =	sbr.rel @p0 .LBB2_2-.Ltmp2, $4  }
0x1f0: {  	[hbm4b:s11+s29] =	stream.strided.scatter [tilespmem:s2], [sflag:$0x1], $0x8000, s30, s29, $0x38;
	[tilespmem:$0x1A000] =	vst v63  }
0x1f1: {  	_ =	swait.ge [sflag:s28], $0x8000  }
0x1f2: {  	[sflag:s28] =	ssyncset.done $0x0  }
0x1f3: {  	[sflag:s28] =	ssyncadd.s32 $0xFFFF8000  }
0x1f4: {  	s9 =	sadd.s32 $0x1, s9;
	s10 =	rddreg [dreg:$0x15]  }
0x1f5: {  	p0 =	sne.s32 s9, s10  }
.Ltmp3:
0x1f6: {  	_ = 	snop;
	(pc) =	sbr.rel @p0 .LBB2_1-.Ltmp3, $1  }
0x1f7: {  	_ =	sdelay $0x3  }
0x1f8: {  	_ =	sfence.sel $0x180000  }
0x1f9: {  	[bflag:$0x0] =	sbarrier.arrive $0xFFFF  }
0x1fa: {  	_ =	strace $0x90000047  }
0x1fb: {  	s0 =	stileid.u32;
	[bflag:$0x2] =	sbarrier.arrive $0xFFFF  }
0x1fc: {  	p0 =	sne.s32 s0, $0x0;
	s0 =	rddreg [dreg:$0x4]  }
0x1fd: {  	s0 =	sadd.s32 @!p0 $0x100000, s0  }
0x1fe: {  	[sflag:s0] =	ssyncadd.tile.s32 @!p0 $0x1;
	_ =	shalt  }
.Lfunc_end2:
_tile_overlayer_lowered:
.L_overlay_start_2:
0x1ff: {  	(tag) =	ssettag $0x2  }
0x200: {  	s0 =	rddreg [dreg:$0x0];
	s2 =	stileid.u32  }
0x201: {  	s1 =	rddreg [dreg:$0x1];
	p0 =	sne.s32 s2, $0x0  }
0x202: {  	s3 =	rddreg [dreg:$0x2];
	[bflag:$0x3] =	sbarrier.arrive $0xFFFF;
	s2 =	simm.s32 @!p0 $0x1C01  }
0x203: {  	[timem:s3], [sflag:s2] =	dma.local @!p0 [hbm:s0], s1  }
0x204: {  	s0 =	simm.s32 @!p0 $0x1  }
0x205: {  	_ =	swait.ge @!p0 [sflag:s0], s1  }
0x206: {  	s1 =	ssub.s32 @!p0 $0x0, s1;
	[sflag:s0] =	ssyncset.done @!p0 $0x0  }
0x207: {  	[sflag:s0] =	ssyncadd.s32 @!p0 s1  }
0x208: {  	[bflag:$0x3] =	sbarrier.arrive $0xFFFF  }
0x209: {  	_ =	shalt  }

</sc_bundles>
